<compile_context>
chip_gen: v7x
topology: tpu7x:2x2x1
jax: 0.10.2.dev20260603
libtpu: 0.0.44.dev20260713+nightly
codegen_flags: <defaults>
</compile_context>

<pallas_src>
import functools

import jax
import jax.numpy as jnp
from jax import lax
from jax.experimental import pallas as pl
from jax.experimental.pallas import tpu as pltpu
from jax.experimental.pallas import tpu_sc as plsc

HID = 128
GAMMA = 12.0
ERANGE = (12.0 + 2.0) / HID
PI = 3.141592653589793
PHASE_SCALE = PI / ERANGE

NC = 2
NS = 16
NW = NC * NS
LANES = 16
NBLK = 4


_COS_C = (9.9999999988e-01, -4.9999999850e-01, 4.1666663478e-02,
          -1.3888862974e-03, 2.4800551329e-05, -2.7534767425e-07,
          2.0603329868e-09, -9.7217335580e-12)
_SIN_C = (9.9999999999e-01, -1.6666666658e-01, 8.3333331432e-03,
          -1.9841254393e-04, 2.7556701964e-06, -2.5038681784e-08,
          1.5896473967e-10, -6.6101222328e-13)


def _trig_body(rel_ref, trig_ref):
    phase = rel_ref[...] * jnp.float32(PHASE_SCALE)
    t = phase * phase
    c = jnp.float32(_COS_C[-1])
    s = jnp.float32(_SIN_C[-1])
    for cc, sc in zip(_COS_C[-2::-1], _SIN_C[-2::-1]):
        c = c * t + jnp.float32(cc)
        s = s * t + jnp.float32(sc)
    trig_ref[:, :HID] = c
    trig_ref[:, HID:] = phase * s


def _trig_table(rel_emb):
    n, h = rel_emb.shape
    return pl.pallas_call(
        _trig_body,
        out_shape=jax.ShapeDtypeStruct((n, 2 * h), jnp.float32),
    )(rel_emb)


def _score_block(h_v, t_v, c_v, ts_v, out_v, blk, bs):
    lane16 = lax.broadcasted_iota(jnp.int32, (LANES,), 0) * jnp.int32(LANES)

    def group_step(g, carry):
        def sample_step(k, carry2):
            i = g * LANES + k
            chunks = []
            for j in range(HID // LANES):
                sl = pl.ds(j * LANES, LANES)
                sl2 = pl.ds(HID + j * LANES, LANES)
                rh = h_v[i, sl]
                ih = h_v[i, sl2]
                rt = t_v[i, sl]
                it = t_v[i, sl2]
                c = c_v[i, sl]
                s = c_v[i, sl2]
                re = rh * c - ih * s - rt
                im = rh * s + ih * c - it
                x = re * re + (im * im + jnp.float32(1e-30))
                yi = jnp.int32(0x5F1FFFF9) - lax.shift_right_logical(
                    plsc.bitcast(x, jnp.int32), jnp.int32(1))
                y = plsc.bitcast(yi, jnp.float32)
                t = x * y
                chunks.append(t * (jnp.float32(2.38924456) - t * y))
            while len(chunks) > 1:
                chunks = [a + b for a, b in zip(chunks[::2], chunks[1::2])]
            plsc.store_scatter(ts_v, [lane16 + k], chunks[0])
            return carry2

        lax.fori_loop(0, LANES, sample_step, 0)
        rows = [ts_v[pl.ds(r * LANES, LANES)] for r in range(LANES)]
        while len(rows) > 1:
            rows = [a + b for a, b in zip(rows[::2], rows[1::2])]
        out_v[pl.ds(blk * bs + g * LANES, LANES)] = (
            jnp.float32(GAMMA) - jnp.float32(0.703952253) * rows[0])
        return carry

    lax.fori_loop(0, bs // LANES, group_step, 0)


def _sc_body(bpw, ent_hbm, trig_hbm, idxh_hbm, idxr_hbm, idxt_hbm,
             out_hbm, idxh_v, idxr_v, idxt_v,
             h0_v, h1_v, t0_v, t1_v, c0_v, c1_v, ts_v, out_v,
             sem0, sem1, semi):
    bs = bpw // NBLK
    wid = lax.axis_index("s") * NC + lax.axis_index("c")
    base = wid * bpw
    ci = pltpu.async_copy(idxh_hbm.at[pl.ds(base, bpw)], idxh_v, semi)
    cr = pltpu.async_copy(idxr_hbm.at[pl.ds(base, bpw)], idxr_v, semi)
    ct = pltpu.async_copy(idxt_hbm.at[pl.ds(base, bpw)], idxt_v, semi)
    ci.wait()
    cr.wait()
    ct.wait()

    hb = [h0_v, h1_v]
    tb = [t0_v, t1_v]
    cb = [c0_v, c1_v]
    sems = [sem0, sem1]

    def fire(blk):
        b = blk % 2
        s = pl.ds(blk * bs, bs)
        return (
            pltpu.async_copy(ent_hbm.at[idxh_v.at[s]], hb[b], sems[b]),
            pltpu.async_copy(ent_hbm.at[idxt_v.at[s]], tb[b], sems[b]),
            pltpu.async_copy(trig_hbm.at[idxr_v.at[s]], cb[b], sems[b]),
        )

    inflight = fire(0)
    for blk in range(NBLK):
        cur = inflight
        if blk + 1 < NBLK:
            inflight = fire(blk + 1)
        for c in cur:
            c.wait()
        b = blk % 2
        _score_block(hb[b], tb[b], cb[b], ts_v, out_v, blk, bs)

    pltpu.sync_copy(out_v, out_hbm.at[pl.ds(base, bpw)])


def _sc_score(ent_emb, trig_t, idx_h, idx_r, idx_t):
    batch = idx_h.shape[0]
    assert batch % (8 * NW) == 0
    bpw = batch // NW
    bs = bpw // NBLK
    dent = ent_emb.shape[1]
    mesh = plsc.VectorSubcoreMesh(core_axis_name="c", subcore_axis_name="s")
    kfn = functools.partial(
        pl.kernel,
        mesh=mesh,
        compiler_params=pltpu.CompilerParams(needs_layout_passes=False),
        out_type=jax.ShapeDtypeStruct((batch,), jnp.float32),
        scratch_types=[
            pltpu.VMEM((bpw,), jnp.int32),
            pltpu.VMEM((bpw,), jnp.int32),
            pltpu.VMEM((bpw,), jnp.int32),
            pltpu.VMEM((bs, dent), jnp.float32),
            pltpu.VMEM((bs, dent), jnp.float32),
            pltpu.VMEM((bs, dent), jnp.float32),
            pltpu.VMEM((bs, dent), jnp.float32),
            pltpu.VMEM((bs, 2 * HID), jnp.float32),
            pltpu.VMEM((bs, 2 * HID), jnp.float32),
            pltpu.VMEM((LANES * LANES,), jnp.float32),
            pltpu.VMEM((bpw,), jnp.float32),
            pltpu.SemaphoreType.DMA,
            pltpu.SemaphoreType.DMA,
            pltpu.SemaphoreType.DMA,
        ],
    )(functools.partial(_sc_body, bpw))
    return kfn(ent_emb, trig_t, idx_h, idx_r, idx_t)


def kernel(sample, ent_emb, rel_emb):
    trig_t = _trig_table(rel_emb)
    idx = sample.astype(jnp.int32)
    score = _sc_score(ent_emb, trig_t, idx[:, 0], idx[:, 1], idx[:, 2])
    return score[:, None]

# --- scband reference (transcript-rebuilt; emitter-appended) ---
"""Pipeline reference for scband-r-trans-up-5592047420006 (READ-ONLY COPY).

The authoritative reference and input builder live on the scoring server;
editing this copy changes nothing except your own understanding.
"""

import jax, jax.numpy as jnp
import numpy as np

NUSER = 100000
NRATING = 5
NITEM = 100000
NREL = 1000
NENT = 100000
HID = 128
GAMMA = 12.0
EPS = 2.0
ERANGE = (GAMMA + EPS) / HID  # embedding_range
BATCH = 4096


def setup_inputs(seed: int = 0) -> dict:
    key = jax.random.key(seed)
    k1, k2, k3 = jax.random.split(key, 3)
    # sample[:,0] and sample[:,2] index entity table (nentity rows);
    # sample[:,1] indexes relation table (nrelation rows). fill_max=1000 keeps all in range.
    sample = jax.random.randint(k1, (BATCH, 3), 0, 1000)
    # learned parameters sized per init_kwargs (only embeddings[3] and embeddings[4]
    # are used in the is_rec=False, mode='single' forward path)
    ent_emb = jax.random.uniform(k2, (NENT, 2 * HID), minval=-ERANGE, maxval=ERANGE, dtype=jnp.float32)
    rel_emb = jax.random.uniform(k3, (NREL, HID), minval=-ERANGE, maxval=ERANGE, dtype=jnp.float32)
    return {"sample": sample, "ent_emb": ent_emb, "rel_emb": rel_emb}


def reference(sample, ent_emb, rel_emb):
    # is_rec=False, mode='single' path of rTransUP.forward -> rotate()
    head = jnp.take(ent_emb, sample[:, 0], axis=0)[:, None, :]      # [B,1,2H]
    relation = jnp.take(rel_emb, sample[:, 1], axis=0)[:, None, :]  # [B,1,H]
    tail = jnp.take(ent_emb, sample[:, 2], axis=0)[:, None, :]      # [B,1,2H]

    pi = 3.141592653589793
    re_head, im_head = jnp.split(head, 2, axis=2)
    re_tail, im_tail = jnp.split(tail, 2, axis=2)

    phase_relation = relation / (ERANGE / pi)
    re_relation = jnp.cos(phase_relation)
    im_relation = jnp.sin(phase_relation)

    # mode == 'single' -> else branch
    re_score = re_head * re_relation - im_head * im_relation
    im_score = re_head * im_relation + im_head * re_relation
    re_score = re_score - re_tail
    im_score = im_score - im_tail

    score = jnp.stack([re_score, im_score], axis=0)
    score = jnp.linalg.norm(score, axis=0)  # L2 over stacked dim -> sqrt(re^2+im^2)
    score = GAMMA - score.sum(axis=2)       # [B,1]
    return score

if __name__ == "__main__":
    import jax
    _d = setup_inputs()
    print(jax.jit(kernel)(*tuple(_d.values())))

</pallas_src>

<mosaic_0001>
#map = affine_map<(d0, d1) -> (0, 0)>
#map1 = affine_map<(d0, d1) -> (0)>
module attributes {stable_mosaic.version = 14 : i64} {
  func.func @_sc_body(%arg0: i32, %arg1: i32, %arg2: memref<100000x256xf32, #tpu.memory_space<hbm>>, %arg3: memref<1000x256xf32, #tpu.memory_space<hbm>>, %arg4: memref<4096xi32, #tpu.memory_space<hbm>>, %arg5: memref<4096xi32, #tpu.memory_space<hbm>>, %arg6: memref<4096xi32, #tpu.memory_space<hbm>>, %arg7: memref<4096xf32, #tpu.memory_space<hbm>>, %arg8: memref<128xi32, #tpu.memory_space<vmem>>, %arg9: memref<128xi32, #tpu.memory_space<vmem>>, %arg10: memref<128xi32, #tpu.memory_space<vmem>>, %arg11: memref<32x256xf32, #tpu.memory_space<vmem>>, %arg12: memref<32x256xf32, #tpu.memory_space<vmem>>, %arg13: memref<32x256xf32, #tpu.memory_space<vmem>>, %arg14: memref<32x256xf32, #tpu.memory_space<vmem>>, %arg15: memref<32x256xf32, #tpu.memory_space<vmem>>, %arg16: memref<32x256xf32, #tpu.memory_space<vmem>>, %arg17: memref<256xf32, #tpu.memory_space<vmem>>, %arg18: memref<128xf32, #tpu.memory_space<vmem>>, %arg19: memref<!tpu.dma_semaphore, #tpu.memory_space<semaphore_mem>>, %arg20: memref<!tpu.dma_semaphore, #tpu.memory_space<semaphore_mem>>, %arg21: memref<!tpu.dma_semaphore, #tpu.memory_space<semaphore_mem>>) attributes {dimension_semantics = [#tpu.dimension_semantics<core_parallel>, #tpu.dimension_semantics<subcore_parallel>], iteration_bounds = array<i64: 2, 16>, scalar_prefetch = 0 : i64, scratch_operands = 14 : i64, tpu.core_type = #tpu.core_type<sc_vector_subcore>, window_params = [{transform_indices = #map}, {transform_indices = #map}, {transform_indices = #map1}, {transform_indices = #map1}, {transform_indices = #map1}, {transform_indices = #map1}]} {
    %mul3A = arith.constant 2 : i32
    %mul3A_0 = arith.muli %arg1, %mul3A : i32
    %add3A = arith.addi %mul3A_0, %arg0 : i32
    %mul3A_1 = arith.constant 128 : i32
    %mul3A_2 = arith.muli %add3A, %mul3A_1 : i32
    %dma_start3A = tpu.memref_slice %arg4[%mul3A_2] : memref<4096xi32, #tpu.memory_space<hbm>> -> memref<128xi32, #tpu.memory_space<hbm>>
    %dma_start3A_3 = tpu.memref_slice %arg4[%mul3A_2] : memref<4096xi32, #tpu.memory_space<hbm>> -> memref<128xi32, #tpu.memory_space<hbm>>
    tpu.enqueue_dma source(%dma_start3A_3 : memref<128xi32, #tpu.memory_space<hbm>>) target(%arg8 : memref<128xi32, #tpu.memory_space<vmem>>) target_semaphore(%arg21 : memref<!tpu.dma_semaphore, #tpu.memory_space<semaphore_mem>>)
    %dma_start3A_4 = tpu.memref_slice %arg5[%mul3A_2] : memref<4096xi32, #tpu.memory_space<hbm>> -> memref<128xi32, #tpu.memory_space<hbm>>
    %dma_start3A_5 = tpu.memref_slice %arg5[%mul3A_2] : memref<4096xi32, #tpu.memory_space<hbm>> -> memref<128xi32, #tpu.memory_space<hbm>>
    tpu.enqueue_dma source(%dma_start3A_5 : memref<128xi32, #tpu.memory_space<hbm>>) target(%arg9 : memref<128xi32, #tpu.memory_space<vmem>>) target_semaphore(%arg21 : memref<!tpu.dma_semaphore, #tpu.memory_space<semaphore_mem>>)
    %dma_start3A_6 = tpu.memref_slice %arg6[%mul3A_2] : memref<4096xi32, #tpu.memory_space<hbm>> -> memref<128xi32, #tpu.memory_space<hbm>>
    %dma_start3A_7 = tpu.memref_slice %arg6[%mul3A_2] : memref<4096xi32, #tpu.memory_space<hbm>> -> memref<128xi32, #tpu.memory_space<hbm>>
    tpu.enqueue_dma source(%dma_start3A_7 : memref<128xi32, #tpu.memory_space<hbm>>) target(%arg10 : memref<128xi32, #tpu.memory_space<vmem>>) target_semaphore(%arg21 : memref<!tpu.dma_semaphore, #tpu.memory_space<semaphore_mem>>)
    %dma_wait3A = tpu.memref_slice %arg4[%mul3A_2] : memref<4096xi32, #tpu.memory_space<hbm>> -> memref<128xi32, #tpu.memory_space<hbm>>
    %dma_wait3A_8 = tpu.memref_slice %arg4[%mul3A_2] : memref<4096xi32, #tpu.memory_space<hbm>> -> memref<128xi32, #tpu.memory_space<hbm>>
    tpu.wait_dma2 semaphore(%arg21 : memref<!tpu.dma_semaphore, #tpu.memory_space<semaphore_mem>>) src(%dma_wait3A_8 : memref<128xi32, #tpu.memory_space<hbm>>) dst(%arg8 : memref<128xi32, #tpu.memory_space<vmem>>)
    %dma_wait3A_9 = tpu.memref_slice %arg5[%mul3A_2] : memref<4096xi32, #tpu.memory_space<hbm>> -> memref<128xi32, #tpu.memory_space<hbm>>
    %dma_wait3A_10 = tpu.memref_slice %arg5[%mul3A_2] : memref<4096xi32, #tpu.memory_space<hbm>> -> memref<128xi32, #tpu.memory_space<hbm>>
    tpu.wait_dma2 semaphore(%arg21 : memref<!tpu.dma_semaphore, #tpu.memory_space<semaphore_mem>>) src(%dma_wait3A_10 : memref<128xi32, #tpu.memory_space<hbm>>) dst(%arg9 : memref<128xi32, #tpu.memory_space<vmem>>)
    %dma_wait3A_11 = tpu.memref_slice %arg6[%mul3A_2] : memref<4096xi32, #tpu.memory_space<hbm>> -> memref<128xi32, #tpu.memory_space<hbm>>
    %dma_wait3A_12 = tpu.memref_slice %arg6[%mul3A_2] : memref<4096xi32, #tpu.memory_space<hbm>> -> memref<128xi32, #tpu.memory_space<hbm>>
    tpu.wait_dma2 semaphore(%arg21 : memref<!tpu.dma_semaphore, #tpu.memory_space<semaphore_mem>>) src(%dma_wait3A_12 : memref<128xi32, #tpu.memory_space<hbm>>) dst(%arg10 : memref<128xi32, #tpu.memory_space<vmem>>)
    %dma_start3A_13 = arith.constant 0 : i32
    %dma_start3A_14 = tpu.memref_slice %arg8[%dma_start3A_13] : memref<128xi32, #tpu.memory_space<vmem>> -> memref<32xi32, #tpu.memory_space<vmem>>
    %dma_start3A_15 = arith.constant 0 : i32
    %dma_start3A_16 = arith.constant 0 : i32
    %dma_start3A_17 = tpu.memref_slice %arg2[%dma_start3A_15, %dma_start3A_16] : memref<100000x256xf32, #tpu.memory_space<hbm>> -> memref<100000x256xf32, #tpu.memory_space<hbm>>
    tpu.enqueue_indirect_dma source(%dma_start3A_17 : memref<100000x256xf32, #tpu.memory_space<hbm>>) target(%arg11 : memref<32x256xf32, #tpu.memory_space<vmem>>) offsets(%dma_start3A_14 : memref<32xi32, #tpu.memory_space<vmem>>) semaphore(%arg19 : memref<!tpu.dma_semaphore, #tpu.memory_space<semaphore_mem>>)
    %dma_start3A_18 = arith.constant 0 : i32
    %dma_start3A_19 = tpu.memref_slice %arg10[%dma_start3A_18] : memref<128xi32, #tpu.memory_space<vmem>> -> memref<32xi32, #tpu.memory_space<vmem>>
    %dma_start3A_20 = arith.constant 0 : i32
    %dma_start3A_21 = arith.constant 0 : i32
    %dma_start3A_22 = tpu.memref_slice %arg2[%dma_start3A_20, %dma_start3A_21] : memref<100000x256xf32, #tpu.memory_space<hbm>> -> memref<100000x256xf32, #tpu.memory_space<hbm>>
    tpu.enqueue_indirect_dma source(%dma_start3A_22 : memref<100000x256xf32, #tpu.memory_space<hbm>>) target(%arg13 : memref<32x256xf32, #tpu.memory_space<vmem>>) offsets(%dma_start3A_19 : memref<32xi32, #tpu.memory_space<vmem>>) semaphore(%arg19 : memref<!tpu.dma_semaphore, #tpu.memory_space<semaphore_mem>>)
    %dma_start3A_23 = arith.constant 0 : i32
    %dma_start3A_24 = tpu.memref_slice %arg9[%dma_start3A_23] : memref<128xi32, #tpu.memory_space<vmem>> -> memref<32xi32, #tpu.memory_space<vmem>>
    %dma_start3A_25 = arith.constant 0 : i32
    %dma_start3A_26 = arith.constant 0 : i32
    %dma_start3A_27 = tpu.memref_slice %arg3[%dma_start3A_25, %dma_start3A_26] : memref<1000x256xf32, #tpu.memory_space<hbm>> -> memref<1000x256xf32, #tpu.memory_space<hbm>>
    tpu.enqueue_indirect_dma source(%dma_start3A_27 : memref<1000x256xf32, #tpu.memory_space<hbm>>) target(%arg15 : memref<32x256xf32, #tpu.memory_space<vmem>>) offsets(%dma_start3A_24 : memref<32xi32, #tpu.memory_space<vmem>>) semaphore(%arg19 : memref<!tpu.dma_semaphore, #tpu.memory_space<semaphore_mem>>)
    %dma_start3A_28 = arith.constant 32 : i32
    %dma_start3A_29 = tpu.memref_slice %arg8[%dma_start3A_28] : memref<128xi32, #tpu.memory_space<vmem>> -> memref<32xi32, #tpu.memory_space<vmem>>
    %dma_start3A_30 = arith.constant 0 : i32
    %dma_start3A_31 = arith.constant 0 : i32
    %dma_start3A_32 = tpu.memref_slice %arg2[%dma_start3A_30, %dma_start3A_31] : memref<100000x256xf32, #tpu.memory_space<hbm>> -> memref<100000x256xf32, #tpu.memory_space<hbm>>
    tpu.enqueue_indirect_dma source(%dma_start3A_32 : memref<100000x256xf32, #tpu.memory_space<hbm>>) target(%arg12 : memref<32x256xf32, #tpu.memory_space<vmem>>) offsets(%dma_start3A_29 : memref<32xi32, #tpu.memory_space<vmem>>) semaphore(%arg20 : memref<!tpu.dma_semaphore, #tpu.memory_space<semaphore_mem>>)
    %dma_start3A_33 = arith.constant 32 : i32
    %dma_start3A_34 = tpu.memref_slice %arg10[%dma_start3A_33] : memref<128xi32, #tpu.memory_space<vmem>> -> memref<32xi32, #tpu.memory_space<vmem>>
    %dma_start3A_35 = arith.constant 0 : i32
    %dma_start3A_36 = arith.constant 0 : i32
    %dma_start3A_37 = tpu.memref_slice %arg2[%dma_start3A_35, %dma_start3A_36] : memref<100000x256xf32, #tpu.memory_space<hbm>> -> memref<100000x256xf32, #tpu.memory_space<hbm>>
    tpu.enqueue_indirect_dma source(%dma_start3A_37 : memref<100000x256xf32, #tpu.memory_space<hbm>>) target(%arg14 : memref<32x256xf32, #tpu.memory_space<vmem>>) offsets(%dma_start3A_34 : memref<32xi32, #tpu.memory_space<vmem>>) semaphore(%arg20 : memref<!tpu.dma_semaphore, #tpu.memory_space<semaphore_mem>>)
    %dma_start3A_38 = arith.constant 32 : i32
    %dma_start3A_39 = tpu.memref_slice %arg9[%dma_start3A_38] : memref<128xi32, #tpu.memory_space<vmem>> -> memref<32xi32, #tpu.memory_space<vmem>>
    %dma_start3A_40 = arith.constant 0 : i32
    %dma_start3A_41 = arith.constant 0 : i32
    %dma_start3A_42 = tpu.memref_slice %arg3[%dma_start3A_40, %dma_start3A_41] : memref<1000x256xf32, #tpu.memory_space<hbm>> -> memref<1000x256xf32, #tpu.memory_space<hbm>>
    tpu.enqueue_indirect_dma source(%dma_start3A_42 : memref<1000x256xf32, #tpu.memory_space<hbm>>) target(%arg16 : memref<32x256xf32, #tpu.memory_space<vmem>>) offsets(%dma_start3A_39 : memref<32xi32, #tpu.memory_space<vmem>>) semaphore(%arg20 : memref<!tpu.dma_semaphore, #tpu.memory_space<semaphore_mem>>)
    %dma_wait3A_43 = arith.constant 0 : i32
    %dma_wait3A_44 = tpu.memref_slice %arg8[%dma_wait3A_43] : memref<128xi32, #tpu.memory_space<vmem>> -> memref<32xi32, #tpu.memory_space<vmem>>
    %dma_wait3A_45 = arith.constant 0 : i32
    %dma_wait3A_46 = arith.constant 0 : i32
    %dma_wait3A_47 = tpu.memref_slice %arg2[%dma_wait3A_45, %dma_wait3A_46] : memref<100000x256xf32, #tpu.memory_space<hbm>> -> memref<100000x256xf32, #tpu.memory_space<hbm>>
    tpu.wait_indirect_dma semaphore(%arg19 : memref<!tpu.dma_semaphore, #tpu.memory_space<semaphore_mem>>) src(%dma_wait3A_47 : memref<100000x256xf32, #tpu.memory_space<hbm>>) dst(%arg11 : memref<32x256xf32, #tpu.memory_space<vmem>>)
    %dma_wait3A_48 = arith.constant 0 : i32
    %dma_wait3A_49 = tpu.memref_slice %arg10[%dma_wait3A_48] : memref<128xi32, #tpu.memory_space<vmem>> -> memref<32xi32, #tpu.memory_space<vmem>>
    %dma_wait3A_50 = arith.constant 0 : i32
    %dma_wait3A_51 = arith.constant 0 : i32
    %dma_wait3A_52 = tpu.memref_slice %arg2[%dma_wait3A_50, %dma_wait3A_51] : memref<100000x256xf32, #tpu.memory_space<hbm>> -> memref<100000x256xf32, #tpu.memory_space<hbm>>
    tpu.wait_indirect_dma semaphore(%arg19 : memref<!tpu.dma_semaphore, #tpu.memory_space<semaphore_mem>>) src(%dma_wait3A_52 : memref<100000x256xf32, #tpu.memory_space<hbm>>) dst(%arg13 : memref<32x256xf32, #tpu.memory_space<vmem>>)
    %dma_wait3A_53 = arith.constant 0 : i32
    %dma_wait3A_54 = tpu.memref_slice %arg9[%dma_wait3A_53] : memref<128xi32, #tpu.memory_space<vmem>> -> memref<32xi32, #tpu.memory_space<vmem>>
    %dma_wait3A_55 = arith.constant 0 : i32
    %dma_wait3A_56 = arith.constant 0 : i32
    %dma_wait3A_57 = tpu.memref_slice %arg3[%dma_wait3A_55, %dma_wait3A_56] : memref<1000x256xf32, #tpu.memory_space<hbm>> -> memref<1000x256xf32, #tpu.memory_space<hbm>>
    tpu.wait_indirect_dma semaphore(%arg19 : memref<!tpu.dma_semaphore, #tpu.memory_space<semaphore_mem>>) src(%dma_wait3A_57 : memref<1000x256xf32, #tpu.memory_space<hbm>>) dst(%arg15 : memref<32x256xf32, #tpu.memory_space<vmem>>)
    %iota3A = tpu.iota {dimensions = array<i32: 0>} : vector<16xi32>
    %mul3A_58 = arith.constant 16 : i32
    %mul3A_59 = vector.broadcast %mul3A_58 : i32 to vector<16xi32>
    %mul3A_60 = arith.muli %iota3A, %mul3A_59 : vector<16xi32>
    %scan3A = arith.constant 0 : i32
    %scan3A_61 = arith.constant 0 : i32
    %scan3A_62 = arith.constant 2 : i32
    %scan3A_63 = arith.addi %scan3A_61, %scan3A_62 : i32
    %scan3A_64 = arith.constant 1 : i32
    scf.for %scan3A_171 = %scan3A_61 to %scan3A_63 step %scan3A_64  : i32 {
      %scan3A_172 = arith.constant 0 : i32
      %scan3A_173 = arith.constant 0 : i32
      %scan3A_174 = arith.constant 16 : i32
      %scan3A_175 = arith.addi %scan3A_173, %scan3A_174 : i32
      %scan3A_176 = arith.constant 1 : i32
      scf.for %scan3A_234 = %scan3A_173 to %scan3A_175 step %scan3A_176  : i32 {
        %mul3A_235 = arith.constant 16 : i32
        %mul3A_236 = arith.muli %scan3A_171, %mul3A_235 : i32
        %add3A_237 = arith.addi %mul3A_236, %scan3A_234 : i32
        %get3A_238 = arith.index_cast %add3A_237 : i32 to index
        %get3A_239 = arith.constant 0 : index
        %get3A_240 = tpu.vector_load %arg11[%get3A_238, %get3A_239] {strides = array<i32>} : memref<32x256xf32, #tpu.memory_space<vmem>>, vector<16xf32>,
        %get3A_241 = arith.index_cast %add3A_237 : i32 to index
        %get3A_242 = arith.constant 128 : index
        %get3A_243 = tpu.vector_load %arg11[%get3A_241, %get3A_242] {strides = array<i32>} : memref<32x256xf32, #tpu.memory_space<vmem>>, vector<16xf32>,
        %get3A_244 = arith.index_cast %add3A_237 : i32 to index
        %get3A_245 = arith.constant 0 : index
        %get3A_246 = tpu.vector_load %arg13[%get3A_244, %get3A_245] {strides = array<i32>} : memref<32x256xf32, #tpu.memory_space<vmem>>, vector<16xf32>,
        %get3A_247 = arith.index_cast %add3A_237 : i32 to index
        %get3A_248 = arith.constant 128 : index
        %get3A_249 = tpu.vector_load %arg13[%get3A_247, %get3A_248] {strides = array<i32>} : memref<32x256xf32, #tpu.memory_space<vmem>>, vector<16xf32>,
        %get3A_250 = arith.index_cast %add3A_237 : i32 to index
        %get3A_251 = arith.constant 0 : index
        %get3A_252 = tpu.vector_load %arg15[%get3A_250, %get3A_251] {strides = array<i32>} : memref<32x256xf32, #tpu.memory_space<vmem>>, vector<16xf32>,
        %get3A_253 = arith.index_cast %add3A_237 : i32 to index
        %get3A_254 = arith.constant 128 : index
        %get3A_255 = tpu.vector_load %arg15[%get3A_253, %get3A_254] {strides = array<i32>} : memref<32x256xf32, #tpu.memory_space<vmem>>, vector<16xf32>,
        %mul3A_256 = arith.mulf %get3A_240, %get3A_252 : vector<16xf32>
        %mul3A_257 = arith.mulf %get3A_243, %get3A_255 : vector<16xf32>
        %sub3A_258 = arith.subf %mul3A_256, %mul3A_257 : vector<16xf32>
        %sub3A_259 = arith.subf %sub3A_258, %get3A_246 : vector<16xf32>
        %mul3A_260 = arith.mulf %get3A_240, %get3A_255 : vector<16xf32>
        %mul3A_261 = arith.mulf %get3A_243, %get3A_252 : vector<16xf32>
        %add3A_262 = arith.addf %mul3A_260, %mul3A_261 : vector<16xf32>
        %sub3A_263 = arith.subf %add3A_262, %get3A_249 : vector<16xf32>
        %mul3A_264 = arith.mulf %sub3A_259, %sub3A_259 : vector<16xf32>
        %mul3A_265 = arith.mulf %sub3A_263, %sub3A_263 : vector<16xf32>
        %add3A_266 = arith.constant 1.000000e-30 : f32
        %add3A_267 = vector.broadcast %add3A_266 : f32 to vector<16xf32>
        %add3A_268 = arith.addf %mul3A_265, %add3A_267 : vector<16xf32>
        %add3A_269 = arith.addf %mul3A_264, %add3A_268 : vector<16xf32>
        %bitcast3A = vector.bitcast %add3A_269 : vector<16xf32> to vector<16xi32>
        %shift_right_logical3A = arith.constant 1 : i32
        %shift_right_logical3A_270 = vector.broadcast %shift_right_logical3A : i32 to vector<16xi32>
        %shift_right_logical3A_271 = arith.shrui %bitcast3A, %shift_right_logical3A_270 : vector<16xi32>
        %sub3A_272 = arith.constant 1595932665 : i32
        %sub3A_273 = vector.broadcast %sub3A_272 : i32 to vector<16xi32>
        %sub3A_274 = arith.subi %sub3A_273, %shift_right_logical3A_271 : vector<16xi32>
        %bitcast3A_275 = vector.bitcast %sub3A_274 : vector<16xi32> to vector<16xf32>
        %mul3A_276 = arith.mulf %add3A_269, %bitcast3A_275 : vector<16xf32>
        %mul3A_277 = arith.mulf %mul3A_276, %bitcast3A_275 : vector<16xf32>
        %sub3A_278 = arith.constant 2.38924456 : f32
        %sub3A_279 = vector.broadcast %sub3A_278 : f32 to vector<16xf32>
        %sub3A_280 = arith.subf %sub3A_279, %mul3A_277 : vector<16xf32>
        %mul3A_281 = arith.mulf %mul3A_276, %sub3A_280 : vector<16xf32>
        %get3A_282 = arith.index_cast %add3A_237 : i32 to index
        %get3A_283 = arith.constant 16 : index
        %get3A_284 = tpu.vector_load %arg11[%get3A_282, %get3A_283] {strides = array<i32>} : memref<32x256xf32, #tpu.memory_space<vmem>>, vector<16xf32>,
        %get3A_285 = arith.index_cast %add3A_237 : i32 to index
        %get3A_286 = arith.constant 144 : index
        %get3A_287 = tpu.vector_load %arg11[%get3A_285, %get3A_286] {strides = array<i32>} : memref<32x256xf32, #tpu.memory_space<vmem>>, vector<16xf32>,
        %get3A_288 = arith.index_cast %add3A_237 : i32 to index
        %get3A_289 = arith.constant 16 : index
        %get3A_290 = tpu.vector_load %arg13[%get3A_288, %get3A_289] {strides = array<i32>} : memref<32x256xf32, #tpu.memory_space<vmem>>, vector<16xf32>,
        %get3A_291 = arith.index_cast %add3A_237 : i32 to index
        %get3A_292 = arith.constant 144 : index
        %get3A_293 = tpu.vector_load %arg13[%get3A_291, %get3A_292] {strides = array<i32>} : memref<32x256xf32, #tpu.memory_space<vmem>>, vector<16xf32>,
        %get3A_294 = arith.index_cast %add3A_237 : i32 to index
        %get3A_295 = arith.constant 16 : index
        %get3A_296 = tpu.vector_load %arg15[%get3A_294, %get3A_295] {strides = array<i32>} : memref<32x256xf32, #tpu.memory_space<vmem>>, vector<16xf32>,
        %get3A_297 = arith.index_cast %add3A_237 : i32 to index
        %get3A_298 = arith.constant 144 : index
        %get3A_299 = tpu.vector_load %arg15[%get3A_297, %get3A_298] {strides = array<i32>} : memref<32x256xf32, #tpu.memory_space<vmem>>, vector<16xf32>,
        %mul3A_300 = arith.mulf %get3A_284, %get3A_296 : vector<16xf32>
        %mul3A_301 = arith.mulf %get3A_287, %get3A_299 : vector<16xf32>
        %sub3A_302 = arith.subf %mul3A_300, %mul3A_301 : vector<16xf32>
        %sub3A_303 = arith.subf %sub3A_302, %get3A_290 : vector<16xf32>
        %mul3A_304 = arith.mulf %get3A_284, %get3A_299 : vector<16xf32>
        %mul3A_305 = arith.mulf %get3A_287, %get3A_296 : vector<16xf32>
        %add3A_306 = arith.addf %mul3A_304, %mul3A_305 : vector<16xf32>
        %sub3A_307 = arith.subf %add3A_306, %get3A_293 : vector<16xf32>
        %mul3A_308 = arith.mulf %sub3A_303, %sub3A_303 : vector<16xf32>
        %mul3A_309 = arith.mulf %sub3A_307, %sub3A_307 : vector<16xf32>
        %add3A_310 = arith.constant 1.000000e-30 : f32
        %add3A_311 = vector.broadcast %add3A_310 : f32 to vector<16xf32>
        %add3A_312 = arith.addf %mul3A_309, %add3A_311 : vector<16xf32>
        %add3A_313 = arith.addf %mul3A_308, %add3A_312 : vector<16xf32>
        %bitcast3A_314 = vector.bitcast %add3A_313 : vector<16xf32> to vector<16xi32>
        %shift_right_logical3A_315 = arith.constant 1 : i32
        %shift_right_logical3A_316 = vector.broadcast %shift_right_logical3A_315 : i32 to vector<16xi32>
        %shift_right_logical3A_317 = arith.shrui %bitcast3A_314, %shift_right_logical3A_316 : vector<16xi32>
        %sub3A_318 = arith.constant 1595932665 : i32
        %sub3A_319 = vector.broadcast %sub3A_318 : i32 to vector<16xi32>
        %sub3A_320 = arith.subi %sub3A_319, %shift_right_logical3A_317 : vector<16xi32>
        %bitcast3A_321 = vector.bitcast %sub3A_320 : vector<16xi32> to vector<16xf32>
        %mul3A_322 = arith.mulf %add3A_313, %bitcast3A_321 : vector<16xf32>
        %mul3A_323 = arith.mulf %mul3A_322, %bitcast3A_321 : vector<16xf32>
        %sub3A_324 = arith.constant 2.38924456 : f32
        %sub3A_325 = vector.broadcast %sub3A_324 : f32 to vector<16xf32>
        %sub3A_326 = arith.subf %sub3A_325, %mul3A_323 : vector<16xf32>
        %mul3A_327 = arith.mulf %mul3A_322, %sub3A_326 : vector<16xf32>
        %get3A_328 = arith.index_cast %add3A_237 : i32 to index
        %get3A_329 = arith.constant 32 : index
        %get3A_330 = tpu.vector_load %arg11[%get3A_328, %get3A_329] {strides = array<i32>} : memref<32x256xf32, #tpu.memory_space<vmem>>, vector<16xf32>,
        %get3A_331 = arith.index_cast %add3A_237 : i32 to index
        %get3A_332 = arith.constant 160 : index
        %get3A_333 = tpu.vector_load %arg11[%get3A_331, %get3A_332] {strides = array<i32>} : memref<32x256xf32, #tpu.memory_space<vmem>>, vector<16xf32>,
        %get3A_334 = arith.index_cast %add3A_237 : i32 to index
        %get3A_335 = arith.constant 32 : index
        %get3A_336 = tpu.vector_load %arg13[%get3A_334, %get3A_335] {strides = array<i32>} : memref<32x256xf32, #tpu.memory_space<vmem>>, vector<16xf32>,
        %get3A_337 = arith.index_cast %add3A_237 : i32 to index
        %get3A_338 = arith.constant 160 : index
        %get3A_339 = tpu.vector_load %arg13[%get3A_337, %get3A_338] {strides = array<i32>} : memref<32x256xf32, #tpu.memory_space<vmem>>, vector<16xf32>,
        %get3A_340 = arith.index_cast %add3A_237 : i32 to index
        %get3A_341 = arith.constant 32 : index
        %get3A_342 = tpu.vector_load %arg15[%get3A_340, %get3A_341] {strides = array<i32>} : memref<32x256xf32, #tpu.memory_space<vmem>>, vector<16xf32>,
        %get3A_343 = arith.index_cast %add3A_237 : i32 to index
        %get3A_344 = arith.constant 160 : index
        %get3A_345 = tpu.vector_load %arg15[%get3A_343, %get3A_344] {strides = array<i32>} : memref<32x256xf32, #tpu.memory_space<vmem>>, vector<16xf32>,
        %mul3A_346 = arith.mulf %get3A_330, %get3A_342 : vector<16xf32>
        %mul3A_347 = arith.mulf %get3A_333, %get3A_345 : vector<16xf32>
        %sub3A_348 = arith.subf %mul3A_346, %mul3A_347 : vector<16xf32>
        %sub3A_349 = arith.subf %sub3A_348, %get3A_336 : vector<16xf32>
        %mul3A_350 = arith.mulf %get3A_330, %get3A_345 : vector<16xf32>
        %mul3A_351 = arith.mulf %get3A_333, %get3A_342 : vector<16xf32>
        %add3A_352 = arith.addf %mul3A_350, %mul3A_351 : vector<16xf32>
        %sub3A_353 = arith.subf %add3A_352, %get3A_339 : vector<16xf32>
        %mul3A_354 = arith.mulf %sub3A_349, %sub3A_349 : vector<16xf32>
        %mul3A_355 = arith.mulf %sub3A_353, %sub3A_353 : vector<16xf32>
        %add3A_356 = arith.constant 1.000000e-30 : f32
        %add3A_357 = vector.broadcast %add3A_356 : f32 to vector<16xf32>
        %add3A_358 = arith.addf %mul3A_355, %add3A_357 : vector<16xf32>
        %add3A_359 = arith.addf %mul3A_354, %add3A_358 : vector<16xf32>
        %bitcast3A_360 = vector.bitcast %add3A_359 : vector<16xf32> to vector<16xi32>
        %shift_right_logical3A_361 = arith.constant 1 : i32
        %shift_right_logical3A_362 = vector.broadcast %shift_right_logical3A_361 : i32 to vector<16xi32>
        %shift_right_logical3A_363 = arith.shrui %bitcast3A_360, %shift_right_logical3A_362 : vector<16xi32>
        %sub3A_364 = arith.constant 1595932665 : i32
        %sub3A_365 = vector.broadcast %sub3A_364 : i32 to vector<16xi32>
        %sub3A_366 = arith.subi %sub3A_365, %shift_right_logical3A_363 : vector<16xi32>
        %bitcast3A_367 = vector.bitcast %sub3A_366 : vector<16xi32> to vector<16xf32>
        %mul3A_368 = arith.mulf %add3A_359, %bitcast3A_367 : vector<16xf32>
        %mul3A_369 = arith.mulf %mul3A_368, %bitcast3A_367 : vector<16xf32>
        %sub3A_370 = arith.constant 2.38924456 : f32
        %sub3A_371 = vector.broadcast %sub3A_370 : f32 to vector<16xf32>
        %sub3A_372 = arith.subf %sub3A_371, %mul3A_369 : vector<16xf32>
        %mul3A_373 = arith.mulf %mul3A_368, %sub3A_372 : vector<16xf32>
        %get3A_374 = arith.index_cast %add3A_237 : i32 to index
        %get3A_375 = arith.constant 48 : index
        %get3A_376 = tpu.vector_load %arg11[%get3A_374, %get3A_375] {strides = array<i32>} : memref<32x256xf32, #tpu.memory_space<vmem>>, vector<16xf32>,
        %get3A_377 = arith.index_cast %add3A_237 : i32 to index
        %get3A_378 = arith.constant 176 : index
        %get3A_379 = tpu.vector_load %arg11[%get3A_377, %get3A_378] {strides = array<i32>} : memref<32x256xf32, #tpu.memory_space<vmem>>, vector<16xf32>,
        %get3A_380 = arith.index_cast %add3A_237 : i32 to index
        %get3A_381 = arith.constant 48 : index
        %get3A_382 = tpu.vector_load %arg13[%get3A_380, %get3A_381] {strides = array<i32>} : memref<32x256xf32, #tpu.memory_space<vmem>>, vector<16xf32>,
        %get3A_383 = arith.index_cast %add3A_237 : i32 to index
        %get3A_384 = arith.constant 176 : index
        %get3A_385 = tpu.vector_load %arg13[%get3A_383, %get3A_384] {strides = array<i32>} : memref<32x256xf32, #tpu.memory_space<vmem>>, vector<16xf32>,
        %get3A_386 = arith.index_cast %add3A_237 : i32 to index
        %get3A_387 = arith.constant 48 : index
        %get3A_388 = tpu.vector_load %arg15[%get3A_386, %get3A_387] {strides = array<i32>} : memref<32x256xf32, #tpu.memory_space<vmem>>, vector<16xf32>,
        %get3A_389 = arith.index_cast %add3A_237 : i32 to index
        %get3A_390 = arith.constant 176 : index
        %get3A_391 = tpu.vector_load %arg15[%get3A_389, %get3A_390] {strides = array<i32>} : memref<32x256xf32, #tpu.memory_space<vmem>>, vector<16xf32>,
        %mul3A_392 = arith.mulf %get3A_376, %get3A_388 : vector<16xf32>
        %mul3A_393 = arith.mulf %get3A_379, %get3A_391 : vector<16xf32>
        %sub3A_394 = arith.subf %mul3A_392, %mul3A_393 : vector<16xf32>
        %sub3A_395 = arith.subf %sub3A_394, %get3A_382 : vector<16xf32>
        %mul3A_396 = arith.mulf %get3A_376, %get3A_391 : vector<16xf32>
        %mul3A_397 = arith.mulf %get3A_379, %get3A_388 : vector<16xf32>
        %add3A_398 = arith.addf %mul3A_396, %mul3A_397 : vector<16xf32>
        %sub3A_399 = arith.subf %add3A_398, %get3A_385 : vector<16xf32>
        %mul3A_400 = arith.mulf %sub3A_395, %sub3A_395 : vector<16xf32>
        %mul3A_401 = arith.mulf %sub3A_399, %sub3A_399 : vector<16xf32>
        %add3A_402 = arith.constant 1.000000e-30 : f32
        %add3A_403 = vector.broadcast %add3A_402 : f32 to vector<16xf32>
        %add3A_404 = arith.addf %mul3A_401, %add3A_403 : vector<16xf32>
        %add3A_405 = arith.addf %mul3A_400, %add3A_404 : vector<16xf32>
        %bitcast3A_406 = vector.bitcast %add3A_405 : vector<16xf32> to vector<16xi32>
        %shift_right_logical3A_407 = arith.constant 1 : i32
        %shift_right_logical3A_408 = vector.broadcast %shift_right_logical3A_407 : i32 to vector<16xi32>
        %shift_right_logical3A_409 = arith.shrui %bitcast3A_406, %shift_right_logical3A_408 : vector<16xi32>
        %sub3A_410 = arith.constant 1595932665 : i32
        %sub3A_411 = vector.broadcast %sub3A_410 : i32 to vector<16xi32>
        %sub3A_412 = arith.subi %sub3A_411, %shift_right_logical3A_409 : vector<16xi32>
        %bitcast3A_413 = vector.bitcast %sub3A_412 : vector<16xi32> to vector<16xf32>
        %mul3A_414 = arith.mulf %add3A_405, %bitcast3A_413 : vector<16xf32>
        %mul3A_415 = arith.mulf %mul3A_414, %bitcast3A_413 : vector<16xf32>
        %sub3A_416 = arith.constant 2.38924456 : f32
        %sub3A_417 = vector.broadcast %sub3A_416 : f32 to vector<16xf32>
        %sub3A_418 = arith.subf %sub3A_417, %mul3A_415 : vector<16xf32>
        %mul3A_419 = arith.mulf %mul3A_414, %sub3A_418 : vector<16xf32>
        %get3A_420 = arith.index_cast %add3A_237 : i32 to index
        %get3A_421 = arith.constant 64 : index
        %get3A_422 = tpu.vector_load %arg11[%get3A_420, %get3A_421] {strides = array<i32>} : memref<32x256xf32, #tpu.memory_space<vmem>>, vector<16xf32>,
        %get3A_423 = arith.index_cast %add3A_237 : i32 to index
        %get3A_424 = arith.constant 192 : index
        %get3A_425 = tpu.vector_load %arg11[%get3A_423, %get3A_424] {strides = array<i32>} : memref<32x256xf32, #tpu.memory_space<vmem>>, vector<16xf32>,
        %get3A_426 = arith.index_cast %add3A_237 : i32 to index
        %get3A_427 = arith.constant 64 : index
        %get3A_428 = tpu.vector_load %arg13[%get3A_426, %get3A_427] {strides = array<i32>} : memref<32x256xf32, #tpu.memory_space<vmem>>, vector<16xf32>,
        %get3A_429 = arith.index_cast %add3A_237 : i32 to index
        %get3A_430 = arith.constant 192 : index
        %get3A_431 = tpu.vector_load %arg13[%get3A_429, %get3A_430] {strides = array<i32>} : memref<32x256xf32, #tpu.memory_space<vmem>>, vector<16xf32>,
        %get3A_432 = arith.index_cast %add3A_237 : i32 to index
        %get3A_433 = arith.constant 64 : index
        %get3A_434 = tpu.vector_load %arg15[%get3A_432, %get3A_433] {strides = array<i32>} : memref<32x256xf32, #tpu.memory_space<vmem>>, vector<16xf32>,
        %get3A_435 = arith.index_cast %add3A_237 : i32 to index
        %get3A_436 = arith.constant 192 : index
        %get3A_437 = tpu.vector_load %arg15[%get3A_435, %get3A_436] {strides = array<i32>} : memref<32x256xf32, #tpu.memory_space<vmem>>, vector<16xf32>,
        %mul3A_438 = arith.mulf %get3A_422, %get3A_434 : vector<16xf32>
        %mul3A_439 = arith.mulf %get3A_425, %get3A_437 : vector<16xf32>
        %sub3A_440 = arith.subf %mul3A_438, %mul3A_439 : vector<16xf32>
        %sub3A_441 = arith.subf %sub3A_440, %get3A_428 : vector<16xf32>
        %mul3A_442 = arith.mulf %get3A_422, %get3A_437 : vector<16xf32>
        %mul3A_443 = arith.mulf %get3A_425, %get3A_434 : vector<16xf32>
        %add3A_444 = arith.addf %mul3A_442, %mul3A_443 : vector<16xf32>
        %sub3A_445 = arith.subf %add3A_444, %get3A_431 : vector<16xf32>
        %mul3A_446 = arith.mulf %sub3A_441, %sub3A_441 : vector<16xf32>
        %mul3A_447 = arith.mulf %sub3A_445, %sub3A_445 : vector<16xf32>
        %add3A_448 = arith.constant 1.000000e-30 : f32
        %add3A_449 = vector.broadcast %add3A_448 : f32 to vector<16xf32>
        %add3A_450 = arith.addf %mul3A_447, %add3A_449 : vector<16xf32>
        %add3A_451 = arith.addf %mul3A_446, %add3A_450 : vector<16xf32>
        %bitcast3A_452 = vector.bitcast %add3A_451 : vector<16xf32> to vector<16xi32>
        %shift_right_logical3A_453 = arith.constant 1 : i32
        %shift_right_logical3A_454 = vector.broadcast %shift_right_logical3A_453 : i32 to vector<16xi32>
        %shift_right_logical3A_455 = arith.shrui %bitcast3A_452, %shift_right_logical3A_454 : vector<16xi32>
        %sub3A_456 = arith.constant 1595932665 : i32
        %sub3A_457 = vector.broadcast %sub3A_456 : i32 to vector<16xi32>
        %sub3A_458 = arith.subi %sub3A_457, %shift_right_logical3A_455 : vector<16xi32>
        %bitcast3A_459 = vector.bitcast %sub3A_458 : vector<16xi32> to vector<16xf32>
        %mul3A_460 = arith.mulf %add3A_451, %bitcast3A_459 : vector<16xf32>
        %mul3A_461 = arith.mulf %mul3A_460, %bitcast3A_459 : vector<16xf32>
        %sub3A_462 = arith.constant 2.38924456 : f32
        %sub3A_463 = vector.broadcast %sub3A_462 : f32 to vector<16xf32>
        %sub3A_464 = arith.subf %sub3A_463, %mul3A_461 : vector<16xf32>
        %mul3A_465 = arith.mulf %mul3A_460, %sub3A_464 : vector<16xf32>
        %get3A_466 = arith.index_cast %add3A_237 : i32 to index
        %get3A_467 = arith.constant 80 : index
        %get3A_468 = tpu.vector_load %arg11[%get3A_466, %get3A_467] {strides = array<i32>} : memref<32x256xf32, #tpu.memory_space<vmem>>, vector<16xf32>,
        %get3A_469 = arith.index_cast %add3A_237 : i32 to index
        %get3A_470 = arith.constant 208 : index
        %get3A_471 = tpu.vector_load %arg11[%get3A_469, %get3A_470] {strides = array<i32>} : memref<32x256xf32, #tpu.memory_space<vmem>>, vector<16xf32>,
        %get3A_472 = arith.index_cast %add3A_237 : i32 to index
        %get3A_473 = arith.constant 80 : index
        %get3A_474 = tpu.vector_load %arg13[%get3A_472, %get3A_473] {strides = array<i32>} : memref<32x256xf32, #tpu.memory_space<vmem>>, vector<16xf32>,
        %get3A_475 = arith.index_cast %add3A_237 : i32 to index
        %get3A_476 = arith.constant 208 : index
        %get3A_477 = tpu.vector_load %arg13[%get3A_475, %get3A_476] {strides = array<i32>} : memref<32x256xf32, #tpu.memory_space<vmem>>, vector<16xf32>,
        %get3A_478 = arith.index_cast %add3A_237 : i32 to index
        %get3A_479 = arith.constant 80 : index
        %get3A_480 = tpu.vector_load %arg15[%get3A_478, %get3A_479] {strides = array<i32>} : memref<32x256xf32, #tpu.memory_space<vmem>>, vector<16xf32>,
        %get3A_481 = arith.index_cast %add3A_237 : i32 to index
        %get3A_482 = arith.constant 208 : index
        %get3A_483 = tpu.vector_load %arg15[%get3A_481, %get3A_482] {strides = array<i32>} : memref<32x256xf32, #tpu.memory_space<vmem>>, vector<16xf32>,
        %mul3A_484 = arith.mulf %get3A_468, %get3A_480 : vector<16xf32>
        %mul3A_485 = arith.mulf %get3A_471, %get3A_483 : vector<16xf32>
        %sub3A_486 = arith.subf %mul3A_484, %mul3A_485 : vector<16xf32>
        %sub3A_487 = arith.subf %sub3A_486, %get3A_474 : vector<16xf32>
        %mul3A_488 = arith.mulf %get3A_468, %get3A_483 : vector<16xf32>
        %mul3A_489 = arith.mulf %get3A_471, %get3A_480 : vector<16xf32>
        %add3A_490 = arith.addf %mul3A_488, %mul3A_489 : vector<16xf32>
        %sub3A_491 = arith.subf %add3A_490, %get3A_477 : vector<16xf32>
        %mul3A_492 = arith.mulf %sub3A_487, %sub3A_487 : vector<16xf32>
        %mul3A_493 = arith.mulf %sub3A_491, %sub3A_491 : vector<16xf32>
        %add3A_494 = arith.constant 1.000000e-30 : f32
        %add3A_495 = vector.broadcast %add3A_494 : f32 to vector<16xf32>
        %add3A_496 = arith.addf %mul3A_493, %add3A_495 : vector<16xf32>
        %add3A_497 = arith.addf %mul3A_492, %add3A_496 : vector<16xf32>
        %bitcast3A_498 = vector.bitcast %add3A_497 : vector<16xf32> to vector<16xi32>
        %shift_right_logical3A_499 = arith.constant 1 : i32
        %shift_right_logical3A_500 = vector.broadcast %shift_right_logical3A_499 : i32 to vector<16xi32>
        %shift_right_logical3A_501 = arith.shrui %bitcast3A_498, %shift_right_logical3A_500 : vector<16xi32>
        %sub3A_502 = arith.constant 1595932665 : i32
        %sub3A_503 = vector.broadcast %sub3A_502 : i32 to vector<16xi32>
        %sub3A_504 = arith.subi %sub3A_503, %shift_right_logical3A_501 : vector<16xi32>
        %bitcast3A_505 = vector.bitcast %sub3A_504 : vector<16xi32> to vector<16xf32>
        %mul3A_506 = arith.mulf %add3A_497, %bitcast3A_505 : vector<16xf32>
        %mul3A_507 = arith.mulf %mul3A_506, %bitcast3A_505 : vector<16xf32>
        %sub3A_508 = arith.constant 2.38924456 : f32
        %sub3A_509 = vector.broadcast %sub3A_508 : f32 to vector<16xf32>
        %sub3A_510 = arith.subf %sub3A_509, %mul3A_507 : vector<16xf32>
        %mul3A_511 = arith.mulf %mul3A_506, %sub3A_510 : vector<16xf32>
        %get3A_512 = arith.index_cast %add3A_237 : i32 to index
        %get3A_513 = arith.constant 96 : index
        %get3A_514 = tpu.vector_load %arg11[%get3A_512, %get3A_513] {strides = array<i32>} : memref<32x256xf32, #tpu.memory_space<vmem>>, vector<16xf32>,
        %get3A_515 = arith.index_cast %add3A_237 : i32 to index
        %get3A_516 = arith.constant 224 : index
        %get3A_517 = tpu.vector_load %arg11[%get3A_515, %get3A_516] {strides = array<i32>} : memref<32x256xf32, #tpu.memory_space<vmem>>, vector<16xf32>,
        %get3A_518 = arith.index_cast %add3A_237 : i32 to index
        %get3A_519 = arith.constant 96 : index
        %get3A_520 = tpu.vector_load %arg13[%get3A_518, %get3A_519] {strides = array<i32>} : memref<32x256xf32, #tpu.memory_space<vmem>>, vector<16xf32>,
        %get3A_521 = arith.index_cast %add3A_237 : i32 to index
        %get3A_522 = arith.constant 224 : index
        %get3A_523 = tpu.vector_load %arg13[%get3A_521, %get3A_522] {strides = array<i32>} : memref<32x256xf32, #tpu.memory_space<vmem>>, vector<16xf32>,
        %get3A_524 = arith.index_cast %add3A_237 : i32 to index
        %get3A_525 = arith.constant 96 : index
        %get3A_526 = tpu.vector_load %arg15[%get3A_524, %get3A_525] {strides = array<i32>} : memref<32x256xf32, #tpu.memory_space<vmem>>, vector<16xf32>,
        %get3A_527 = arith.index_cast %add3A_237 : i32 to index
        %get3A_528 = arith.constant 224 : index
        %get3A_529 = tpu.vector_load %arg15[%get3A_527, %get3A_528] {strides = array<i32>} : memref<32x256xf32, #tpu.memory_space<vmem>>, vector<16xf32>,
        %mul3A_530 = arith.mulf %get3A_514, %get3A_526 : vector<16xf32>
        %mul3A_531 = arith.mulf %get3A_517, %get3A_529 : vector<16xf32>
        %sub3A_532 = arith.subf %mul3A_530, %mul3A_531 : vector<16xf32>
        %sub3A_533 = arith.subf %sub3A_532, %get3A_520 : vector<16xf32>
        %mul3A_534 = arith.mulf %get3A_514, %get3A_529 : vector<16xf32>
        %mul3A_535 = arith.mulf %get3A_517, %get3A_526 : vector<16xf32>
        %add3A_536 = arith.addf %mul3A_534, %mul3A_535 : vector<16xf32>
        %sub3A_537 = arith.subf %add3A_536, %get3A_523 : vector<16xf32>
        %mul3A_538 = arith.mulf %sub3A_533, %sub3A_533 : vector<16xf32>
        %mul3A_539 = arith.mulf %sub3A_537, %sub3A_537 : vector<16xf32>
        %add3A_540 = arith.constant 1.000000e-30 : f32
        %add3A_541 = vector.broadcast %add3A_540 : f32 to vector<16xf32>
        %add3A_542 = arith.addf %mul3A_539, %add3A_541 : vector<16xf32>
        %add3A_543 = arith.addf %mul3A_538, %add3A_542 : vector<16xf32>
        %bitcast3A_544 = vector.bitcast %add3A_543 : vector<16xf32> to vector<16xi32>
        %shift_right_logical3A_545 = arith.constant 1 : i32
        %shift_right_logical3A_546 = vector.broadcast %shift_right_logical3A_545 : i32 to vector<16xi32>
        %shift_right_logical3A_547 = arith.shrui %bitcast3A_544, %shift_right_logical3A_546 : vector<16xi32>
        %sub3A_548 = arith.constant 1595932665 : i32
        %sub3A_549 = vector.broadcast %sub3A_548 : i32 to vector<16xi32>
        %sub3A_550 = arith.subi %sub3A_549, %shift_right_logical3A_547 : vector<16xi32>
        %bitcast3A_551 = vector.bitcast %sub3A_550 : vector<16xi32> to vector<16xf32>
        %mul3A_552 = arith.mulf %add3A_543, %bitcast3A_551 : vector<16xf32>
        %mul3A_553 = arith.mulf %mul3A_552, %bitcast3A_551 : vector<16xf32>
        %sub3A_554 = arith.constant 2.38924456 : f32
        %sub3A_555 = vector.broadcast %sub3A_554 : f32 to vector<16xf32>
        %sub3A_556 = arith.subf %sub3A_555, %mul3A_553 : vector<16xf32>
        %mul3A_557 = arith.mulf %mul3A_552, %sub3A_556 : vector<16xf32>
        %get3A_558 = arith.index_cast %add3A_237 : i32 to index
        %get3A_559 = arith.constant 112 : index
        %get3A_560 = tpu.vector_load %arg11[%get3A_558, %get3A_559] {strides = array<i32>} : memref<32x256xf32, #tpu.memory_space<vmem>>, vector<16xf32>,
        %get3A_561 = arith.index_cast %add3A_237 : i32 to index
        %get3A_562 = arith.constant 240 : index
        %get3A_563 = tpu.vector_load %arg11[%get3A_561, %get3A_562] {strides = array<i32>} : memref<32x256xf32, #tpu.memory_space<vmem>>, vector<16xf32>,
        %get3A_564 = arith.index_cast %add3A_237 : i32 to index
        %get3A_565 = arith.constant 112 : index
        %get3A_566 = tpu.vector_load %arg13[%get3A_564, %get3A_565] {strides = array<i32>} : memref<32x256xf32, #tpu.memory_space<vmem>>, vector<16xf32>,
        %get3A_567 = arith.index_cast %add3A_237 : i32 to index
        %get3A_568 = arith.constant 240 : index
        %get3A_569 = tpu.vector_load %arg13[%get3A_567, %get3A_568] {strides = array<i32>} : memref<32x256xf32, #tpu.memory_space<vmem>>, vector<16xf32>,
        %get3A_570 = arith.index_cast %add3A_237 : i32 to index
        %get3A_571 = arith.constant 112 : index
        %get3A_572 = tpu.vector_load %arg15[%get3A_570, %get3A_571] {strides = array<i32>} : memref<32x256xf32, #tpu.memory_space<vmem>>, vector<16xf32>,
        %get3A_573 = arith.index_cast %add3A_237 : i32 to index
        %get3A_574 = arith.constant 240 : index
        %get3A_575 = tpu.vector_load %arg15[%get3A_573, %get3A_574] {strides = array<i32>} : memref<32x256xf32, #tpu.memory_space<vmem>>, vector<16xf32>,
        %mul3A_576 = arith.mulf %get3A_560, %get3A_572 : vector<16xf32>
        %mul3A_577 = arith.mulf %get3A_563, %get3A_575 : vector<16xf32>
        %sub3A_578 = arith.subf %mul3A_576, %mul3A_577 : vector<16xf32>
        %sub3A_579 = arith.subf %sub3A_578, %get3A_566 : vector<16xf32>
        %mul3A_580 = arith.mulf %get3A_560, %get3A_575 : vector<16xf32>
        %mul3A_581 = arith.mulf %get3A_563, %get3A_572 : vector<16xf32>
        %add3A_582 = arith.addf %mul3A_580, %mul3A_581 : vector<16xf32>
        %sub3A_583 = arith.subf %add3A_582, %get3A_569 : vector<16xf32>
        %mul3A_584 = arith.mulf %sub3A_579, %sub3A_579 : vector<16xf32>
        %mul3A_585 = arith.mulf %sub3A_583, %sub3A_583 : vector<16xf32>
        %add3A_586 = arith.constant 1.000000e-30 : f32
        %add3A_587 = vector.broadcast %add3A_586 : f32 to vector<16xf32>
        %add3A_588 = arith.addf %mul3A_585, %add3A_587 : vector<16xf32>
        %add3A_589 = arith.addf %mul3A_584, %add3A_588 : vector<16xf32>
        %bitcast3A_590 = vector.bitcast %add3A_589 : vector<16xf32> to vector<16xi32>
        %shift_right_logical3A_591 = arith.constant 1 : i32
        %shift_right_logical3A_592 = vector.broadcast %shift_right_logical3A_591 : i32 to vector<16xi32>
        %shift_right_logical3A_593 = arith.shrui %bitcast3A_590, %shift_right_logical3A_592 : vector<16xi32>
        %sub3A_594 = arith.constant 1595932665 : i32
        %sub3A_595 = vector.broadcast %sub3A_594 : i32 to vector<16xi32>
        %sub3A_596 = arith.subi %sub3A_595, %shift_right_logical3A_593 : vector<16xi32>
        %bitcast3A_597 = vector.bitcast %sub3A_596 : vector<16xi32> to vector<16xf32>
        %mul3A_598 = arith.mulf %add3A_589, %bitcast3A_597 : vector<16xf32>
        %mul3A_599 = arith.mulf %mul3A_598, %bitcast3A_597 : vector<16xf32>
        %sub3A_600 = arith.constant 2.38924456 : f32
        %sub3A_601 = vector.broadcast %sub3A_600 : f32 to vector<16xf32>
        %sub3A_602 = arith.subf %sub3A_601, %mul3A_599 : vector<16xf32>
        %mul3A_603 = arith.mulf %mul3A_598, %sub3A_602 : vector<16xf32>
        %add3A_604 = arith.addf %mul3A_281, %mul3A_327 : vector<16xf32>
        %add3A_605 = arith.addf %mul3A_373, %mul3A_419 : vector<16xf32>
        %add3A_606 = arith.addf %mul3A_465, %mul3A_511 : vector<16xf32>
        %add3A_607 = arith.addf %mul3A_557, %mul3A_603 : vector<16xf32>
        %add3A_608 = arith.addf %add3A_604, %add3A_605 : vector<16xf32>
        %add3A_609 = arith.addf %add3A_606, %add3A_607 : vector<16xf32>
        %add3A_610 = arith.addf %add3A_608, %add3A_609 : vector<16xf32>
        %add3A_611 = vector.broadcast %scan3A_234 : i32 to vector<16xi32>
        %add3A_612 = arith.addi %mul3A_60, %add3A_611 : vector<16xi32>
        tpu.vector_store_idx %arg17[%add3A_612], %add3A_610 : memref<256xf32, #tpu.memory_space<vmem>>[vector<16xi32>], vector<16xf32>,
      }
      %scan3A_177 = arith.constant 16 : i32
      %get3A = arith.constant 0 : index
      %get3A_178 = tpu.vector_load %arg17[%get3A] {strides = array<i32>} : memref<256xf32, #tpu.memory_space<vmem>>, vector<16xf32>,
      %get3A_179 = arith.constant 16 : index
      %get3A_180 = tpu.vector_load %arg17[%get3A_179] {strides = array<i32>} : memref<256xf32, #tpu.memory_space<vmem>>, vector<16xf32>,
      %get3A_181 = arith.constant 32 : index
      %get3A_182 = tpu.vector_load %arg17[%get3A_181] {strides = array<i32>} : memref<256xf32, #tpu.memory_space<vmem>>, vector<16xf32>,
      %get3A_183 = arith.constant 48 : index
      %get3A_184 = tpu.vector_load %arg17[%get3A_183] {strides = array<i32>} : memref<256xf32, #tpu.memory_space<vmem>>, vector<16xf32>,
      %get3A_185 = arith.constant 64 : index
      %get3A_186 = tpu.vector_load %arg17[%get3A_185] {strides = array<i32>} : memref<256xf32, #tpu.memory_space<vmem>>, vector<16xf32>,
      %get3A_187 = arith.constant 80 : index
      %get3A_188 = tpu.vector_load %arg17[%get3A_187] {strides = array<i32>} : memref<256xf32, #tpu.memory_space<vmem>>, vector<16xf32>,
      %get3A_189 = arith.constant 96 : index
      %get3A_190 = tpu.vector_load %arg17[%get3A_189] {strides = array<i32>} : memref<256xf32, #tpu.memory_space<vmem>>, vector<16xf32>,
      %get3A_191 = arith.constant 112 : index
      %get3A_192 = tpu.vector_load %arg17[%get3A_191] {strides = array<i32>} : memref<256xf32, #tpu.memory_space<vmem>>, vector<16xf32>,
      %get3A_193 = arith.constant 128 : index
      %get3A_194 = tpu.vector_load %arg17[%get3A_193] {strides = array<i32>} : memref<256xf32, #tpu.memory_space<vmem>>, vector<16xf32>,
      %get3A_195 = arith.constant 144 : index
      %get3A_196 = tpu.vector_load %arg17[%get3A_195] {strides = array<i32>} : memref<256xf32, #tpu.memory_space<vmem>>, vector<16xf32>,
      %get3A_197 = arith.constant 160 : index
      %get3A_198 = tpu.vector_load %arg17[%get3A_197] {strides = array<i32>} : memref<256xf32, #tpu.memory_space<vmem>>, vector<16xf32>,
      %get3A_199 = arith.constant 176 : index
      %get3A_200 = tpu.vector_load %arg17[%get3A_199] {strides = array<i32>} : memref<256xf32, #tpu.memory_space<vmem>>, vector<16xf32>,
      %get3A_201 = arith.constant 192 : index
      %get3A_202 = tpu.vector_load %arg17[%get3A_201] {strides = array<i32>} : memref<256xf32, #tpu.memory_space<vmem>>, vector<16xf32>,
      %get3A_203 = arith.constant 208 : index
      %get3A_204 = tpu.vector_load %arg17[%get3A_203] {strides = array<i32>} : memref<256xf32, #tpu.memory_space<vmem>>, vector<16xf32>,
      %get3A_205 = arith.constant 224 : index
      %get3A_206 = tpu.vector_load %arg17[%get3A_205] {strides = array<i32>} : memref<256xf32, #tpu.memory_space<vmem>>, vector<16xf32>,
      %get3A_207 = arith.constant 240 : index
      %get3A_208 = tpu.vector_load %arg17[%get3A_207] {strides = array<i32>} : memref<256xf32, #tpu.memory_space<vmem>>, vector<16xf32>,
      %add3A_209 = arith.addf %get3A_178, %get3A_180 : vector<16xf32>
      %add3A_210 = arith.addf %get3A_182, %get3A_184 : vector<16xf32>
      %add3A_211 = arith.addf %get3A_186, %get3A_188 : vector<16xf32>
      %add3A_212 = arith.addf %get3A_190, %get3A_192 : vector<16xf32>
      %add3A_213 = arith.addf %get3A_194, %get3A_196 : vector<16xf32>
      %add3A_214 = arith.addf %get3A_198, %get3A_200 : vector<16xf32>
      %add3A_215 = arith.addf %get3A_202, %get3A_204 : vector<16xf32>
      %add3A_216 = arith.addf %get3A_206, %get3A_208 : vector<16xf32>
      %add3A_217 = arith.addf %add3A_209, %add3A_210 : vector<16xf32>
      %add3A_218 = arith.addf %add3A_211, %add3A_212 : vector<16xf32>
      %add3A_219 = arith.addf %add3A_213, %add3A_214 : vector<16xf32>
      %add3A_220 = arith.addf %add3A_215, %add3A_216 : vector<16xf32>
      %add3A_221 = arith.addf %add3A_217, %add3A_218 : vector<16xf32>
      %add3A_222 = arith.addf %add3A_219, %add3A_220 : vector<16xf32>
      %add3A_223 = arith.addf %add3A_221, %add3A_222 : vector<16xf32>
      %mul3A_224 = arith.constant 0.703952252 : f32
      %mul3A_225 = vector.broadcast %mul3A_224 : f32 to vector<16xf32>
      %mul3A_226 = arith.mulf %mul3A_225, %add3A_223 : vector<16xf32>
      %sub3A = arith.constant 1.200000e+01 : f32
      %sub3A_227 = vector.broadcast %sub3A : f32 to vector<16xf32>
      %sub3A_228 = arith.subf %sub3A_227, %mul3A_226 : vector<16xf32>
      %mul3A_229 = arith.constant 16 : i32
      %mul3A_230 = arith.muli %scan3A_171, %mul3A_229 : i32
      %add3A_231 = arith.constant 0 : i32
      %add3A_232 = arith.addi %add3A_231, %mul3A_230 : i32
      %swap3A = arith.index_cast %add3A_232 : i32 to index
      %swap3A_233 = tpu.vector_load %arg18[%swap3A] {strides = array<i32>} : memref<128xf32, #tpu.memory_space<vmem>>, vector<16xf32>,
      tpu.vector_store %arg18[%swap3A], %sub3A_228 {strides = array<i32>} : memref<128xf32, #tpu.memory_space<vmem>>, vector<16xf32>,
    }
    %scan3A_65 = arith.constant 2 : i32
    %dma_start3A_66 = arith.constant 64 : i32
    %dma_start3A_67 = tpu.memref_slice %arg8[%dma_start3A_66] : memref<128xi32, #tpu.memory_space<vmem>> -> memref<32xi32, #tpu.memory_space<vmem>>
    %dma_start3A_68 = arith.constant 0 : i32
    %dma_start3A_69 = arith.constant 0 : i32
    %dma_start3A_70 = tpu.memref_slice %arg2[%dma_start3A_68, %dma_start3A_69] : memref<100000x256xf32, #tpu.memory_space<hbm>> -> memref<100000x256xf32, #tpu.memory_space<hbm>>
    tpu.enqueue_indirect_dma source(%dma_start3A_70 : memref<100000x256xf32, #tpu.memory_space<hbm>>) target(%arg11 : memref<32x256xf32, #tpu.memory_space<vmem>>) offsets(%dma_start3A_67 : memref<32xi32, #tpu.memory_space<vmem>>) semaphore(%arg19 : memref<!tpu.dma_semaphore, #tpu.memory_space<semaphore_mem>>)
    %dma_start3A_71 = arith.constant 64 : i32
    %dma_start3A_72 = tpu.memref_slice %arg10[%dma_start3A_71] : memref<128xi32, #tpu.memory_space<vmem>> -> memref<32xi32, #tpu.memory_space<vmem>>
    %dma_start3A_73 = arith.constant 0 : i32
    %dma_start3A_74 = arith.constant 0 : i32
    %dma_start3A_75 = tpu.memref_slice %arg2[%dma_start3A_73, %dma_start3A_74] : memref<100000x256xf32, #tpu.memory_space<hbm>> -> memref<100000x256xf32, #tpu.memory_space<hbm>>
    tpu.enqueue_indirect_dma source(%dma_start3A_75 : memref<100000x256xf32, #tpu.memory_space<hbm>>) target(%arg13 : memref<32x256xf32, #tpu.memory_space<vmem>>) offsets(%dma_start3A_72 : memref<32xi32, #tpu.memory_space<vmem>>) semaphore(%arg19 : memref<!tpu.dma_semaphore, #tpu.memory_space<semaphore_mem>>)
    %dma_start3A_76 = arith.constant 64 : i32
    %dma_start3A_77 = tpu.memref_slice %arg9[%dma_start3A_76] : memref<128xi32, #tpu.memory_space<vmem>> -> memref<32xi32, #tpu.memory_space<vmem>>
    %dma_start3A_78 = arith.constant 0 : i32
    %dma_start3A_79 = arith.constant 0 : i32
    %dma_start3A_80 = tpu.memref_slice %arg3[%dma_start3A_78, %dma_start3A_79] : memref<1000x256xf32, #tpu.memory_space<hbm>> -> memref<1000x256xf32, #tpu.memory_space<hbm>>
    tpu.enqueue_indirect_dma source(%dma_start3A_80 : memref<1000x256xf32, #tpu.memory_space<hbm>>) target(%arg15 : memref<32x256xf32, #tpu.memory_space<vmem>>) offsets(%dma_start3A_77 : memref<32xi32, #tpu.memory_space<vmem>>) semaphore(%arg19 : memref<!tpu.dma_semaphore, #tpu.memory_space<semaphore_mem>>)
    %dma_wait3A_81 = arith.constant 32 : i32
    %dma_wait3A_82 = tpu.memref_slice %arg8[%dma_wait3A_81] : memref<128xi32, #tpu.memory_space<vmem>> -> memref<32xi32, #tpu.memory_space<vmem>>
    %dma_wait3A_83 = arith.constant 0 : i32
    %dma_wait3A_84 = arith.constant 0 : i32
    %dma_wait3A_85 = tpu.memref_slice %arg2[%dma_wait3A_83, %dma_wait3A_84] : memref<100000x256xf32, #tpu.memory_space<hbm>> -> memref<100000x256xf32, #tpu.memory_space<hbm>>
    tpu.wait_indirect_dma semaphore(%arg20 : memref<!tpu.dma_semaphore, #tpu.memory_space<semaphore_mem>>) src(%dma_wait3A_85 : memref<100000x256xf32, #tpu.memory_space<hbm>>) dst(%arg12 : memref<32x256xf32, #tpu.memory_space<vmem>>)
    %dma_wait3A_86 = arith.constant 32 : i32
    %dma_wait3A_87 = tpu.memref_slice %arg10[%dma_wait3A_86] : memref<128xi32, #tpu.memory_space<vmem>> -> memref<32xi32, #tpu.memory_space<vmem>>
    %dma_wait3A_88 = arith.constant 0 : i32
    %dma_wait3A_89 = arith.constant 0 : i32
    %dma_wait3A_90 = tpu.memref_slice %arg2[%dma_wait3A_88, %dma_wait3A_89] : memref<100000x256xf32, #tpu.memory_space<hbm>> -> memref<100000x256xf32, #tpu.memory_space<hbm>>
    tpu.wait_indirect_dma semaphore(%arg20 : memref<!tpu.dma_semaphore, #tpu.memory_space<semaphore_mem>>) src(%dma_wait3A_90 : memref<100000x256xf32, #tpu.memory_space<hbm>>) dst(%arg14 : memref<32x256xf32, #tpu.memory_space<vmem>>)
    %dma_wait3A_91 = arith.constant 32 : i32
    %dma_wait3A_92 = tpu.memref_slice %arg9[%dma_wait3A_91] : memref<128xi32, #tpu.memory_space<vmem>> -> memref<32xi32, #tpu.memory_space<vmem>>
    %dma_wait3A_93 = arith.constant 0 : i32
    %dma_wait3A_94 = arith.constant 0 : i32
    %dma_wait3A_95 = tpu.memref_slice %arg3[%dma_wait3A_93, %dma_wait3A_94] : memref<1000x256xf32, #tpu.memory_space<hbm>> -> memref<1000x256xf32, #tpu.memory_space<hbm>>
    tpu.wait_indirect_dma semaphore(%arg20 : memref<!tpu.dma_semaphore, #tpu.memory_space<semaphore_mem>>) src(%dma_wait3A_95 : memref<1000x256xf32, #tpu.memory_space<hbm>>) dst(%arg16 : memref<32x256xf32, #tpu.memory_space<vmem>>)
    %iota3A_96 = tpu.iota {dimensions = array<i32: 0>} : vector<16xi32>
    %mul3A_97 = arith.constant 16 : i32
    %mul3A_98 = vector.broadcast %mul3A_97 : i32 to vector<16xi32>
    %mul3A_99 = arith.muli %iota3A_96, %mul3A_98 : vector<16xi32>
    %scan3A_100 = arith.constant 0 : i32
    %scan3A_101 = arith.constant 0 : i32
    %scan3A_102 = arith.constant 2 : i32
    %scan3A_103 = arith.addi %scan3A_101, %scan3A_102 : i32
    %scan3A_104 = arith.constant 1 : i32
    scf.for %scan3A_171 = %scan3A_101 to %scan3A_103 step %scan3A_104  : i32 {
      %scan3A_172 = arith.constant 0 : i32
      %scan3A_173 = arith.constant 0 : i32
      %scan3A_174 = arith.constant 16 : i32
      %scan3A_175 = arith.addi %scan3A_173, %scan3A_174 : i32
      %scan3A_176 = arith.constant 1 : i32
      scf.for %scan3A_234 = %scan3A_173 to %scan3A_175 step %scan3A_176  : i32 {
        %mul3A_235 = arith.constant 16 : i32
        %mul3A_236 = arith.muli %scan3A_171, %mul3A_235 : i32
        %add3A_237 = arith.addi %mul3A_236, %scan3A_234 : i32
        %get3A_238 = arith.index_cast %add3A_237 : i32 to index
        %get3A_239 = arith.constant 0 : index
        %get3A_240 = tpu.vector_load %arg12[%get3A_238, %get3A_239] {strides = array<i32>} : memref<32x256xf32, #tpu.memory_space<vmem>>, vector<16xf32>,
        %get3A_241 = arith.index_cast %add3A_237 : i32 to index
        %get3A_242 = arith.constant 128 : index
        %get3A_243 = tpu.vector_load %arg12[%get3A_241, %get3A_242] {strides = array<i32>} : memref<32x256xf32, #tpu.memory_space<vmem>>, vector<16xf32>,
        %get3A_244 = arith.index_cast %add3A_237 : i32 to index
        %get3A_245 = arith.constant 0 : index
        %get3A_246 = tpu.vector_load %arg14[%get3A_244, %get3A_245] {strides = array<i32>} : memref<32x256xf32, #tpu.memory_space<vmem>>, vector<16xf32>,
        %get3A_247 = arith.index_cast %add3A_237 : i32 to index
        %get3A_248 = arith.constant 128 : index
        %get3A_249 = tpu.vector_load %arg14[%get3A_247, %get3A_248] {strides = array<i32>} : memref<32x256xf32, #tpu.memory_space<vmem>>, vector<16xf32>,
        %get3A_250 = arith.index_cast %add3A_237 : i32 to index
        %get3A_251 = arith.constant 0 : index
        %get3A_252 = tpu.vector_load %arg16[%get3A_250, %get3A_251] {strides = array<i32>} : memref<32x256xf32, #tpu.memory_space<vmem>>, vector<16xf32>,
        %get3A_253 = arith.index_cast %add3A_237 : i32 to index
        %get3A_254 = arith.constant 128 : index
        %get3A_255 = tpu.vector_load %arg16[%get3A_253, %get3A_254] {strides = array<i32>} : memref<32x256xf32, #tpu.memory_space<vmem>>, vector<16xf32>,
        %mul3A_256 = arith.mulf %get3A_240, %get3A_252 : vector<16xf32>
        %mul3A_257 = arith.mulf %get3A_243, %get3A_255 : vector<16xf32>
        %sub3A_258 = arith.subf %mul3A_256, %mul3A_257 : vector<16xf32>
        %sub3A_259 = arith.subf %sub3A_258, %get3A_246 : vector<16xf32>
        %mul3A_260 = arith.mulf %get3A_240, %get3A_255 : vector<16xf32>
        %mul3A_261 = arith.mulf %get3A_243, %get3A_252 : vector<16xf32>
        %add3A_262 = arith.addf %mul3A_260, %mul3A_261 : vector<16xf32>
        %sub3A_263 = arith.subf %add3A_262, %get3A_249 : vector<16xf32>
        %mul3A_264 = arith.mulf %sub3A_259, %sub3A_259 : vector<16xf32>
        %mul3A_265 = arith.mulf %sub3A_263, %sub3A_263 : vector<16xf32>
        %add3A_266 = arith.constant 1.000000e-30 : f32
        %add3A_267 = vector.broadcast %add3A_266 : f32 to vector<16xf32>
        %add3A_268 = arith.addf %mul3A_265, %add3A_267 : vector<16xf32>
        %add3A_269 = arith.addf %mul3A_264, %add3A_268 : vector<16xf32>
        %bitcast3A = vector.bitcast %add3A_269 : vector<16xf32> to vector<16xi32>
        %shift_right_logical3A = arith.constant 1 : i32
        %shift_right_logical3A_270 = vector.broadcast %shift_right_logical3A : i32 to vector<16xi32>
        %shift_right_logical3A_271 = arith.shrui %bitcast3A, %shift_right_logical3A_270 : vector<16xi32>
        %sub3A_272 = arith.constant 1595932665 : i32
        %sub3A_273 = vector.broadcast %sub3A_272 : i32 to vector<16xi32>
        %sub3A_274 = arith.subi %sub3A_273, %shift_right_logical3A_271 : vector<16xi32>
        %bitcast3A_275 = vector.bitcast %sub3A_274 : vector<16xi32> to vector<16xf32>
        %mul3A_276 = arith.mulf %add3A_269, %bitcast3A_275 : vector<16xf32>
        %mul3A_277 = arith.mulf %mul3A_276, %bitcast3A_275 : vector<16xf32>
        %sub3A_278 = arith.constant 2.38924456 : f32
        %sub3A_279 = vector.broadcast %sub3A_278 : f32 to vector<16xf32>
        %sub3A_280 = arith.subf %sub3A_279, %mul3A_277 : vector<16xf32>
        %mul3A_281 = arith.mulf %mul3A_276, %sub3A_280 : vector<16xf32>
        %get3A_282 = arith.index_cast %add3A_237 : i32 to index
        %get3A_283 = arith.constant 16 : index
        %get3A_284 = tpu.vector_load %arg12[%get3A_282, %get3A_283] {strides = array<i32>} : memref<32x256xf32, #tpu.memory_space<vmem>>, vector<16xf32>,
        %get3A_285 = arith.index_cast %add3A_237 : i32 to index
        %get3A_286 = arith.constant 144 : index
        %get3A_287 = tpu.vector_load %arg12[%get3A_285, %get3A_286] {strides = array<i32>} : memref<32x256xf32, #tpu.memory_space<vmem>>, vector<16xf32>,
        %get3A_288 = arith.index_cast %add3A_237 : i32 to index
        %get3A_289 = arith.constant 16 : index
        %get3A_290 = tpu.vector_load %arg14[%get3A_288, %get3A_289] {strides = array<i32>} : memref<32x256xf32, #tpu.memory_space<vmem>>, vector<16xf32>,
        %get3A_291 = arith.index_cast %add3A_237 : i32 to index
        %get3A_292 = arith.constant 144 : index
        %get3A_293 = tpu.vector_load %arg14[%get3A_291, %get3A_292] {strides = array<i32>} : memref<32x256xf32, #tpu.memory_space<vmem>>, vector<16xf32>,
        %get3A_294 = arith.index_cast %add3A_237 : i32 to index
        %get3A_295 = arith.constant 16 : index
        %get3A_296 = tpu.vector_load %arg16[%get3A_294, %get3A_295] {strides = array<i32>} : memref<32x256xf32, #tpu.memory_space<vmem>>, vector<16xf32>,
        %get3A_297 = arith.index_cast %add3A_237 : i32 to index
        %get3A_298 = arith.constant 144 : index
        %get3A_299 = tpu.vector_load %arg16[%get3A_297, %get3A_298] {strides = array<i32>} : memref<32x256xf32, #tpu.memory_space<vmem>>, vector<16xf32>,
        %mul3A_300 = arith.mulf %get3A_284, %get3A_296 : vector<16xf32>
        %mul3A_301 = arith.mulf %get3A_287, %get3A_299 : vector<16xf32>
        %sub3A_302 = arith.subf %mul3A_300, %mul3A_301 : vector<16xf32>
        %sub3A_303 = arith.subf %sub3A_302, %get3A_290 : vector<16xf32>
        %mul3A_304 = arith.mulf %get3A_284, %get3A_299 : vector<16xf32>
        %mul3A_305 = arith.mulf %get3A_287, %get3A_296 : vector<16xf32>
        %add3A_306 = arith.addf %mul3A_304, %mul3A_305 : vector<16xf32>
        %sub3A_307 = arith.subf %add3A_306, %get3A_293 : vector<16xf32>
        %mul3A_308 = arith.mulf %sub3A_303, %sub3A_303 : vector<16xf32>
        %mul3A_309 = arith.mulf %sub3A_307, %sub3A_307 : vector<16xf32>
        %add3A_310 = arith.constant 1.000000e-30 : f32
        %add3A_311 = vector.broadcast %add3A_310 : f32 to vector<16xf32>
        %add3A_312 = arith.addf %mul3A_309, %add3A_311 : vector<16xf32>
        %add3A_313 = arith.addf %mul3A_308, %add3A_312 : vector<16xf32>
        %bitcast3A_314 = vector.bitcast %add3A_313 : vector<16xf32> to vector<16xi32>
        %shift_right_logical3A_315 = arith.constant 1 : i32
        %shift_right_logical3A_316 = vector.broadcast %shift_right_logical3A_315 : i32 to vector<16xi32>
        %shift_right_logical3A_317 = arith.shrui %bitcast3A_314, %shift_right_logical3A_316 : vector<16xi32>
        %sub3A_318 = arith.constant 1595932665 : i32
        %sub3A_319 = vector.broadcast %sub3A_318 : i32 to vector<16xi32>
        %sub3A_320 = arith.subi %sub3A_319, %shift_right_logical3A_317 : vector<16xi32>
        %bitcast3A_321 = vector.bitcast %sub3A_320 : vector<16xi32> to vector<16xf32>
        %mul3A_322 = arith.mulf %add3A_313, %bitcast3A_321 : vector<16xf32>
        %mul3A_323 = arith.mulf %mul3A_322, %bitcast3A_321 : vector<16xf32>
        %sub3A_324 = arith.constant 2.38924456 : f32
        %sub3A_325 = vector.broadcast %sub3A_324 : f32 to vector<16xf32>
        %sub3A_326 = arith.subf %sub3A_325, %mul3A_323 : vector<16xf32>
        %mul3A_327 = arith.mulf %mul3A_322, %sub3A_326 : vector<16xf32>
        %get3A_328 = arith.index_cast %add3A_237 : i32 to index
        %get3A_329 = arith.constant 32 : index
        %get3A_330 = tpu.vector_load %arg12[%get3A_328, %get3A_329] {strides = array<i32>} : memref<32x256xf32, #tpu.memory_space<vmem>>, vector<16xf32>,
        %get3A_331 = arith.index_cast %add3A_237 : i32 to index
        %get3A_332 = arith.constant 160 : index
        %get3A_333 = tpu.vector_load %arg12[%get3A_331, %get3A_332] {strides = array<i32>} : memref<32x256xf32, #tpu.memory_space<vmem>>, vector<16xf32>,
        %get3A_334 = arith.index_cast %add3A_237 : i32 to index
        %get3A_335 = arith.constant 32 : index
        %get3A_336 = tpu.vector_load %arg14[%get3A_334, %get3A_335] {strides = array<i32>} : memref<32x256xf32, #tpu.memory_space<vmem>>, vector<16xf32>,
        %get3A_337 = arith.index_cast %add3A_237 : i32 to index
        %get3A_338 = arith.constant 160 : index
        %get3A_339 = tpu.vector_load %arg14[%get3A_337, %get3A_338] {strides = array<i32>} : memref<32x256xf32, #tpu.memory_space<vmem>>, vector<16xf32>,
        %get3A_340 = arith.index_cast %add3A_237 : i32 to index
        %get3A_341 = arith.constant 32 : index
        %get3A_342 = tpu.vector_load %arg16[%get3A_340, %get3A_341] {strides = array<i32>} : memref<32x256xf32, #tpu.memory_space<vmem>>, vector<16xf32>,
        %get3A_343 = arith.index_cast %add3A_237 : i32 to index
        %get3A_344 = arith.constant 160 : index
        %get3A_345 = tpu.vector_load %arg16[%get3A_343, %get3A_344] {strides = array<i32>} : memref<32x256xf32, #tpu.memory_space<vmem>>, vector<16xf32>,
        %mul3A_346 = arith.mulf %get3A_330, %get3A_342 : vector<16xf32>
        %mul3A_347 = arith.mulf %get3A_333, %get3A_345 : vector<16xf32>
        %sub3A_348 = arith.subf %mul3A_346, %mul3A_347 : vector<16xf32>
        %sub3A_349 = arith.subf %sub3A_348, %get3A_336 : vector<16xf32>
        %mul3A_350 = arith.mulf %get3A_330, %get3A_345 : vector<16xf32>
        %mul3A_351 = arith.mulf %get3A_333, %get3A_342 : vector<16xf32>
        %add3A_352 = arith.addf %mul3A_350, %mul3A_351 : vector<16xf32>
        %sub3A_353 = arith.subf %add3A_352, %get3A_339 : vector<16xf32>
        %mul3A_354 = arith.mulf %sub3A_349, %sub3A_349 : vector<16xf32>
        %mul3A_355 = arith.mulf %sub3A_353, %sub3A_353 : vector<16xf32>
        %add3A_356 = arith.constant 1.000000e-30 : f32
        %add3A_357 = vector.broadcast %add3A_356 : f32 to vector<16xf32>
        %add3A_358 = arith.addf %mul3A_355, %add3A_357 : vector<16xf32>
        %add3A_359 = arith.addf %mul3A_354, %add3A_358 : vector<16xf32>
        %bitcast3A_360 = vector.bitcast %add3A_359 : vector<16xf32> to vector<16xi32>
        %shift_right_logical3A_361 = arith.constant 1 : i32
        %shift_right_logical3A_362 = vector.broadcast %shift_right_logical3A_361 : i32 to vector<16xi32>
        %shift_right_logical3A_363 = arith.shrui %bitcast3A_360, %shift_right_logical3A_362 : vector<16xi32>
        %sub3A_364 = arith.constant 1595932665 : i32
        %sub3A_365 = vector.broadcast %sub3A_364 : i32 to vector<16xi32>
        %sub3A_366 = arith.subi %sub3A_365, %shift_right_logical3A_363 : vector<16xi32>
        %bitcast3A_367 = vector.bitcast %sub3A_366 : vector<16xi32> to vector<16xf32>
        %mul3A_368 = arith.mulf %add3A_359, %bitcast3A_367 : vector<16xf32>
        %mul3A_369 = arith.mulf %mul3A_368, %bitcast3A_367 : vector<16xf32>
        %sub3A_370 = arith.constant 2.38924456 : f32
        %sub3A_371 = vector.broadcast %sub3A_370 : f32 to vector<16xf32>
        %sub3A_372 = arith.subf %sub3A_371, %mul3A_369 : vector<16xf32>
        %mul3A_373 = arith.mulf %mul3A_368, %sub3A_372 : vector<16xf32>
        %get3A_374 = arith.index_cast %add3A_237 : i32 to index
        %get3A_375 = arith.constant 48 : index
        %get3A_376 = tpu.vector_load %arg12[%get3A_374, %get3A_375] {strides = array<i32>} : memref<32x256xf32, #tpu.memory_space<vmem>>, vector<16xf32>,
        %get3A_377 = arith.index_cast %add3A_237 : i32 to index
        %get3A_378 = arith.constant 176 : index
        %get3A_379 = tpu.vector_load %arg12[%get3A_377, %get3A_378] {strides = array<i32>} : memref<32x256xf32, #tpu.memory_space<vmem>>, vector<16xf32>,
        %get3A_380 = arith.index_cast %add3A_237 : i32 to index
        %get3A_381 = arith.constant 48 : index
        %get3A_382 = tpu.vector_load %arg14[%get3A_380, %get3A_381] {strides = array<i32>} : memref<32x256xf32, #tpu.memory_space<vmem>>, vector<16xf32>,
        %get3A_383 = arith.index_cast %add3A_237 : i32 to index
        %get3A_384 = arith.constant 176 : index
        %get3A_385 = tpu.vector_load %arg14[%get3A_383, %get3A_384] {strides = array<i32>} : memref<32x256xf32, #tpu.memory_space<vmem>>, vector<16xf32>,
        %get3A_386 = arith.index_cast %add3A_237 : i32 to index
        %get3A_387 = arith.constant 48 : index
        %get3A_388 = tpu.vector_load %arg16[%get3A_386, %get3A_387] {strides = array<i32>} : memref<32x256xf32, #tpu.memory_space<vmem>>, vector<16xf32>,
        %get3A_389 = arith.index_cast %add3A_237 : i32 to index
        %get3A_390 = arith.constant 176 : index
        %get3A_391 = tpu.vector_load %arg16[%get3A_389, %get3A_390] {strides = array<i32>} : memref<32x256xf32, #tpu.memory_space<vmem>>, vector<16xf32>,
        %mul3A_392 = arith.mulf %get3A_376, %get3A_388 : vector<16xf32>
        %mul3A_393 = arith.mulf %get3A_379, %get3A_391 : vector<16xf32>
        %sub3A_394 = arith.subf %mul3A_392, %mul3A_393 : vector<16xf32>
        %sub3A_395 = arith.subf %sub3A_394, %get3A_382 : vector<16xf32>
        %mul3A_396 = arith.mulf %get3A_376, %get3A_391 : vector<16xf32>
        %mul3A_397 = arith.mulf %get3A_379, %get3A_388 : vector<16xf32>
        %add3A_398 = arith.addf %mul3A_396, %mul3A_397 : vector<16xf32>
        %sub3A_399 = arith.subf %add3A_398, %get3A_385 : vector<16xf32>
        %mul3A_400 = arith.mulf %sub3A_395, %sub3A_395 : vector<16xf32>
        %mul3A_401 = arith.mulf %sub3A_399, %sub3A_399 : vector<16xf32>
        %add3A_402 = arith.constant 1.000000e-30 : f32
        %add3A_403 = vector.broadcast %add3A_402 : f32 to vector<16xf32>
        %add3A_404 = arith.addf %mul3A_401, %add3A_403 : vector<16xf32>
        %add3A_405 = arith.addf %mul3A_400, %add3A_404 : vector<16xf32>
        %bitcast3A_406 = vector.bitcast %add3A_405 : vector<16xf32> to vector<16xi32>
        %shift_right_logical3A_407 = arith.constant 1 : i32
        %shift_right_logical3A_408 = vector.broadcast %shift_right_logical3A_407 : i32 to vector<16xi32>
        %shift_right_logical3A_409 = arith.shrui %bitcast3A_406, %shift_right_logical3A_408 : vector<16xi32>
        %sub3A_410 = arith.constant 1595932665 : i32
        %sub3A_411 = vector.broadcast %sub3A_410 : i32 to vector<16xi32>
        %sub3A_412 = arith.subi %sub3A_411, %shift_right_logical3A_409 : vector<16xi32>
        %bitcast3A_413 = vector.bitcast %sub3A_412 : vector<16xi32> to vector<16xf32>
        %mul3A_414 = arith.mulf %add3A_405, %bitcast3A_413 : vector<16xf32>
        %mul3A_415 = arith.mulf %mul3A_414, %bitcast3A_413 : vector<16xf32>
        %sub3A_416 = arith.constant 2.38924456 : f32
        %sub3A_417 = vector.broadcast %sub3A_416 : f32 to vector<16xf32>
        %sub3A_418 = arith.subf %sub3A_417, %mul3A_415 : vector<16xf32>
        %mul3A_419 = arith.mulf %mul3A_414, %sub3A_418 : vector<16xf32>
        %get3A_420 = arith.index_cast %add3A_237 : i32 to index
        %get3A_421 = arith.constant 64 : index
        %get3A_422 = tpu.vector_load %arg12[%get3A_420, %get3A_421] {strides = array<i32>} : memref<32x256xf32, #tpu.memory_space<vmem>>, vector<16xf32>,
        %get3A_423 = arith.index_cast %add3A_237 : i32 to index
        %get3A_424 = arith.constant 192 : index
        %get3A_425 = tpu.vector_load %arg12[%get3A_423, %get3A_424] {strides = array<i32>} : memref<32x256xf32, #tpu.memory_space<vmem>>, vector<16xf32>,
        %get3A_426 = arith.index_cast %add3A_237 : i32 to index
        %get3A_427 = arith.constant 64 : index
        %get3A_428 = tpu.vector_load %arg14[%get3A_426, %get3A_427] {strides = array<i32>} : memref<32x256xf32, #tpu.memory_space<vmem>>, vector<16xf32>,
        %get3A_429 = arith.index_cast %add3A_237 : i32 to index
        %get3A_430 = arith.constant 192 : index
        %get3A_431 = tpu.vector_load %arg14[%get3A_429, %get3A_430] {strides = array<i32>} : memref<32x256xf32, #tpu.memory_space<vmem>>, vector<16xf32>,
        %get3A_432 = arith.index_cast %add3A_237 : i32 to index
        %get3A_433 = arith.constant 64 : index
        %get3A_434 = tpu.vector_load %arg16[%get3A_432, %get3A_433] {strides = array<i32>} : memref<32x256xf32, #tpu.memory_space<vmem>>, vector<16xf32>,
        %get3A_435 = arith.index_cast %add3A_237 : i32 to index
        %get3A_436 = arith.constant 192 : index
        %get3A_437 = tpu.vector_load %arg16[%get3A_435, %get3A_436] {strides = array<i32>} : memref<32x256xf32, #tpu.memory_space<vmem>>, vector<16xf32>,
        %mul3A_438 = arith.mulf %get3A_422, %get3A_434 : vector<16xf32>
        %mul3A_439 = arith.mulf %get3A_425, %get3A_437 : vector<16xf32>
        %sub3A_440 = arith.subf %mul3A_438, %mul3A_439 : vector<16xf32>
        %sub3A_441 = arith.subf %sub3A_440, %get3A_428 : vector<16xf32>
        %mul3A_442 = arith.mulf %get3A_422, %get3A_437 : vector<16xf32>
        %mul3A_443 = arith.mulf %get3A_425, %get3A_434 : vector<16xf32>
        %add3A_444 = arith.addf %mul3A_442, %mul3A_443 : vector<16xf32>
        %sub3A_445 = arith.subf %add3A_444, %get3A_431 : vector<16xf32>
        %mul3A_446 = arith.mulf %sub3A_441, %sub3A_441 : vector<16xf32>
        %mul3A_447 = arith.mulf %sub3A_445, %sub3A_445 : vector<16xf32>
        %add3A_448 = arith.constant 1.000000e-30 : f32
        %add3A_449 = vector.broadcast %add3A_448 : f32 to vector<16xf32>
        %add3A_450 = arith.addf %mul3A_447, %add3A_449 : vector<16xf32>
        %add3A_451 = arith.addf %mul3A_446, %add3A_450 : vector<16xf32>
        %bitcast3A_452 = vector.bitcast %add3A_451 : vector<16xf32> to vector<16xi32>
        %shift_right_logical3A_453 = arith.constant 1 : i32
        %shift_right_logical3A_454 = vector.broadcast %shift_right_logical3A_453 : i32 to vector<16xi32>
        %shift_right_logical3A_455 = arith.shrui %bitcast3A_452, %shift_right_logical3A_454 : vector<16xi32>
        %sub3A_456 = arith.constant 1595932665 : i32
        %sub3A_457 = vector.broadcast %sub3A_456 : i32 to vector<16xi32>
        %sub3A_458 = arith.subi %sub3A_457, %shift_right_logical3A_455 : vector<16xi32>
        %bitcast3A_459 = vector.bitcast %sub3A_458 : vector<16xi32> to vector<16xf32>
        %mul3A_460 = arith.mulf %add3A_451, %bitcast3A_459 : vector<16xf32>
        %mul3A_461 = arith.mulf %mul3A_460, %bitcast3A_459 : vector<16xf32>
        %sub3A_462 = arith.constant 2.38924456 : f32
        %sub3A_463 = vector.broadcast %sub3A_462 : f32 to vector<16xf32>
        %sub3A_464 = arith.subf %sub3A_463, %mul3A_461 : vector<16xf32>
        %mul3A_465 = arith.mulf %mul3A_460, %sub3A_464 : vector<16xf32>
        %get3A_466 = arith.index_cast %add3A_237 : i32 to index
        %get3A_467 = arith.constant 80 : index
        %get3A_468 = tpu.vector_load %arg12[%get3A_466, %get3A_467] {strides = array<i32>} : memref<32x256xf32, #tpu.memory_space<vmem>>, vector<16xf32>,
        %get3A_469 = arith.index_cast %add3A_237 : i32 to index
        %get3A_470 = arith.constant 208 : index
        %get3A_471 = tpu.vector_load %arg12[%get3A_469, %get3A_470] {strides = array<i32>} : memref<32x256xf32, #tpu.memory_space<vmem>>, vector<16xf32>,
        %get3A_472 = arith.index_cast %add3A_237 : i32 to index
        %get3A_473 = arith.constant 80 : index
        %get3A_474 = tpu.vector_load %arg14[%get3A_472, %get3A_473] {strides = array<i32>} : memref<32x256xf32, #tpu.memory_space<vmem>>, vector<16xf32>,
        %get3A_475 = arith.index_cast %add3A_237 : i32 to index
        %get3A_476 = arith.constant 208 : index
        %get3A_477 = tpu.vector_load %arg14[%get3A_475, %get3A_476] {strides = array<i32>} : memref<32x256xf32, #tpu.memory_space<vmem>>, vector<16xf32>,
        %get3A_478 = arith.index_cast %add3A_237 : i32 to index
        %get3A_479 = arith.constant 80 : index
        %get3A_480 = tpu.vector_load %arg16[%get3A_478, %get3A_479] {strides = array<i32>} : memref<32x256xf32, #tpu.memory_space<vmem>>, vector<16xf32>,
        %get3A_481 = arith.index_cast %add3A_237 : i32 to index
        %get3A_482 = arith.constant 208 : index
        %get3A_483 = tpu.vector_load %arg16[%get3A_481, %get3A_482] {strides = array<i32>} : memref<32x256xf32, #tpu.memory_space<vmem>>, vector<16xf32>,
        %mul3A_484 = arith.mulf %get3A_468, %get3A_480 : vector<16xf32>
        %mul3A_485 = arith.mulf %get3A_471, %get3A_483 : vector<16xf32>
        %sub3A_486 = arith.subf %mul3A_484, %mul3A_485 : vector<16xf32>
        %sub3A_487 = arith.subf %sub3A_486, %get3A_474 : vector<16xf32>
        %mul3A_488 = arith.mulf %get3A_468, %get3A_483 : vector<16xf32>
        %mul3A_489 = arith.mulf %get3A_471, %get3A_480 : vector<16xf32>
        %add3A_490 = arith.addf %mul3A_488, %mul3A_489 : vector<16xf32>
        %sub3A_491 = arith.subf %add3A_490, %get3A_477 : vector<16xf32>
        %mul3A_492 = arith.mulf %sub3A_487, %sub3A_487 : vector<16xf32>
        %mul3A_493 = arith.mulf %sub3A_491, %sub3A_491 : vector<16xf32>
        %add3A_494 = arith.constant 1.000000e-30 : f32
        %add3A_495 = vector.broadcast %add3A_494 : f32 to vector<16xf32>
        %add3A_496 = arith.addf %mul3A_493, %add3A_495 : vector<16xf32>
        %add3A_497 = arith.addf %mul3A_492, %add3A_496 : vector<16xf32>
        %bitcast3A_498 = vector.bitcast %add3A_497 : vector<16xf32> to vector<16xi32>
        %shift_right_logical3A_499 = arith.constant 1 : i32
        %shift_right_logical3A_500 = vector.broadcast %shift_right_logical3A_499 : i32 to vector<16xi32>
        %shift_right_logical3A_501 = arith.shrui %bitcast3A_498, %shift_right_logical3A_500 : vector<16xi32>
        %sub3A_502 = arith.constant 1595932665 : i32
        %sub3A_503 = vector.broadcast %sub3A_502 : i32 to vector<16xi32>
        %sub3A_504 = arith.subi %sub3A_503, %shift_right_logical3A_501 : vector<16xi32>
        %bitcast3A_505 = vector.bitcast %sub3A_504 : vector<16xi32> to vector<16xf32>
        %mul3A_506 = arith.mulf %add3A_497, %bitcast3A_505 : vector<16xf32>
        %mul3A_507 = arith.mulf %mul3A_506, %bitcast3A_505 : vector<16xf32>
        %sub3A_508 = arith.constant 2.38924456 : f32
        %sub3A_509 = vector.broadcast %sub3A_508 : f32 to vector<16xf32>
        %sub3A_510 = arith.subf %sub3A_509, %mul3A_507 : vector<16xf32>
        %mul3A_511 = arith.mulf %mul3A_506, %sub3A_510 : vector<16xf32>
        %get3A_512 = arith.index_cast %add3A_237 : i32 to index
        %get3A_513 = arith.constant 96 : index
        %get3A_514 = tpu.vector_load %arg12[%get3A_512, %get3A_513] {strides = array<i32>} : memref<32x256xf32, #tpu.memory_space<vmem>>, vector<16xf32>,
        %get3A_515 = arith.index_cast %add3A_237 : i32 to index
        %get3A_516 = arith.constant 224 : index
        %get3A_517 = tpu.vector_load %arg12[%get3A_515, %get3A_516] {strides = array<i32>} : memref<32x256xf32, #tpu.memory_space<vmem>>, vector<16xf32>,
        %get3A_518 = arith.index_cast %add3A_237 : i32 to index
        %get3A_519 = arith.constant 96 : index
        %get3A_520 = tpu.vector_load %arg14[%get3A_518, %get3A_519] {strides = array<i32>} : memref<32x256xf32, #tpu.memory_space<vmem>>, vector<16xf32>,
        %get3A_521 = arith.index_cast %add3A_237 : i32 to index
        %get3A_522 = arith.constant 224 : index
        %get3A_523 = tpu.vector_load %arg14[%get3A_521, %get3A_522] {strides = array<i32>} : memref<32x256xf32, #tpu.memory_space<vmem>>, vector<16xf32>,
        %get3A_524 = arith.index_cast %add3A_237 : i32 to index
        %get3A_525 = arith.constant 96 : index
        %get3A_526 = tpu.vector_load %arg16[%get3A_524, %get3A_525] {strides = array<i32>} : memref<32x256xf32, #tpu.memory_space<vmem>>, vector<16xf32>,
        %get3A_527 = arith.index_cast %add3A_237 : i32 to index
        %get3A_528 = arith.constant 224 : index
        %get3A_529 = tpu.vector_load %arg16[%get3A_527, %get3A_528] {strides = array<i32>} : memref<32x256xf32, #tpu.memory_space<vmem>>, vector<16xf32>,
        %mul3A_530 = arith.mulf %get3A_514, %get3A_526 : vector<16xf32>
        %mul3A_531 = arith.mulf %get3A_517, %get3A_529 : vector<16xf32>
        %sub3A_532 = arith.subf %mul3A_530, %mul3A_531 : vector<16xf32>
        %sub3A_533 = arith.subf %sub3A_532, %get3A_520 : vector<16xf32>
        %mul3A_534 = arith.mulf %get3A_514, %get3A_529 : vector<16xf32>
        %mul3A_535 = arith.mulf %get3A_517, %get3A_526 : vector<16xf32>
        %add3A_536 = arith.addf %mul3A_534, %mul3A_535 : vector<16xf32>
        %sub3A_537 = arith.subf %add3A_536, %get3A_523 : vector<16xf32>
        %mul3A_538 = arith.mulf %sub3A_533, %sub3A_533 : vector<16xf32>
        %mul3A_539 = arith.mulf %sub3A_537, %sub3A_537 : vector<16xf32>
        %add3A_540 = arith.constant 1.000000e-30 : f32
        %add3A_541 = vector.broadcast %add3A_540 : f32 to vector<16xf32>
        %add3A_542 = arith.addf %mul3A_539, %add3A_541 : vector<16xf32>
        %add3A_543 = arith.addf %mul3A_538, %add3A_542 : vector<16xf32>
        %bitcast3A_544 = vector.bitcast %add3A_543 : vector<16xf32> to vector<16xi32>
        %shift_right_logical3A_545 = arith.constant 1 : i32
        %shift_right_logical3A_546 = vector.broadcast %shift_right_logical3A_545 : i32 to vector<16xi32>
        %shift_right_logical3A_547 = arith.shrui %bitcast3A_544, %shift_right_logical3A_546 : vector<16xi32>
        %sub3A_548 = arith.constant 1595932665 : i32
        %sub3A_549 = vector.broadcast %sub3A_548 : i32 to vector<16xi32>
        %sub3A_550 = arith.subi %sub3A_549, %shift_right_logical3A_547 : vector<16xi32>
        %bitcast3A_551 = vector.bitcast %sub3A_550 : vector<16xi32> to vector<16xf32>
        %mul3A_552 = arith.mulf %add3A_543, %bitcast3A_551 : vector<16xf32>
        %mul3A_553 = arith.mulf %mul3A_552, %bitcast3A_551 : vector<16xf32>
        %sub3A_554 = arith.constant 2.38924456 : f32
        %sub3A_555 = vector.broadcast %sub3A_554 : f32 to vector<16xf32>
        %sub3A_556 = arith.subf %sub3A_555, %mul3A_553 : vector<16xf32>
        %mul3A_557 = arith.mulf %mul3A_552, %sub3A_556 : vector<16xf32>
        %get3A_558 = arith.index_cast %add3A_237 : i32 to index
        %get3A_559 = arith.constant 112 : index
        %get3A_560 = tpu.vector_load %arg12[%get3A_558, %get3A_559] {strides = array<i32>} : memref<32x256xf32, #tpu.memory_space<vmem>>, vector<16xf32>,
        %get3A_561 = arith.index_cast %add3A_237 : i32 to index
        %get3A_562 = arith.constant 240 : index
        %get3A_563 = tpu.vector_load %arg12[%get3A_561, %get3A_562] {strides = array<i32>} : memref<32x256xf32, #tpu.memory_space<vmem>>, vector<16xf32>,
        %get3A_564 = arith.index_cast %add3A_237 : i32 to index
        %get3A_565 = arith.constant 112 : index
        %get3A_566 = tpu.vector_load %arg14[%get3A_564, %get3A_565] {strides = array<i32>} : memref<32x256xf32, #tpu.memory_space<vmem>>, vector<16xf32>,
        %get3A_567 = arith.index_cast %add3A_237 : i32 to index
        %get3A_568 = arith.constant 240 : index
        %get3A_569 = tpu.vector_load %arg14[%get3A_567, %get3A_568] {strides = array<i32>} : memref<32x256xf32, #tpu.memory_space<vmem>>, vector<16xf32>,
        %get3A_570 = arith.index_cast %add3A_237 : i32 to index
        %get3A_571 = arith.constant 112 : index
        %get3A_572 = tpu.vector_load %arg16[%get3A_570, %get3A_571] {strides = array<i32>} : memref<32x256xf32, #tpu.memory_space<vmem>>, vector<16xf32>,
        %get3A_573 = arith.index_cast %add3A_237 : i32 to index
        %get3A_574 = arith.constant 240 : index
        %get3A_575 = tpu.vector_load %arg16[%get3A_573, %get3A_574] {strides = array<i32>} : memref<32x256xf32, #tpu.memory_space<vmem>>, vector<16xf32>,
        %mul3A_576 = arith.mulf %get3A_560, %get3A_572 : vector<16xf32>
        %mul3A_577 = arith.mulf %get3A_563, %get3A_575 : vector<16xf32>
        %sub3A_578 = arith.subf %mul3A_576, %mul3A_577 : vector<16xf32>
        %sub3A_579 = arith.subf %sub3A_578, %get3A_566 : vector<16xf32>
        %mul3A_580 = arith.mulf %get3A_560, %get3A_575 : vector<16xf32>
        %mul3A_581 = arith.mulf %get3A_563, %get3A_572 : vector<16xf32>
        %add3A_582 = arith.addf %mul3A_580, %mul3A_581 : vector<16xf32>
        %sub3A_583 = arith.subf %add3A_582, %get3A_569 : vector<16xf32>
        %mul3A_584 = arith.mulf %sub3A_579, %sub3A_579 : vector<16xf32>
        %mul3A_585 = arith.mulf %sub3A_583, %sub3A_583 : vector<16xf32>
        %add3A_586 = arith.constant 1.000000e-30 : f32
        %add3A_587 = vector.broadcast %add3A_586 : f32 to vector<16xf32>
        %add3A_588 = arith.addf %mul3A_585, %add3A_587 : vector<16xf32>
        %add3A_589 = arith.addf %mul3A_584, %add3A_588 : vector<16xf32>
        %bitcast3A_590 = vector.bitcast %add3A_589 : vector<16xf32> to vector<16xi32>
        %shift_right_logical3A_591 = arith.constant 1 : i32
        %shift_right_logical3A_592 = vector.broadcast %shift_right_logical3A_591 : i32 to vector<16xi32>
        %shift_right_logical3A_593 = arith.shrui %bitcast3A_590, %shift_right_logical3A_592 : vector<16xi32>
        %sub3A_594 = arith.constant 1595932665 : i32
        %sub3A_595 = vector.broadcast %sub3A_594 : i32 to vector<16xi32>
        %sub3A_596 = arith.subi %sub3A_595, %shift_right_logical3A_593 : vector<16xi32>
        %bitcast3A_597 = vector.bitcast %sub3A_596 : vector<16xi32> to vector<16xf32>
        %mul3A_598 = arith.mulf %add3A_589, %bitcast3A_597 : vector<16xf32>
        %mul3A_599 = arith.mulf %mul3A_598, %bitcast3A_597 : vector<16xf32>
        %sub3A_600 = arith.constant 2.38924456 : f32
        %sub3A_601 = vector.broadcast %sub3A_600 : f32 to vector<16xf32>
        %sub3A_602 = arith.subf %sub3A_601, %mul3A_599 : vector<16xf32>
        %mul3A_603 = arith.mulf %mul3A_598, %sub3A_602 : vector<16xf32>
        %add3A_604 = arith.addf %mul3A_281, %mul3A_327 : vector<16xf32>
        %add3A_605 = arith.addf %mul3A_373, %mul3A_419 : vector<16xf32>
        %add3A_606 = arith.addf %mul3A_465, %mul3A_511 : vector<16xf32>
        %add3A_607 = arith.addf %mul3A_557, %mul3A_603 : vector<16xf32>
        %add3A_608 = arith.addf %add3A_604, %add3A_605 : vector<16xf32>
        %add3A_609 = arith.addf %add3A_606, %add3A_607 : vector<16xf32>
        %add3A_610 = arith.addf %add3A_608, %add3A_609 : vector<16xf32>
        %add3A_611 = vector.broadcast %scan3A_234 : i32 to vector<16xi32>
        %add3A_612 = arith.addi %mul3A_99, %add3A_611 : vector<16xi32>
        tpu.vector_store_idx %arg17[%add3A_612], %add3A_610 : memref<256xf32, #tpu.memory_space<vmem>>[vector<16xi32>], vector<16xf32>,
      }
      %scan3A_177 = arith.constant 16 : i32
      %get3A = arith.constant 0 : index
      %get3A_178 = tpu.vector_load %arg17[%get3A] {strides = array<i32>} : memref<256xf32, #tpu.memory_space<vmem>>, vector<16xf32>,
      %get3A_179 = arith.constant 16 : index
      %get3A_180 = tpu.vector_load %arg17[%get3A_179] {strides = array<i32>} : memref<256xf32, #tpu.memory_space<vmem>>, vector<16xf32>,
      %get3A_181 = arith.constant 32 : index
      %get3A_182 = tpu.vector_load %arg17[%get3A_181] {strides = array<i32>} : memref<256xf32, #tpu.memory_space<vmem>>, vector<16xf32>,
      %get3A_183 = arith.constant 48 : index
      %get3A_184 = tpu.vector_load %arg17[%get3A_183] {strides = array<i32>} : memref<256xf32, #tpu.memory_space<vmem>>, vector<16xf32>,
      %get3A_185 = arith.constant 64 : index
      %get3A_186 = tpu.vector_load %arg17[%get3A_185] {strides = array<i32>} : memref<256xf32, #tpu.memory_space<vmem>>, vector<16xf32>,
      %get3A_187 = arith.constant 80 : index
      %get3A_188 = tpu.vector_load %arg17[%get3A_187] {strides = array<i32>} : memref<256xf32, #tpu.memory_space<vmem>>, vector<16xf32>,
      %get3A_189 = arith.constant 96 : index
      %get3A_190 = tpu.vector_load %arg17[%get3A_189] {strides = array<i32>} : memref<256xf32, #tpu.memory_space<vmem>>, vector<16xf32>,
      %get3A_191 = arith.constant 112 : index
      %get3A_192 = tpu.vector_load %arg17[%get3A_191] {strides = array<i32>} : memref<256xf32, #tpu.memory_space<vmem>>, vector<16xf32>,
      %get3A_193 = arith.constant 128 : index
      %get3A_194 = tpu.vector_load %arg17[%get3A_193] {strides = array<i32>} : memref<256xf32, #tpu.memory_space<vmem>>, vector<16xf32>,
      %get3A_195 = arith.constant 144 : index
      %get3A_196 = tpu.vector_load %arg17[%get3A_195] {strides = array<i32>} : memref<256xf32, #tpu.memory_space<vmem>>, vector<16xf32>,
      %get3A_197 = arith.constant 160 : index
      %get3A_198 = tpu.vector_load %arg17[%get3A_197] {strides = array<i32>} : memref<256xf32, #tpu.memory_space<vmem>>, vector<16xf32>,
      %get3A_199 = arith.constant 176 : index
      %get3A_200 = tpu.vector_load %arg17[%get3A_199] {strides = array<i32>} : memref<256xf32, #tpu.memory_space<vmem>>, vector<16xf32>,
      %get3A_201 = arith.constant 192 : index
      %get3A_202 = tpu.vector_load %arg17[%get3A_201] {strides = array<i32>} : memref<256xf32, #tpu.memory_space<vmem>>, vector<16xf32>,
      %get3A_203 = arith.constant 208 : index
      %get3A_204 = tpu.vector_load %arg17[%get3A_203] {strides = array<i32>} : memref<256xf32, #tpu.memory_space<vmem>>, vector<16xf32>,
      %get3A_205 = arith.constant 224 : index
      %get3A_206 = tpu.vector_load %arg17[%get3A_205] {strides = array<i32>} : memref<256xf32, #tpu.memory_space<vmem>>, vector<16xf32>,
      %get3A_207 = arith.constant 240 : index
      %get3A_208 = tpu.vector_load %arg17[%get3A_207] {strides = array<i32>} : memref<256xf32, #tpu.memory_space<vmem>>, vector<16xf32>,
      %add3A_209 = arith.addf %get3A_178, %get3A_180 : vector<16xf32>
      %add3A_210 = arith.addf %get3A_182, %get3A_184 : vector<16xf32>
      %add3A_211 = arith.addf %get3A_186, %get3A_188 : vector<16xf32>
      %add3A_212 = arith.addf %get3A_190, %get3A_192 : vector<16xf32>
      %add3A_213 = arith.addf %get3A_194, %get3A_196 : vector<16xf32>
      %add3A_214 = arith.addf %get3A_198, %get3A_200 : vector<16xf32>
      %add3A_215 = arith.addf %get3A_202, %get3A_204 : vector<16xf32>
      %add3A_216 = arith.addf %get3A_206, %get3A_208 : vector<16xf32>
      %add3A_217 = arith.addf %add3A_209, %add3A_210 : vector<16xf32>
      %add3A_218 = arith.addf %add3A_211, %add3A_212 : vector<16xf32>
      %add3A_219 = arith.addf %add3A_213, %add3A_214 : vector<16xf32>
      %add3A_220 = arith.addf %add3A_215, %add3A_216 : vector<16xf32>
      %add3A_221 = arith.addf %add3A_217, %add3A_218 : vector<16xf32>
      %add3A_222 = arith.addf %add3A_219, %add3A_220 : vector<16xf32>
      %add3A_223 = arith.addf %add3A_221, %add3A_222 : vector<16xf32>
      %mul3A_224 = arith.constant 0.703952252 : f32
      %mul3A_225 = vector.broadcast %mul3A_224 : f32 to vector<16xf32>
      %mul3A_226 = arith.mulf %mul3A_225, %add3A_223 : vector<16xf32>
      %sub3A = arith.constant 1.200000e+01 : f32
      %sub3A_227 = vector.broadcast %sub3A : f32 to vector<16xf32>
      %sub3A_228 = arith.subf %sub3A_227, %mul3A_226 : vector<16xf32>
      %mul3A_229 = arith.constant 16 : i32
      %mul3A_230 = arith.muli %scan3A_171, %mul3A_229 : i32
      %add3A_231 = arith.constant 32 : i32
      %add3A_232 = arith.addi %add3A_231, %mul3A_230 : i32
      %swap3A = arith.index_cast %add3A_232 : i32 to index
      %swap3A_233 = tpu.vector_load %arg18[%swap3A] {strides = array<i32>} : memref<128xf32, #tpu.memory_space<vmem>>, vector<16xf32>,
      tpu.vector_store %arg18[%swap3A], %sub3A_228 {strides = array<i32>} : memref<128xf32, #tpu.memory_space<vmem>>, vector<16xf32>,
    }
    %scan3A_105 = arith.constant 2 : i32
    %dma_start3A_106 = arith.constant 96 : i32
    %dma_start3A_107 = tpu.memref_slice %arg8[%dma_start3A_106] : memref<128xi32, #tpu.memory_space<vmem>> -> memref<32xi32, #tpu.memory_space<vmem>>
    %dma_start3A_108 = arith.constant 0 : i32
    %dma_start3A_109 = arith.constant 0 : i32
    %dma_start3A_110 = tpu.memref_slice %arg2[%dma_start3A_108, %dma_start3A_109] : memref<100000x256xf32, #tpu.memory_space<hbm>> -> memref<100000x256xf32, #tpu.memory_space<hbm>>
    tpu.enqueue_indirect_dma source(%dma_start3A_110 : memref<100000x256xf32, #tpu.memory_space<hbm>>) target(%arg12 : memref<32x256xf32, #tpu.memory_space<vmem>>) offsets(%dma_start3A_107 : memref<32xi32, #tpu.memory_space<vmem>>) semaphore(%arg20 : memref<!tpu.dma_semaphore, #tpu.memory_space<semaphore_mem>>)
    %dma_start3A_111 = arith.constant 96 : i32
    %dma_start3A_112 = tpu.memref_slice %arg10[%dma_start3A_111] : memref<128xi32, #tpu.memory_space<vmem>> -> memref<32xi32, #tpu.memory_space<vmem>>
    %dma_start3A_113 = arith.constant 0 : i32
    %dma_start3A_114 = arith.constant 0 : i32
    %dma_start3A_115 = tpu.memref_slice %arg2[%dma_start3A_113, %dma_start3A_114] : memref<100000x256xf32, #tpu.memory_space<hbm>> -> memref<100000x256xf32, #tpu.memory_space<hbm>>
    tpu.enqueue_indirect_dma source(%dma_start3A_115 : memref<100000x256xf32, #tpu.memory_space<hbm>>) target(%arg14 : memref<32x256xf32, #tpu.memory_space<vmem>>) offsets(%dma_start3A_112 : memref<32xi32, #tpu.memory_space<vmem>>) semaphore(%arg20 : memref<!tpu.dma_semaphore, #tpu.memory_space<semaphore_mem>>)
    %dma_start3A_116 = arith.constant 96 : i32
    %dma_start3A_117 = tpu.memref_slice %arg9[%dma_start3A_116] : memref<128xi32, #tpu.memory_space<vmem>> -> memref<32xi32, #tpu.memory_space<vmem>>
    %dma_start3A_118 = arith.constant 0 : i32
    %dma_start3A_119 = arith.constant 0 : i32
    %dma_start3A_120 = tpu.memref_slice %arg3[%dma_start3A_118, %dma_start3A_119] : memref<1000x256xf32, #tpu.memory_space<hbm>> -> memref<1000x256xf32, #tpu.memory_space<hbm>>
    tpu.enqueue_indirect_dma source(%dma_start3A_120 : memref<1000x256xf32, #tpu.memory_space<hbm>>) target(%arg16 : memref<32x256xf32, #tpu.memory_space<vmem>>) offsets(%dma_start3A_117 : memref<32xi32, #tpu.memory_space<vmem>>) semaphore(%arg20 : memref<!tpu.dma_semaphore, #tpu.memory_space<semaphore_mem>>)
    %dma_wait3A_121 = arith.constant 64 : i32
    %dma_wait3A_122 = tpu.memref_slice %arg8[%dma_wait3A_121] : memref<128xi32, #tpu.memory_space<vmem>> -> memref<32xi32, #tpu.memory_space<vmem>>
    %dma_wait3A_123 = arith.constant 0 : i32
    %dma_wait3A_124 = arith.constant 0 : i32
    %dma_wait3A_125 = tpu.memref_slice %arg2[%dma_wait3A_123, %dma_wait3A_124] : memref<100000x256xf32, #tpu.memory_space<hbm>> -> memref<100000x256xf32, #tpu.memory_space<hbm>>
    tpu.wait_indirect_dma semaphore(%arg19 : memref<!tpu.dma_semaphore, #tpu.memory_space<semaphore_mem>>) src(%dma_wait3A_125 : memref<100000x256xf32, #tpu.memory_space<hbm>>) dst(%arg11 : memref<32x256xf32, #tpu.memory_space<vmem>>)
    %dma_wait3A_126 = arith.constant 64 : i32
    %dma_wait3A_127 = tpu.memref_slice %arg10[%dma_wait3A_126] : memref<128xi32, #tpu.memory_space<vmem>> -> memref<32xi32, #tpu.memory_space<vmem>>
    %dma_wait3A_128 = arith.constant 0 : i32
    %dma_wait3A_129 = arith.constant 0 : i32
    %dma_wait3A_130 = tpu.memref_slice %arg2[%dma_wait3A_128, %dma_wait3A_129] : memref<100000x256xf32, #tpu.memory_space<hbm>> -> memref<100000x256xf32, #tpu.memory_space<hbm>>
    tpu.wait_indirect_dma semaphore(%arg19 : memref<!tpu.dma_semaphore, #tpu.memory_space<semaphore_mem>>) src(%dma_wait3A_130 : memref<100000x256xf32, #tpu.memory_space<hbm>>) dst(%arg13 : memref<32x256xf32, #tpu.memory_space<vmem>>)
    %dma_wait3A_131 = arith.constant 64 : i32
    %dma_wait3A_132 = tpu.memref_slice %arg9[%dma_wait3A_131] : memref<128xi32, #tpu.memory_space<vmem>> -> memref<32xi32, #tpu.memory_space<vmem>>
    %dma_wait3A_133 = arith.constant 0 : i32
    %dma_wait3A_134 = arith.constant 0 : i32
    %dma_wait3A_135 = tpu.memref_slice %arg3[%dma_wait3A_133, %dma_wait3A_134] : memref<1000x256xf32, #tpu.memory_space<hbm>> -> memref<1000x256xf32, #tpu.memory_space<hbm>>
    tpu.wait_indirect_dma semaphore(%arg19 : memref<!tpu.dma_semaphore, #tpu.memory_space<semaphore_mem>>) src(%dma_wait3A_135 : memref<1000x256xf32, #tpu.memory_space<hbm>>) dst(%arg15 : memref<32x256xf32, #tpu.memory_space<vmem>>)
    %iota3A_136 = tpu.iota {dimensions = array<i32: 0>} : vector<16xi32>
    %mul3A_137 = arith.constant 16 : i32
    %mul3A_138 = vector.broadcast %mul3A_137 : i32 to vector<16xi32>
    %mul3A_139 = arith.muli %iota3A_136, %mul3A_138 : vector<16xi32>
    %scan3A_140 = arith.constant 0 : i32
    %scan3A_141 = arith.constant 0 : i32
    %scan3A_142 = arith.constant 2 : i32
    %scan3A_143 = arith.addi %scan3A_141, %scan3A_142 : i32
    %scan3A_144 = arith.constant 1 : i32
    scf.for %scan3A_171 = %scan3A_141 to %scan3A_143 step %scan3A_144  : i32 {
      %scan3A_172 = arith.constant 0 : i32
      %scan3A_173 = arith.constant 0 : i32
      %scan3A_174 = arith.constant 16 : i32
      %scan3A_175 = arith.addi %scan3A_173, %scan3A_174 : i32
      %scan3A_176 = arith.constant 1 : i32
      scf.for %scan3A_234 = %scan3A_173 to %scan3A_175 step %scan3A_176  : i32 {
        %mul3A_235 = arith.constant 16 : i32
        %mul3A_236 = arith.muli %scan3A_171, %mul3A_235 : i32
        %add3A_237 = arith.addi %mul3A_236, %scan3A_234 : i32
        %get3A_238 = arith.index_cast %add3A_237 : i32 to index
        %get3A_239 = arith.constant 0 : index
        %get3A_240 = tpu.vector_load %arg11[%get3A_238, %get3A_239] {strides = array<i32>} : memref<32x256xf32, #tpu.memory_space<vmem>>, vector<16xf32>,
        %get3A_241 = arith.index_cast %add3A_237 : i32 to index
        %get3A_242 = arith.constant 128 : index
        %get3A_243 = tpu.vector_load %arg11[%get3A_241, %get3A_242] {strides = array<i32>} : memref<32x256xf32, #tpu.memory_space<vmem>>, vector<16xf32>,
        %get3A_244 = arith.index_cast %add3A_237 : i32 to index
        %get3A_245 = arith.constant 0 : index
        %get3A_246 = tpu.vector_load %arg13[%get3A_244, %get3A_245] {strides = array<i32>} : memref<32x256xf32, #tpu.memory_space<vmem>>, vector<16xf32>,
        %get3A_247 = arith.index_cast %add3A_237 : i32 to index
        %get3A_248 = arith.constant 128 : index
        %get3A_249 = tpu.vector_load %arg13[%get3A_247, %get3A_248] {strides = array<i32>} : memref<32x256xf32, #tpu.memory_space<vmem>>, vector<16xf32>,
        %get3A_250 = arith.index_cast %add3A_237 : i32 to index
        %get3A_251 = arith.constant 0 : index
        %get3A_252 = tpu.vector_load %arg15[%get3A_250, %get3A_251] {strides = array<i32>} : memref<32x256xf32, #tpu.memory_space<vmem>>, vector<16xf32>,
        %get3A_253 = arith.index_cast %add3A_237 : i32 to index
        %get3A_254 = arith.constant 128 : index
        %get3A_255 = tpu.vector_load %arg15[%get3A_253, %get3A_254] {strides = array<i32>} : memref<32x256xf32, #tpu.memory_space<vmem>>, vector<16xf32>,
        %mul3A_256 = arith.mulf %get3A_240, %get3A_252 : vector<16xf32>
        %mul3A_257 = arith.mulf %get3A_243, %get3A_255 : vector<16xf32>
        %sub3A_258 = arith.subf %mul3A_256, %mul3A_257 : vector<16xf32>
        %sub3A_259 = arith.subf %sub3A_258, %get3A_246 : vector<16xf32>
        %mul3A_260 = arith.mulf %get3A_240, %get3A_255 : vector<16xf32>
        %mul3A_261 = arith.mulf %get3A_243, %get3A_252 : vector<16xf32>
        %add3A_262 = arith.addf %mul3A_260, %mul3A_261 : vector<16xf32>
        %sub3A_263 = arith.subf %add3A_262, %get3A_249 : vector<16xf32>
        %mul3A_264 = arith.mulf %sub3A_259, %sub3A_259 : vector<16xf32>
        %mul3A_265 = arith.mulf %sub3A_263, %sub3A_263 : vector<16xf32>
        %add3A_266 = arith.constant 1.000000e-30 : f32
        %add3A_267 = vector.broadcast %add3A_266 : f32 to vector<16xf32>
        %add3A_268 = arith.addf %mul3A_265, %add3A_267 : vector<16xf32>
        %add3A_269 = arith.addf %mul3A_264, %add3A_268 : vector<16xf32>
        %bitcast3A = vector.bitcast %add3A_269 : vector<16xf32> to vector<16xi32>
        %shift_right_logical3A = arith.constant 1 : i32
        %shift_right_logical3A_270 = vector.broadcast %shift_right_logical3A : i32 to vector<16xi32>
        %shift_right_logical3A_271 = arith.shrui %bitcast3A, %shift_right_logical3A_270 : vector<16xi32>
        %sub3A_272 = arith.constant 1595932665 : i32
        %sub3A_273 = vector.broadcast %sub3A_272 : i32 to vector<16xi32>
        %sub3A_274 = arith.subi %sub3A_273, %shift_right_logical3A_271 : vector<16xi32>
        %bitcast3A_275 = vector.bitcast %sub3A_274 : vector<16xi32> to vector<16xf32>
        %mul3A_276 = arith.mulf %add3A_269, %bitcast3A_275 : vector<16xf32>
        %mul3A_277 = arith.mulf %mul3A_276, %bitcast3A_275 : vector<16xf32>
        %sub3A_278 = arith.constant 2.38924456 : f32
        %sub3A_279 = vector.broadcast %sub3A_278 : f32 to vector<16xf32>
        %sub3A_280 = arith.subf %sub3A_279, %mul3A_277 : vector<16xf32>
        %mul3A_281 = arith.mulf %mul3A_276, %sub3A_280 : vector<16xf32>
        %get3A_282 = arith.index_cast %add3A_237 : i32 to index
        %get3A_283 = arith.constant 16 : index
        %get3A_284 = tpu.vector_load %arg11[%get3A_282, %get3A_283] {strides = array<i32>} : memref<32x256xf32, #tpu.memory_space<vmem>>, vector<16xf32>,
        %get3A_285 = arith.index_cast %add3A_237 : i32 to index
        %get3A_286 = arith.constant 144 : index
        %get3A_287 = tpu.vector_load %arg11[%get3A_285, %get3A_286] {strides = array<i32>} : memref<32x256xf32, #tpu.memory_space<vmem>>, vector<16xf32>,
        %get3A_288 = arith.index_cast %add3A_237 : i32 to index
        %get3A_289 = arith.constant 16 : index
        %get3A_290 = tpu.vector_load %arg13[%get3A_288, %get3A_289] {strides = array<i32>} : memref<32x256xf32, #tpu.memory_space<vmem>>, vector<16xf32>,
        %get3A_291 = arith.index_cast %add3A_237 : i32 to index
        %get3A_292 = arith.constant 144 : index
        %get3A_293 = tpu.vector_load %arg13[%get3A_291, %get3A_292] {strides = array<i32>} : memref<32x256xf32, #tpu.memory_space<vmem>>, vector<16xf32>,
        %get3A_294 = arith.index_cast %add3A_237 : i32 to index
        %get3A_295 = arith.constant 16 : index
        %get3A_296 = tpu.vector_load %arg15[%get3A_294, %get3A_295] {strides = array<i32>} : memref<32x256xf32, #tpu.memory_space<vmem>>, vector<16xf32>,
        %get3A_297 = arith.index_cast %add3A_237 : i32 to index
        %get3A_298 = arith.constant 144 : index
        %get3A_299 = tpu.vector_load %arg15[%get3A_297, %get3A_298] {strides = array<i32>} : memref<32x256xf32, #tpu.memory_space<vmem>>, vector<16xf32>,
        %mul3A_300 = arith.mulf %get3A_284, %get3A_296 : vector<16xf32>
        %mul3A_301 = arith.mulf %get3A_287, %get3A_299 : vector<16xf32>
        %sub3A_302 = arith.subf %mul3A_300, %mul3A_301 : vector<16xf32>
        %sub3A_303 = arith.subf %sub3A_302, %get3A_290 : vector<16xf32>
        %mul3A_304 = arith.mulf %get3A_284, %get3A_299 : vector<16xf32>
        %mul3A_305 = arith.mulf %get3A_287, %get3A_296 : vector<16xf32>
        %add3A_306 = arith.addf %mul3A_304, %mul3A_305 : vector<16xf32>
        %sub3A_307 = arith.subf %add3A_306, %get3A_293 : vector<16xf32>
        %mul3A_308 = arith.mulf %sub3A_303, %sub3A_303 : vector<16xf32>
        %mul3A_309 = arith.mulf %sub3A_307, %sub3A_307 : vector<16xf32>
        %add3A_310 = arith.constant 1.000000e-30 : f32
        %add3A_311 = vector.broadcast %add3A_310 : f32 to vector<16xf32>
        %add3A_312 = arith.addf %mul3A_309, %add3A_311 : vector<16xf32>
        %add3A_313 = arith.addf %mul3A_308, %add3A_312 : vector<16xf32>
        %bitcast3A_314 = vector.bitcast %add3A_313 : vector<16xf32> to vector<16xi32>
        %shift_right_logical3A_315 = arith.constant 1 : i32
        %shift_right_logical3A_316 = vector.broadcast %shift_right_logical3A_315 : i32 to vector<16xi32>
        %shift_right_logical3A_317 = arith.shrui %bitcast3A_314, %shift_right_logical3A_316 : vector<16xi32>
        %sub3A_318 = arith.constant 1595932665 : i32
        %sub3A_319 = vector.broadcast %sub3A_318 : i32 to vector<16xi32>
        %sub3A_320 = arith.subi %sub3A_319, %shift_right_logical3A_317 : vector<16xi32>
        %bitcast3A_321 = vector.bitcast %sub3A_320 : vector<16xi32> to vector<16xf32>
        %mul3A_322 = arith.mulf %add3A_313, %bitcast3A_321 : vector<16xf32>
        %mul3A_323 = arith.mulf %mul3A_322, %bitcast3A_321 : vector<16xf32>
        %sub3A_324 = arith.constant 2.38924456 : f32
        %sub3A_325 = vector.broadcast %sub3A_324 : f32 to vector<16xf32>
        %sub3A_326 = arith.subf %sub3A_325, %mul3A_323 : vector<16xf32>
        %mul3A_327 = arith.mulf %mul3A_322, %sub3A_326 : vector<16xf32>
        %get3A_328 = arith.index_cast %add3A_237 : i32 to index
        %get3A_329 = arith.constant 32 : index
        %get3A_330 = tpu.vector_load %arg11[%get3A_328, %get3A_329] {strides = array<i32>} : memref<32x256xf32, #tpu.memory_space<vmem>>, vector<16xf32>,
        %get3A_331 = arith.index_cast %add3A_237 : i32 to index
        %get3A_332 = arith.constant 160 : index
        %get3A_333 = tpu.vector_load %arg11[%get3A_331, %get3A_332] {strides = array<i32>} : memref<32x256xf32, #tpu.memory_space<vmem>>, vector<16xf32>,
        %get3A_334 = arith.index_cast %add3A_237 : i32 to index
        %get3A_335 = arith.constant 32 : index
        %get3A_336 = tpu.vector_load %arg13[%get3A_334, %get3A_335] {strides = array<i32>} : memref<32x256xf32, #tpu.memory_space<vmem>>, vector<16xf32>,
        %get3A_337 = arith.index_cast %add3A_237 : i32 to index
        %get3A_338 = arith.constant 160 : index
        %get3A_339 = tpu.vector_load %arg13[%get3A_337, %get3A_338] {strides = array<i32>} : memref<32x256xf32, #tpu.memory_space<vmem>>, vector<16xf32>,
        %get3A_340 = arith.index_cast %add3A_237 : i32 to index
        %get3A_341 = arith.constant 32 : index
        %get3A_342 = tpu.vector_load %arg15[%get3A_340, %get3A_341] {strides = array<i32>} : memref<32x256xf32, #tpu.memory_space<vmem>>, vector<16xf32>,
        %get3A_343 = arith.index_cast %add3A_237 : i32 to index
        %get3A_344 = arith.constant 160 : index
        %get3A_345 = tpu.vector_load %arg15[%get3A_343, %get3A_344] {strides = array<i32>} : memref<32x256xf32, #tpu.memory_space<vmem>>, vector<16xf32>,
        %mul3A_346 = arith.mulf %get3A_330, %get3A_342 : vector<16xf32>
        %mul3A_347 = arith.mulf %get3A_333, %get3A_345 : vector<16xf32>
        %sub3A_348 = arith.subf %mul3A_346, %mul3A_347 : vector<16xf32>
        %sub3A_349 = arith.subf %sub3A_348, %get3A_336 : vector<16xf32>
        %mul3A_350 = arith.mulf %get3A_330, %get3A_345 : vector<16xf32>
        %mul3A_351 = arith.mulf %get3A_333, %get3A_342 : vector<16xf32>
        %add3A_352 = arith.addf %mul3A_350, %mul3A_351 : vector<16xf32>
        %sub3A_353 = arith.subf %add3A_352, %get3A_339 : vector<16xf32>
        %mul3A_354 = arith.mulf %sub3A_349, %sub3A_349 : vector<16xf32>
        %mul3A_355 = arith.mulf %sub3A_353, %sub3A_353 : vector<16xf32>
        %add3A_356 = arith.constant 1.000000e-30 : f32
        %add3A_357 = vector.broadcast %add3A_356 : f32 to vector<16xf32>
        %add3A_358 = arith.addf %mul3A_355, %add3A_357 : vector<16xf32>
        %add3A_359 = arith.addf %mul3A_354, %add3A_358 : vector<16xf32>
        %bitcast3A_360 = vector.bitcast %add3A_359 : vector<16xf32> to vector<16xi32>
        %shift_right_logical3A_361 = arith.constant 1 : i32
        %shift_right_logical3A_362 = vector.broadcast %shift_right_logical3A_361 : i32 to vector<16xi32>
        %shift_right_logical3A_363 = arith.shrui %bitcast3A_360, %shift_right_logical3A_362 : vector<16xi32>
        %sub3A_364 = arith.constant 1595932665 : i32
        %sub3A_365 = vector.broadcast %sub3A_364 : i32 to vector<16xi32>
        %sub3A_366 = arith.subi %sub3A_365, %shift_right_logical3A_363 : vector<16xi32>
        %bitcast3A_367 = vector.bitcast %sub3A_366 : vector<16xi32> to vector<16xf32>
        %mul3A_368 = arith.mulf %add3A_359, %bitcast3A_367 : vector<16xf32>
        %mul3A_369 = arith.mulf %mul3A_368, %bitcast3A_367 : vector<16xf32>
        %sub3A_370 = arith.constant 2.38924456 : f32
        %sub3A_371 = vector.broadcast %sub3A_370 : f32 to vector<16xf32>
        %sub3A_372 = arith.subf %sub3A_371, %mul3A_369 : vector<16xf32>
        %mul3A_373 = arith.mulf %mul3A_368, %sub3A_372 : vector<16xf32>
        %get3A_374 = arith.index_cast %add3A_237 : i32 to index
        %get3A_375 = arith.constant 48 : index
        %get3A_376 = tpu.vector_load %arg11[%get3A_374, %get3A_375] {strides = array<i32>} : memref<32x256xf32, #tpu.memory_space<vmem>>, vector<16xf32>,
        %get3A_377 = arith.index_cast %add3A_237 : i32 to index
        %get3A_378 = arith.constant 176 : index
        %get3A_379 = tpu.vector_load %arg11[%get3A_377, %get3A_378] {strides = array<i32>} : memref<32x256xf32, #tpu.memory_space<vmem>>, vector<16xf32>,
        %get3A_380 = arith.index_cast %add3A_237 : i32 to index
        %get3A_381 = arith.constant 48 : index
        %get3A_382 = tpu.vector_load %arg13[%get3A_380, %get3A_381] {strides = array<i32>} : memref<32x256xf32, #tpu.memory_space<vmem>>, vector<16xf32>,
        %get3A_383 = arith.index_cast %add3A_237 : i32 to index
        %get3A_384 = arith.constant 176 : index
        %get3A_385 = tpu.vector_load %arg13[%get3A_383, %get3A_384] {strides = array<i32>} : memref<32x256xf32, #tpu.memory_space<vmem>>, vector<16xf32>,
        %get3A_386 = arith.index_cast %add3A_237 : i32 to index
        %get3A_387 = arith.constant 48 : index
        %get3A_388 = tpu.vector_load %arg15[%get3A_386, %get3A_387] {strides = array<i32>} : memref<32x256xf32, #tpu.memory_space<vmem>>, vector<16xf32>,
        %get3A_389 = arith.index_cast %add3A_237 : i32 to index
        %get3A_390 = arith.constant 176 : index
        %get3A_391 = tpu.vector_load %arg15[%get3A_389, %get3A_390] {strides = array<i32>} : memref<32x256xf32, #tpu.memory_space<vmem>>, vector<16xf32>,
        %mul3A_392 = arith.mulf %get3A_376, %get3A_388 : vector<16xf32>
        %mul3A_393 = arith.mulf %get3A_379, %get3A_391 : vector<16xf32>
        %sub3A_394 = arith.subf %mul3A_392, %mul3A_393 : vector<16xf32>
        %sub3A_395 = arith.subf %sub3A_394, %get3A_382 : vector<16xf32>
        %mul3A_396 = arith.mulf %get3A_376, %get3A_391 : vector<16xf32>
        %mul3A_397 = arith.mulf %get3A_379, %get3A_388 : vector<16xf32>
        %add3A_398 = arith.addf %mul3A_396, %mul3A_397 : vector<16xf32>
        %sub3A_399 = arith.subf %add3A_398, %get3A_385 : vector<16xf32>
        %mul3A_400 = arith.mulf %sub3A_395, %sub3A_395 : vector<16xf32>
        %mul3A_401 = arith.mulf %sub3A_399, %sub3A_399 : vector<16xf32>
        %add3A_402 = arith.constant 1.000000e-30 : f32
        %add3A_403 = vector.broadcast %add3A_402 : f32 to vector<16xf32>
        %add3A_404 = arith.addf %mul3A_401, %add3A_403 : vector<16xf32>
        %add3A_405 = arith.addf %mul3A_400, %add3A_404 : vector<16xf32>
        %bitcast3A_406 = vector.bitcast %add3A_405 : vector<16xf32> to vector<16xi32>
        %shift_right_logical3A_407 = arith.constant 1 : i32
        %shift_right_logical3A_408 = vector.broadcast %shift_right_logical3A_407 : i32 to vector<16xi32>
        %shift_right_logical3A_409 = arith.shrui %bitcast3A_406, %shift_right_logical3A_408 : vector<16xi32>
        %sub3A_410 = arith.constant 1595932665 : i32
        %sub3A_411 = vector.broadcast %sub3A_410 : i32 to vector<16xi32>
        %sub3A_412 = arith.subi %sub3A_411, %shift_right_logical3A_409 : vector<16xi32>
        %bitcast3A_413 = vector.bitcast %sub3A_412 : vector<16xi32> to vector<16xf32>
        %mul3A_414 = arith.mulf %add3A_405, %bitcast3A_413 : vector<16xf32>
        %mul3A_415 = arith.mulf %mul3A_414, %bitcast3A_413 : vector<16xf32>
        %sub3A_416 = arith.constant 2.38924456 : f32
        %sub3A_417 = vector.broadcast %sub3A_416 : f32 to vector<16xf32>
        %sub3A_418 = arith.subf %sub3A_417, %mul3A_415 : vector<16xf32>
        %mul3A_419 = arith.mulf %mul3A_414, %sub3A_418 : vector<16xf32>
        %get3A_420 = arith.index_cast %add3A_237 : i32 to index
        %get3A_421 = arith.constant 64 : index
        %get3A_422 = tpu.vector_load %arg11[%get3A_420, %get3A_421] {strides = array<i32>} : memref<32x256xf32, #tpu.memory_space<vmem>>, vector<16xf32>,
        %get3A_423 = arith.index_cast %add3A_237 : i32 to index
        %get3A_424 = arith.constant 192 : index
        %get3A_425 = tpu.vector_load %arg11[%get3A_423, %get3A_424] {strides = array<i32>} : memref<32x256xf32, #tpu.memory_space<vmem>>, vector<16xf32>,
        %get3A_426 = arith.index_cast %add3A_237 : i32 to index
        %get3A_427 = arith.constant 64 : index
        %get3A_428 = tpu.vector_load %arg13[%get3A_426, %get3A_427] {strides = array<i32>} : memref<32x256xf32, #tpu.memory_space<vmem>>, vector<16xf32>,
        %get3A_429 = arith.index_cast %add3A_237 : i32 to index
        %get3A_430 = arith.constant 192 : index
        %get3A_431 = tpu.vector_load %arg13[%get3A_429, %get3A_430] {strides = array<i32>} : memref<32x256xf32, #tpu.memory_space<vmem>>, vector<16xf32>,
        %get3A_432 = arith.index_cast %add3A_237 : i32 to index
        %get3A_433 = arith.constant 64 : index
        %get3A_434 = tpu.vector_load %arg15[%get3A_432, %get3A_433] {strides = array<i32>} : memref<32x256xf32, #tpu.memory_space<vmem>>, vector<16xf32>,
        %get3A_435 = arith.index_cast %add3A_237 : i32 to index
        %get3A_436 = arith.constant 192 : index
        %get3A_437 = tpu.vector_load %arg15[%get3A_435, %get3A_436] {strides = array<i32>} : memref<32x256xf32, #tpu.memory_space<vmem>>, vector<16xf32>,
        %mul3A_438 = arith.mulf %get3A_422, %get3A_434 : vector<16xf32>
        %mul3A_439 = arith.mulf %get3A_425, %get3A_437 : vector<16xf32>
        %sub3A_440 = arith.subf %mul3A_438, %mul3A_439 : vector<16xf32>
        %sub3A_441 = arith.subf %sub3A_440, %get3A_428 : vector<16xf32>
        %mul3A_442 = arith.mulf %get3A_422, %get3A_437 : vector<16xf32>
        %mul3A_443 = arith.mulf %get3A_425, %get3A_434 : vector<16xf32>
        %add3A_444 = arith.addf %mul3A_442, %mul3A_443 : vector<16xf32>
        %sub3A_445 = arith.subf %add3A_444, %get3A_431 : vector<16xf32>
        %mul3A_446 = arith.mulf %sub3A_441, %sub3A_441 : vector<16xf32>
        %mul3A_447 = arith.mulf %sub3A_445, %sub3A_445 : vector<16xf32>
        %add3A_448 = arith.constant 1.000000e-30 : f32
        %add3A_449 = vector.broadcast %add3A_448 : f32 to vector<16xf32>
        %add3A_450 = arith.addf %mul3A_447, %add3A_449 : vector<16xf32>
        %add3A_451 = arith.addf %mul3A_446, %add3A_450 : vector<16xf32>
        %bitcast3A_452 = vector.bitcast %add3A_451 : vector<16xf32> to vector<16xi32>
        %shift_right_logical3A_453 = arith.constant 1 : i32
        %shift_right_logical3A_454 = vector.broadcast %shift_right_logical3A_453 : i32 to vector<16xi32>
        %shift_right_logical3A_455 = arith.shrui %bitcast3A_452, %shift_right_logical3A_454 : vector<16xi32>
        %sub3A_456 = arith.constant 1595932665 : i32
        %sub3A_457 = vector.broadcast %sub3A_456 : i32 to vector<16xi32>
        %sub3A_458 = arith.subi %sub3A_457, %shift_right_logical3A_455 : vector<16xi32>
        %bitcast3A_459 = vector.bitcast %sub3A_458 : vector<16xi32> to vector<16xf32>
        %mul3A_460 = arith.mulf %add3A_451, %bitcast3A_459 : vector<16xf32>
        %mul3A_461 = arith.mulf %mul3A_460, %bitcast3A_459 : vector<16xf32>
        %sub3A_462 = arith.constant 2.38924456 : f32
        %sub3A_463 = vector.broadcast %sub3A_462 : f32 to vector<16xf32>
        %sub3A_464 = arith.subf %sub3A_463, %mul3A_461 : vector<16xf32>
        %mul3A_465 = arith.mulf %mul3A_460, %sub3A_464 : vector<16xf32>
        %get3A_466 = arith.index_cast %add3A_237 : i32 to index
        %get3A_467 = arith.constant 80 : index
        %get3A_468 = tpu.vector_load %arg11[%get3A_466, %get3A_467] {strides = array<i32>} : memref<32x256xf32, #tpu.memory_space<vmem>>, vector<16xf32>,
        %get3A_469 = arith.index_cast %add3A_237 : i32 to index
        %get3A_470 = arith.constant 208 : index
        %get3A_471 = tpu.vector_load %arg11[%get3A_469, %get3A_470] {strides = array<i32>} : memref<32x256xf32, #tpu.memory_space<vmem>>, vector<16xf32>,
        %get3A_472 = arith.index_cast %add3A_237 : i32 to index
        %get3A_473 = arith.constant 80 : index
        %get3A_474 = tpu.vector_load %arg13[%get3A_472, %get3A_473] {strides = array<i32>} : memref<32x256xf32, #tpu.memory_space<vmem>>, vector<16xf32>,
        %get3A_475 = arith.index_cast %add3A_237 : i32 to index
        %get3A_476 = arith.constant 208 : index
        %get3A_477 = tpu.vector_load %arg13[%get3A_475, %get3A_476] {strides = array<i32>} : memref<32x256xf32, #tpu.memory_space<vmem>>, vector<16xf32>,
        %get3A_478 = arith.index_cast %add3A_237 : i32 to index
        %get3A_479 = arith.constant 80 : index
        %get3A_480 = tpu.vector_load %arg15[%get3A_478, %get3A_479] {strides = array<i32>} : memref<32x256xf32, #tpu.memory_space<vmem>>, vector<16xf32>,
        %get3A_481 = arith.index_cast %add3A_237 : i32 to index
        %get3A_482 = arith.constant 208 : index
        %get3A_483 = tpu.vector_load %arg15[%get3A_481, %get3A_482] {strides = array<i32>} : memref<32x256xf32, #tpu.memory_space<vmem>>, vector<16xf32>,
        %mul3A_484 = arith.mulf %get3A_468, %get3A_480 : vector<16xf32>
        %mul3A_485 = arith.mulf %get3A_471, %get3A_483 : vector<16xf32>
        %sub3A_486 = arith.subf %mul3A_484, %mul3A_485 : vector<16xf32>
        %sub3A_487 = arith.subf %sub3A_486, %get3A_474 : vector<16xf32>
        %mul3A_488 = arith.mulf %get3A_468, %get3A_483 : vector<16xf32>
        %mul3A_489 = arith.mulf %get3A_471, %get3A_480 : vector<16xf32>
        %add3A_490 = arith.addf %mul3A_488, %mul3A_489 : vector<16xf32>
        %sub3A_491 = arith.subf %add3A_490, %get3A_477 : vector<16xf32>
        %mul3A_492 = arith.mulf %sub3A_487, %sub3A_487 : vector<16xf32>
        %mul3A_493 = arith.mulf %sub3A_491, %sub3A_491 : vector<16xf32>
        %add3A_494 = arith.constant 1.000000e-30 : f32
        %add3A_495 = vector.broadcast %add3A_494 : f32 to vector<16xf32>
        %add3A_496 = arith.addf %mul3A_493, %add3A_495 : vector<16xf32>
        %add3A_497 = arith.addf %mul3A_492, %add3A_496 : vector<16xf32>
        %bitcast3A_498 = vector.bitcast %add3A_497 : vector<16xf32> to vector<16xi32>
        %shift_right_logical3A_499 = arith.constant 1 : i32
        %shift_right_logical3A_500 = vector.broadcast %shift_right_logical3A_499 : i32 to vector<16xi32>
        %shift_right_logical3A_501 = arith.shrui %bitcast3A_498, %shift_right_logical3A_500 : vector<16xi32>
        %sub3A_502 = arith.constant 1595932665 : i32
        %sub3A_503 = vector.broadcast %sub3A_502 : i32 to vector<16xi32>
        %sub3A_504 = arith.subi %sub3A_503, %shift_right_logical3A_501 : vector<16xi32>
        %bitcast3A_505 = vector.bitcast %sub3A_504 : vector<16xi32> to vector<16xf32>
        %mul3A_506 = arith.mulf %add3A_497, %bitcast3A_505 : vector<16xf32>
        %mul3A_507 = arith.mulf %mul3A_506, %bitcast3A_505 : vector<16xf32>
        %sub3A_508 = arith.constant 2.38924456 : f32
        %sub3A_509 = vector.broadcast %sub3A_508 : f32 to vector<16xf32>
        %sub3A_510 = arith.subf %sub3A_509, %mul3A_507 : vector<16xf32>
        %mul3A_511 = arith.mulf %mul3A_506, %sub3A_510 : vector<16xf32>
        %get3A_512 = arith.index_cast %add3A_237 : i32 to index
        %get3A_513 = arith.constant 96 : index
        %get3A_514 = tpu.vector_load %arg11[%get3A_512, %get3A_513] {strides = array<i32>} : memref<32x256xf32, #tpu.memory_space<vmem>>, vector<16xf32>,
        %get3A_515 = arith.index_cast %add3A_237 : i32 to index
        %get3A_516 = arith.constant 224 : index
        %get3A_517 = tpu.vector_load %arg11[%get3A_515, %get3A_516] {strides = array<i32>} : memref<32x256xf32, #tpu.memory_space<vmem>>, vector<16xf32>,
        %get3A_518 = arith.index_cast %add3A_237 : i32 to index
        %get3A_519 = arith.constant 96 : index
        %get3A_520 = tpu.vector_load %arg13[%get3A_518, %get3A_519] {strides = array<i32>} : memref<32x256xf32, #tpu.memory_space<vmem>>, vector<16xf32>,
        %get3A_521 = arith.index_cast %add3A_237 : i32 to index
        %get3A_522 = arith.constant 224 : index
        %get3A_523 = tpu.vector_load %arg13[%get3A_521, %get3A_522] {strides = array<i32>} : memref<32x256xf32, #tpu.memory_space<vmem>>, vector<16xf32>,
        %get3A_524 = arith.index_cast %add3A_237 : i32 to index
        %get3A_525 = arith.constant 96 : index
        %get3A_526 = tpu.vector_load %arg15[%get3A_524, %get3A_525] {strides = array<i32>} : memref<32x256xf32, #tpu.memory_space<vmem>>, vector<16xf32>,
        %get3A_527 = arith.index_cast %add3A_237 : i32 to index
        %get3A_528 = arith.constant 224 : index
        %get3A_529 = tpu.vector_load %arg15[%get3A_527, %get3A_528] {strides = array<i32>} : memref<32x256xf32, #tpu.memory_space<vmem>>, vector<16xf32>,
        %mul3A_530 = arith.mulf %get3A_514, %get3A_526 : vector<16xf32>
        %mul3A_531 = arith.mulf %get3A_517, %get3A_529 : vector<16xf32>
        %sub3A_532 = arith.subf %mul3A_530, %mul3A_531 : vector<16xf32>
        %sub3A_533 = arith.subf %sub3A_532, %get3A_520 : vector<16xf32>
        %mul3A_534 = arith.mulf %get3A_514, %get3A_529 : vector<16xf32>
        %mul3A_535 = arith.mulf %get3A_517, %get3A_526 : vector<16xf32>
        %add3A_536 = arith.addf %mul3A_534, %mul3A_535 : vector<16xf32>
        %sub3A_537 = arith.subf %add3A_536, %get3A_523 : vector<16xf32>
        %mul3A_538 = arith.mulf %sub3A_533, %sub3A_533 : vector<16xf32>
        %mul3A_539 = arith.mulf %sub3A_537, %sub3A_537 : vector<16xf32>
        %add3A_540 = arith.constant 1.000000e-30 : f32
        %add3A_541 = vector.broadcast %add3A_540 : f32 to vector<16xf32>
        %add3A_542 = arith.addf %mul3A_539, %add3A_541 : vector<16xf32>
        %add3A_543 = arith.addf %mul3A_538, %add3A_542 : vector<16xf32>
        %bitcast3A_544 = vector.bitcast %add3A_543 : vector<16xf32> to vector<16xi32>
        %shift_right_logical3A_545 = arith.constant 1 : i32
        %shift_right_logical3A_546 = vector.broadcast %shift_right_logical3A_545 : i32 to vector<16xi32>
        %shift_right_logical3A_547 = arith.shrui %bitcast3A_544, %shift_right_logical3A_546 : vector<16xi32>
        %sub3A_548 = arith.constant 1595932665 : i32
        %sub3A_549 = vector.broadcast %sub3A_548 : i32 to vector<16xi32>
        %sub3A_550 = arith.subi %sub3A_549, %shift_right_logical3A_547 : vector<16xi32>
        %bitcast3A_551 = vector.bitcast %sub3A_550 : vector<16xi32> to vector<16xf32>
        %mul3A_552 = arith.mulf %add3A_543, %bitcast3A_551 : vector<16xf32>
        %mul3A_553 = arith.mulf %mul3A_552, %bitcast3A_551 : vector<16xf32>
        %sub3A_554 = arith.constant 2.38924456 : f32
        %sub3A_555 = vector.broadcast %sub3A_554 : f32 to vector<16xf32>
        %sub3A_556 = arith.subf %sub3A_555, %mul3A_553 : vector<16xf32>
        %mul3A_557 = arith.mulf %mul3A_552, %sub3A_556 : vector<16xf32>
        %get3A_558 = arith.index_cast %add3A_237 : i32 to index
        %get3A_559 = arith.constant 112 : index
        %get3A_560 = tpu.vector_load %arg11[%get3A_558, %get3A_559] {strides = array<i32>} : memref<32x256xf32, #tpu.memory_space<vmem>>, vector<16xf32>,
        %get3A_561 = arith.index_cast %add3A_237 : i32 to index
        %get3A_562 = arith.constant 240 : index
        %get3A_563 = tpu.vector_load %arg11[%get3A_561, %get3A_562] {strides = array<i32>} : memref<32x256xf32, #tpu.memory_space<vmem>>, vector<16xf32>,
        %get3A_564 = arith.index_cast %add3A_237 : i32 to index
        %get3A_565 = arith.constant 112 : index
        %get3A_566 = tpu.vector_load %arg13[%get3A_564, %get3A_565] {strides = array<i32>} : memref<32x256xf32, #tpu.memory_space<vmem>>, vector<16xf32>,
        %get3A_567 = arith.index_cast %add3A_237 : i32 to index
        %get3A_568 = arith.constant 240 : index
        %get3A_569 = tpu.vector_load %arg13[%get3A_567, %get3A_568] {strides = array<i32>} : memref<32x256xf32, #tpu.memory_space<vmem>>, vector<16xf32>,
        %get3A_570 = arith.index_cast %add3A_237 : i32 to index
        %get3A_571 = arith.constant 112 : index
        %get3A_572 = tpu.vector_load %arg15[%get3A_570, %get3A_571] {strides = array<i32>} : memref<32x256xf32, #tpu.memory_space<vmem>>, vector<16xf32>,
        %get3A_573 = arith.index_cast %add3A_237 : i32 to index
        %get3A_574 = arith.constant 240 : index
        %get3A_575 = tpu.vector_load %arg15[%get3A_573, %get3A_574] {strides = array<i32>} : memref<32x256xf32, #tpu.memory_space<vmem>>, vector<16xf32>,
        %mul3A_576 = arith.mulf %get3A_560, %get3A_572 : vector<16xf32>
        %mul3A_577 = arith.mulf %get3A_563, %get3A_575 : vector<16xf32>
        %sub3A_578 = arith.subf %mul3A_576, %mul3A_577 : vector<16xf32>
        %sub3A_579 = arith.subf %sub3A_578, %get3A_566 : vector<16xf32>
        %mul3A_580 = arith.mulf %get3A_560, %get3A_575 : vector<16xf32>
        %mul3A_581 = arith.mulf %get3A_563, %get3A_572 : vector<16xf32>
        %add3A_582 = arith.addf %mul3A_580, %mul3A_581 : vector<16xf32>
        %sub3A_583 = arith.subf %add3A_582, %get3A_569 : vector<16xf32>
        %mul3A_584 = arith.mulf %sub3A_579, %sub3A_579 : vector<16xf32>
        %mul3A_585 = arith.mulf %sub3A_583, %sub3A_583 : vector<16xf32>
        %add3A_586 = arith.constant 1.000000e-30 : f32
        %add3A_587 = vector.broadcast %add3A_586 : f32 to vector<16xf32>
        %add3A_588 = arith.addf %mul3A_585, %add3A_587 : vector<16xf32>
        %add3A_589 = arith.addf %mul3A_584, %add3A_588 : vector<16xf32>
        %bitcast3A_590 = vector.bitcast %add3A_589 : vector<16xf32> to vector<16xi32>
        %shift_right_logical3A_591 = arith.constant 1 : i32
        %shift_right_logical3A_592 = vector.broadcast %shift_right_logical3A_591 : i32 to vector<16xi32>
        %shift_right_logical3A_593 = arith.shrui %bitcast3A_590, %shift_right_logical3A_592 : vector<16xi32>
        %sub3A_594 = arith.constant 1595932665 : i32
        %sub3A_595 = vector.broadcast %sub3A_594 : i32 to vector<16xi32>
        %sub3A_596 = arith.subi %sub3A_595, %shift_right_logical3A_593 : vector<16xi32>
        %bitcast3A_597 = vector.bitcast %sub3A_596 : vector<16xi32> to vector<16xf32>
        %mul3A_598 = arith.mulf %add3A_589, %bitcast3A_597 : vector<16xf32>
        %mul3A_599 = arith.mulf %mul3A_598, %bitcast3A_597 : vector<16xf32>
        %sub3A_600 = arith.constant 2.38924456 : f32
        %sub3A_601 = vector.broadcast %sub3A_600 : f32 to vector<16xf32>
        %sub3A_602 = arith.subf %sub3A_601, %mul3A_599 : vector<16xf32>
        %mul3A_603 = arith.mulf %mul3A_598, %sub3A_602 : vector<16xf32>
        %add3A_604 = arith.addf %mul3A_281, %mul3A_327 : vector<16xf32>
        %add3A_605 = arith.addf %mul3A_373, %mul3A_419 : vector<16xf32>
        %add3A_606 = arith.addf %mul3A_465, %mul3A_511 : vector<16xf32>
        %add3A_607 = arith.addf %mul3A_557, %mul3A_603 : vector<16xf32>
        %add3A_608 = arith.addf %add3A_604, %add3A_605 : vector<16xf32>
        %add3A_609 = arith.addf %add3A_606, %add3A_607 : vector<16xf32>
        %add3A_610 = arith.addf %add3A_608, %add3A_609 : vector<16xf32>
        %add3A_611 = vector.broadcast %scan3A_234 : i32 to vector<16xi32>
        %add3A_612 = arith.addi %mul3A_139, %add3A_611 : vector<16xi32>
        tpu.vector_store_idx %arg17[%add3A_612], %add3A_610 : memref<256xf32, #tpu.memory_space<vmem>>[vector<16xi32>], vector<16xf32>,
      }
      %scan3A_177 = arith.constant 16 : i32
      %get3A = arith.constant 0 : index
      %get3A_178 = tpu.vector_load %arg17[%get3A] {strides = array<i32>} : memref<256xf32, #tpu.memory_space<vmem>>, vector<16xf32>,
      %get3A_179 = arith.constant 16 : index
      %get3A_180 = tpu.vector_load %arg17[%get3A_179] {strides = array<i32>} : memref<256xf32, #tpu.memory_space<vmem>>, vector<16xf32>,
      %get3A_181 = arith.constant 32 : index
      %get3A_182 = tpu.vector_load %arg17[%get3A_181] {strides = array<i32>} : memref<256xf32, #tpu.memory_space<vmem>>, vector<16xf32>,
      %get3A_183 = arith.constant 48 : index
      %get3A_184 = tpu.vector_load %arg17[%get3A_183] {strides = array<i32>} : memref<256xf32, #tpu.memory_space<vmem>>, vector<16xf32>,
      %get3A_185 = arith.constant 64 : index
      %get3A_186 = tpu.vector_load %arg17[%get3A_185] {strides = array<i32>} : memref<256xf32, #tpu.memory_space<vmem>>, vector<16xf32>,
      %get3A_187 = arith.constant 80 : index
      %get3A_188 = tpu.vector_load %arg17[%get3A_187] {strides = array<i32>} : memref<256xf32, #tpu.memory_space<vmem>>, vector<16xf32>,
      %get3A_189 = arith.constant 96 : index
      %get3A_190 = tpu.vector_load %arg17[%get3A_189] {strides = array<i32>} : memref<256xf32, #tpu.memory_space<vmem>>, vector<16xf32>,
      %get3A_191 = arith.constant 112 : index
      %get3A_192 = tpu.vector_load %arg17[%get3A_191] {strides = array<i32>} : memref<256xf32, #tpu.memory_space<vmem>>, vector<16xf32>,
      %get3A_193 = arith.constant 128 : index
      %get3A_194 = tpu.vector_load %arg17[%get3A_193] {strides = array<i32>} : memref<256xf32, #tpu.memory_space<vmem>>, vector<16xf32>,
      %get3A_195 = arith.constant 144 : index
      %get3A_196 = tpu.vector_load %arg17[%get3A_195] {strides = array<i32>} : memref<256xf32, #tpu.memory_space<vmem>>, vector<16xf32>,
      %get3A_197 = arith.constant 160 : index
      %get3A_198 = tpu.vector_load %arg17[%get3A_197] {strides = array<i32>} : memref<256xf32, #tpu.memory_space<vmem>>, vector<16xf32>,
      %get3A_199 = arith.constant 176 : index
      %get3A_200 = tpu.vector_load %arg17[%get3A_199] {strides = array<i32>} : memref<256xf32, #tpu.memory_space<vmem>>, vector<16xf32>,
      %get3A_201 = arith.constant 192 : index
      %get3A_202 = tpu.vector_load %arg17[%get3A_201] {strides = array<i32>} : memref<256xf32, #tpu.memory_space<vmem>>, vector<16xf32>,
      %get3A_203 = arith.constant 208 : index
      %get3A_204 = tpu.vector_load %arg17[%get3A_203] {strides = array<i32>} : memref<256xf32, #tpu.memory_space<vmem>>, vector<16xf32>,
      %get3A_205 = arith.constant 224 : index
      %get3A_206 = tpu.vector_load %arg17[%get3A_205] {strides = array<i32>} : memref<256xf32, #tpu.memory_space<vmem>>, vector<16xf32>,
      %get3A_207 = arith.constant 240 : index
      %get3A_208 = tpu.vector_load %arg17[%get3A_207] {strides = array<i32>} : memref<256xf32, #tpu.memory_space<vmem>>, vector<16xf32>,
      %add3A_209 = arith.addf %get3A_178, %get3A_180 : vector<16xf32>
      %add3A_210 = arith.addf %get3A_182, %get3A_184 : vector<16xf32>
      %add3A_211 = arith.addf %get3A_186, %get3A_188 : vector<16xf32>
      %add3A_212 = arith.addf %get3A_190, %get3A_192 : vector<16xf32>
      %add3A_213 = arith.addf %get3A_194, %get3A_196 : vector<16xf32>
      %add3A_214 = arith.addf %get3A_198, %get3A_200 : vector<16xf32>
      %add3A_215 = arith.addf %get3A_202, %get3A_204 : vector<16xf32>
      %add3A_216 = arith.addf %get3A_206, %get3A_208 : vector<16xf32>
      %add3A_217 = arith.addf %add3A_209, %add3A_210 : vector<16xf32>
      %add3A_218 = arith.addf %add3A_211, %add3A_212 : vector<16xf32>
      %add3A_219 = arith.addf %add3A_213, %add3A_214 : vector<16xf32>
      %add3A_220 = arith.addf %add3A_215, %add3A_216 : vector<16xf32>
      %add3A_221 = arith.addf %add3A_217, %add3A_218 : vector<16xf32>
      %add3A_222 = arith.addf %add3A_219, %add3A_220 : vector<16xf32>
      %add3A_223 = arith.addf %add3A_221, %add3A_222 : vector<16xf32>
      %mul3A_224 = arith.constant 0.703952252 : f32
      %mul3A_225 = vector.broadcast %mul3A_224 : f32 to vector<16xf32>
      %mul3A_226 = arith.mulf %mul3A_225, %add3A_223 : vector<16xf32>
      %sub3A = arith.constant 1.200000e+01 : f32
      %sub3A_227 = vector.broadcast %sub3A : f32 to vector<16xf32>
      %sub3A_228 = arith.subf %sub3A_227, %mul3A_226 : vector<16xf32>
      %mul3A_229 = arith.constant 16 : i32
      %mul3A_230 = arith.muli %scan3A_171, %mul3A_229 : i32
      %add3A_231 = arith.constant 64 : i32
      %add3A_232 = arith.addi %add3A_231, %mul3A_230 : i32
      %swap3A = arith.index_cast %add3A_232 : i32 to index
      %swap3A_233 = tpu.vector_load %arg18[%swap3A] {strides = array<i32>} : memref<128xf32, #tpu.memory_space<vmem>>, vector<16xf32>,
      tpu.vector_store %arg18[%swap3A], %sub3A_228 {strides = array<i32>} : memref<128xf32, #tpu.memory_space<vmem>>, vector<16xf32>,
    }
    %scan3A_145 = arith.constant 2 : i32
    %dma_wait3A_146 = arith.constant 96 : i32
    %dma_wait3A_147 = tpu.memref_slice %arg8[%dma_wait3A_146] : memref<128xi32, #tpu.memory_space<vmem>> -> memref<32xi32, #tpu.memory_space<vmem>>
    %dma_wait3A_148 = arith.constant 0 : i32
    %dma_wait3A_149 = arith.constant 0 : i32
    %dma_wait3A_150 = tpu.memref_slice %arg2[%dma_wait3A_148, %dma_wait3A_149] : memref<100000x256xf32, #tpu.memory_space<hbm>> -> memref<100000x256xf32, #tpu.memory_space<hbm>>
    tpu.wait_indirect_dma semaphore(%arg20 : memref<!tpu.dma_semaphore, #tpu.memory_space<semaphore_mem>>) src(%dma_wait3A_150 : memref<100000x256xf32, #tpu.memory_space<hbm>>) dst(%arg12 : memref<32x256xf32, #tpu.memory_space<vmem>>)
    %dma_wait3A_151 = arith.constant 96 : i32
    %dma_wait3A_152 = tpu.memref_slice %arg10[%dma_wait3A_151] : memref<128xi32, #tpu.memory_space<vmem>> -> memref<32xi32, #tpu.memory_space<vmem>>
    %dma_wait3A_153 = arith.constant 0 : i32
    %dma_wait3A_154 = arith.constant 0 : i32
    %dma_wait3A_155 = tpu.memref_slice %arg2[%dma_wait3A_153, %dma_wait3A_154] : memref<100000x256xf32, #tpu.memory_space<hbm>> -> memref<100000x256xf32, #tpu.memory_space<hbm>>
    tpu.wait_indirect_dma semaphore(%arg20 : memref<!tpu.dma_semaphore, #tpu.memory_space<semaphore_mem>>) src(%dma_wait3A_155 : memref<100000x256xf32, #tpu.memory_space<hbm>>) dst(%arg14 : memref<32x256xf32, #tpu.memory_space<vmem>>)
    %dma_wait3A_156 = arith.constant 96 : i32
    %dma_wait3A_157 = tpu.memref_slice %arg9[%dma_wait3A_156] : memref<128xi32, #tpu.memory_space<vmem>> -> memref<32xi32, #tpu.memory_space<vmem>>
    %dma_wait3A_158 = arith.constant 0 : i32
    %dma_wait3A_159 = arith.constant 0 : i32
    %dma_wait3A_160 = tpu.memref_slice %arg3[%dma_wait3A_158, %dma_wait3A_159] : memref<1000x256xf32, #tpu.memory_space<hbm>> -> memref<1000x256xf32, #tpu.memory_space<hbm>>
    tpu.wait_indirect_dma semaphore(%arg20 : memref<!tpu.dma_semaphore, #tpu.memory_space<semaphore_mem>>) src(%dma_wait3A_160 : memref<1000x256xf32, #tpu.memory_space<hbm>>) dst(%arg16 : memref<32x256xf32, #tpu.memory_space<vmem>>)
    %iota3A_161 = tpu.iota {dimensions = array<i32: 0>} : vector<16xi32>
    %mul3A_162 = arith.constant 16 : i32
    %mul3A_163 = vector.broadcast %mul3A_162 : i32 to vector<16xi32>
    %mul3A_164 = arith.muli %iota3A_161, %mul3A_163 : vector<16xi32>
    %scan3A_165 = arith.constant 0 : i32
    %scan3A_166 = arith.constant 0 : i32
    %scan3A_167 = arith.constant 2 : i32
    %scan3A_168 = arith.addi %scan3A_166, %scan3A_167 : i32
    %scan3A_169 = arith.constant 1 : i32
    scf.for %scan3A_171 = %scan3A_166 to %scan3A_168 step %scan3A_169  : i32 {
      %scan3A_172 = arith.constant 0 : i32
      %scan3A_173 = arith.constant 0 : i32
      %scan3A_174 = arith.constant 16 : i32
      %scan3A_175 = arith.addi %scan3A_173, %scan3A_174 : i32
      %scan3A_176 = arith.constant 1 : i32
      scf.for %scan3A_234 = %scan3A_173 to %scan3A_175 step %scan3A_176  : i32 {
        %mul3A_235 = arith.constant 16 : i32
        %mul3A_236 = arith.muli %scan3A_171, %mul3A_235 : i32
        %add3A_237 = arith.addi %mul3A_236, %scan3A_234 : i32
        %get3A_238 = arith.index_cast %add3A_237 : i32 to index
        %get3A_239 = arith.constant 0 : index
        %get3A_240 = tpu.vector_load %arg12[%get3A_238, %get3A_239] {strides = array<i32>} : memref<32x256xf32, #tpu.memory_space<vmem>>, vector<16xf32>,
        %get3A_241 = arith.index_cast %add3A_237 : i32 to index
        %get3A_242 = arith.constant 128 : index
        %get3A_243 = tpu.vector_load %arg12[%get3A_241, %get3A_242] {strides = array<i32>} : memref<32x256xf32, #tpu.memory_space<vmem>>, vector<16xf32>,
        %get3A_244 = arith.index_cast %add3A_237 : i32 to index
        %get3A_245 = arith.constant 0 : index
        %get3A_246 = tpu.vector_load %arg14[%get3A_244, %get3A_245] {strides = array<i32>} : memref<32x256xf32, #tpu.memory_space<vmem>>, vector<16xf32>,
        %get3A_247 = arith.index_cast %add3A_237 : i32 to index
        %get3A_248 = arith.constant 128 : index
        %get3A_249 = tpu.vector_load %arg14[%get3A_247, %get3A_248] {strides = array<i32>} : memref<32x256xf32, #tpu.memory_space<vmem>>, vector<16xf32>,
        %get3A_250 = arith.index_cast %add3A_237 : i32 to index
        %get3A_251 = arith.constant 0 : index
        %get3A_252 = tpu.vector_load %arg16[%get3A_250, %get3A_251] {strides = array<i32>} : memref<32x256xf32, #tpu.memory_space<vmem>>, vector<16xf32>,
        %get3A_253 = arith.index_cast %add3A_237 : i32 to index
        %get3A_254 = arith.constant 128 : index
        %get3A_255 = tpu.vector_load %arg16[%get3A_253, %get3A_254] {strides = array<i32>} : memref<32x256xf32, #tpu.memory_space<vmem>>, vector<16xf32>,
        %mul3A_256 = arith.mulf %get3A_240, %get3A_252 : vector<16xf32>
        %mul3A_257 = arith.mulf %get3A_243, %get3A_255 : vector<16xf32>
        %sub3A_258 = arith.subf %mul3A_256, %mul3A_257 : vector<16xf32>
        %sub3A_259 = arith.subf %sub3A_258, %get3A_246 : vector<16xf32>
        %mul3A_260 = arith.mulf %get3A_240, %get3A_255 : vector<16xf32>
        %mul3A_261 = arith.mulf %get3A_243, %get3A_252 : vector<16xf32>
        %add3A_262 = arith.addf %mul3A_260, %mul3A_261 : vector<16xf32>
        %sub3A_263 = arith.subf %add3A_262, %get3A_249 : vector<16xf32>
        %mul3A_264 = arith.mulf %sub3A_259, %sub3A_259 : vector<16xf32>
        %mul3A_265 = arith.mulf %sub3A_263, %sub3A_263 : vector<16xf32>
        %add3A_266 = arith.constant 1.000000e-30 : f32
        %add3A_267 = vector.broadcast %add3A_266 : f32 to vector<16xf32>
        %add3A_268 = arith.addf %mul3A_265, %add3A_267 : vector<16xf32>
        %add3A_269 = arith.addf %mul3A_264, %add3A_268 : vector<16xf32>
        %bitcast3A = vector.bitcast %add3A_269 : vector<16xf32> to vector<16xi32>
        %shift_right_logical3A = arith.constant 1 : i32
        %shift_right_logical3A_270 = vector.broadcast %shift_right_logical3A : i32 to vector<16xi32>
        %shift_right_logical3A_271 = arith.shrui %bitcast3A, %shift_right_logical3A_270 : vector<16xi32>
        %sub3A_272 = arith.constant 1595932665 : i32
        %sub3A_273 = vector.broadcast %sub3A_272 : i32 to vector<16xi32>
        %sub3A_274 = arith.subi %sub3A_273, %shift_right_logical3A_271 : vector<16xi32>
        %bitcast3A_275 = vector.bitcast %sub3A_274 : vector<16xi32> to vector<16xf32>
        %mul3A_276 = arith.mulf %add3A_269, %bitcast3A_275 : vector<16xf32>
        %mul3A_277 = arith.mulf %mul3A_276, %bitcast3A_275 : vector<16xf32>
        %sub3A_278 = arith.constant 2.38924456 : f32
        %sub3A_279 = vector.broadcast %sub3A_278 : f32 to vector<16xf32>
        %sub3A_280 = arith.subf %sub3A_279, %mul3A_277 : vector<16xf32>
        %mul3A_281 = arith.mulf %mul3A_276, %sub3A_280 : vector<16xf32>
        %get3A_282 = arith.index_cast %add3A_237 : i32 to index
        %get3A_283 = arith.constant 16 : index
        %get3A_284 = tpu.vector_load %arg12[%get3A_282, %get3A_283] {strides = array<i32>} : memref<32x256xf32, #tpu.memory_space<vmem>>, vector<16xf32>,
        %get3A_285 = arith.index_cast %add3A_237 : i32 to index
        %get3A_286 = arith.constant 144 : index
        %get3A_287 = tpu.vector_load %arg12[%get3A_285, %get3A_286] {strides = array<i32>} : memref<32x256xf32, #tpu.memory_space<vmem>>, vector<16xf32>,
        %get3A_288 = arith.index_cast %add3A_237 : i32 to index
        %get3A_289 = arith.constant 16 : index
        %get3A_290 = tpu.vector_load %arg14[%get3A_288, %get3A_289] {strides = array<i32>} : memref<32x256xf32, #tpu.memory_space<vmem>>, vector<16xf32>,
        %get3A_291 = arith.index_cast %add3A_237 : i32 to index
        %get3A_292 = arith.constant 144 : index
        %get3A_293 = tpu.vector_load %arg14[%get3A_291, %get3A_292] {strides = array<i32>} : memref<32x256xf32, #tpu.memory_space<vmem>>, vector<16xf32>,
        %get3A_294 = arith.index_cast %add3A_237 : i32 to index
        %get3A_295 = arith.constant 16 : index
        %get3A_296 = tpu.vector_load %arg16[%get3A_294, %get3A_295] {strides = array<i32>} : memref<32x256xf32, #tpu.memory_space<vmem>>, vector<16xf32>,
        %get3A_297 = arith.index_cast %add3A_237 : i32 to index
        %get3A_298 = arith.constant 144 : index
        %get3A_299 = tpu.vector_load %arg16[%get3A_297, %get3A_298] {strides = array<i32>} : memref<32x256xf32, #tpu.memory_space<vmem>>, vector<16xf32>,
        %mul3A_300 = arith.mulf %get3A_284, %get3A_296 : vector<16xf32>
        %mul3A_301 = arith.mulf %get3A_287, %get3A_299 : vector<16xf32>
        %sub3A_302 = arith.subf %mul3A_300, %mul3A_301 : vector<16xf32>
        %sub3A_303 = arith.subf %sub3A_302, %get3A_290 : vector<16xf32>
        %mul3A_304 = arith.mulf %get3A_284, %get3A_299 : vector<16xf32>
        %mul3A_305 = arith.mulf %get3A_287, %get3A_296 : vector<16xf32>
        %add3A_306 = arith.addf %mul3A_304, %mul3A_305 : vector<16xf32>
        %sub3A_307 = arith.subf %add3A_306, %get3A_293 : vector<16xf32>
        %mul3A_308 = arith.mulf %sub3A_303, %sub3A_303 : vector<16xf32>
        %mul3A_309 = arith.mulf %sub3A_307, %sub3A_307 : vector<16xf32>
        %add3A_310 = arith.constant 1.000000e-30 : f32
        %add3A_311 = vector.broadcast %add3A_310 : f32 to vector<16xf32>
        %add3A_312 = arith.addf %mul3A_309, %add3A_311 : vector<16xf32>
        %add3A_313 = arith.addf %mul3A_308, %add3A_312 : vector<16xf32>
        %bitcast3A_314 = vector.bitcast %add3A_313 : vector<16xf32> to vector<16xi32>
        %shift_right_logical3A_315 = arith.constant 1 : i32
        %shift_right_logical3A_316 = vector.broadcast %shift_right_logical3A_315 : i32 to vector<16xi32>
        %shift_right_logical3A_317 = arith.shrui %bitcast3A_314, %shift_right_logical3A_316 : vector<16xi32>
        %sub3A_318 = arith.constant 1595932665 : i32
        %sub3A_319 = vector.broadcast %sub3A_318 : i32 to vector<16xi32>
        %sub3A_320 = arith.subi %sub3A_319, %shift_right_logical3A_317 : vector<16xi32>
        %bitcast3A_321 = vector.bitcast %sub3A_320 : vector<16xi32> to vector<16xf32>
        %mul3A_322 = arith.mulf %add3A_313, %bitcast3A_321 : vector<16xf32>
        %mul3A_323 = arith.mulf %mul3A_322, %bitcast3A_321 : vector<16xf32>
        %sub3A_324 = arith.constant 2.38924456 : f32
        %sub3A_325 = vector.broadcast %sub3A_324 : f32 to vector<16xf32>
        %sub3A_326 = arith.subf %sub3A_325, %mul3A_323 : vector<16xf32>
        %mul3A_327 = arith.mulf %mul3A_322, %sub3A_326 : vector<16xf32>
        %get3A_328 = arith.index_cast %add3A_237 : i32 to index
        %get3A_329 = arith.constant 32 : index
        %get3A_330 = tpu.vector_load %arg12[%get3A_328, %get3A_329] {strides = array<i32>} : memref<32x256xf32, #tpu.memory_space<vmem>>, vector<16xf32>,
        %get3A_331 = arith.index_cast %add3A_237 : i32 to index
        %get3A_332 = arith.constant 160 : index
        %get3A_333 = tpu.vector_load %arg12[%get3A_331, %get3A_332] {strides = array<i32>} : memref<32x256xf32, #tpu.memory_space<vmem>>, vector<16xf32>,
        %get3A_334 = arith.index_cast %add3A_237 : i32 to index
        %get3A_335 = arith.constant 32 : index
        %get3A_336 = tpu.vector_load %arg14[%get3A_334, %get3A_335] {strides = array<i32>} : memref<32x256xf32, #tpu.memory_space<vmem>>, vector<16xf32>,
        %get3A_337 = arith.index_cast %add3A_237 : i32 to index
        %get3A_338 = arith.constant 160 : index
        %get3A_339 = tpu.vector_load %arg14[%get3A_337, %get3A_338] {strides = array<i32>} : memref<32x256xf32, #tpu.memory_space<vmem>>, vector<16xf32>,
        %get3A_340 = arith.index_cast %add3A_237 : i32 to index
        %get3A_341 = arith.constant 32 : index
        %get3A_342 = tpu.vector_load %arg16[%get3A_340, %get3A_341] {strides = array<i32>} : memref<32x256xf32, #tpu.memory_space<vmem>>, vector<16xf32>,
        %get3A_343 = arith.index_cast %add3A_237 : i32 to index
        %get3A_344 = arith.constant 160 : index
        %get3A_345 = tpu.vector_load %arg16[%get3A_343, %get3A_344] {strides = array<i32>} : memref<32x256xf32, #tpu.memory_space<vmem>>, vector<16xf32>,
        %mul3A_346 = arith.mulf %get3A_330, %get3A_342 : vector<16xf32>
        %mul3A_347 = arith.mulf %get3A_333, %get3A_345 : vector<16xf32>
        %sub3A_348 = arith.subf %mul3A_346, %mul3A_347 : vector<16xf32>
        %sub3A_349 = arith.subf %sub3A_348, %get3A_336 : vector<16xf32>
        %mul3A_350 = arith.mulf %get3A_330, %get3A_345 : vector<16xf32>
        %mul3A_351 = arith.mulf %get3A_333, %get3A_342 : vector<16xf32>
        %add3A_352 = arith.addf %mul3A_350, %mul3A_351 : vector<16xf32>
        %sub3A_353 = arith.subf %add3A_352, %get3A_339 : vector<16xf32>
        %mul3A_354 = arith.mulf %sub3A_349, %sub3A_349 : vector<16xf32>
        %mul3A_355 = arith.mulf %sub3A_353, %sub3A_353 : vector<16xf32>
        %add3A_356 = arith.constant 1.000000e-30 : f32
        %add3A_357 = vector.broadcast %add3A_356 : f32 to vector<16xf32>
        %add3A_358 = arith.addf %mul3A_355, %add3A_357 : vector<16xf32>
        %add3A_359 = arith.addf %mul3A_354, %add3A_358 : vector<16xf32>
        %bitcast3A_360 = vector.bitcast %add3A_359 : vector<16xf32> to vector<16xi32>
        %shift_right_logical3A_361 = arith.constant 1 : i32
        %shift_right_logical3A_362 = vector.broadcast %shift_right_logical3A_361 : i32 to vector<16xi32>
        %shift_right_logical3A_363 = arith.shrui %bitcast3A_360, %shift_right_logical3A_362 : vector<16xi32>
        %sub3A_364 = arith.constant 1595932665 : i32
        %sub3A_365 = vector.broadcast %sub3A_364 : i32 to vector<16xi32>
        %sub3A_366 = arith.subi %sub3A_365, %shift_right_logical3A_363 : vector<16xi32>
        %bitcast3A_367 = vector.bitcast %sub3A_366 : vector<16xi32> to vector<16xf32>
        %mul3A_368 = arith.mulf %add3A_359, %bitcast3A_367 : vector<16xf32>
        %mul3A_369 = arith.mulf %mul3A_368, %bitcast3A_367 : vector<16xf32>
        %sub3A_370 = arith.constant 2.38924456 : f32
        %sub3A_371 = vector.broadcast %sub3A_370 : f32 to vector<16xf32>
        %sub3A_372 = arith.subf %sub3A_371, %mul3A_369 : vector<16xf32>
        %mul3A_373 = arith.mulf %mul3A_368, %sub3A_372 : vector<16xf32>
        %get3A_374 = arith.index_cast %add3A_237 : i32 to index
        %get3A_375 = arith.constant 48 : index
        %get3A_376 = tpu.vector_load %arg12[%get3A_374, %get3A_375] {strides = array<i32>} : memref<32x256xf32, #tpu.memory_space<vmem>>, vector<16xf32>,
        %get3A_377 = arith.index_cast %add3A_237 : i32 to index
        %get3A_378 = arith.constant 176 : index
        %get3A_379 = tpu.vector_load %arg12[%get3A_377, %get3A_378] {strides = array<i32>} : memref<32x256xf32, #tpu.memory_space<vmem>>, vector<16xf32>,
        %get3A_380 = arith.index_cast %add3A_237 : i32 to index
        %get3A_381 = arith.constant 48 : index
        %get3A_382 = tpu.vector_load %arg14[%get3A_380, %get3A_381] {strides = array<i32>} : memref<32x256xf32, #tpu.memory_space<vmem>>, vector<16xf32>,
        %get3A_383 = arith.index_cast %add3A_237 : i32 to index
        %get3A_384 = arith.constant 176 : index
        %get3A_385 = tpu.vector_load %arg14[%get3A_383, %get3A_384] {strides = array<i32>} : memref<32x256xf32, #tpu.memory_space<vmem>>, vector<16xf32>,
        %get3A_386 = arith.index_cast %add3A_237 : i32 to index
        %get3A_387 = arith.constant 48 : index
        %get3A_388 = tpu.vector_load %arg16[%get3A_386, %get3A_387] {strides = array<i32>} : memref<32x256xf32, #tpu.memory_space<vmem>>, vector<16xf32>,
        %get3A_389 = arith.index_cast %add3A_237 : i32 to index
        %get3A_390 = arith.constant 176 : index
        %get3A_391 = tpu.vector_load %arg16[%get3A_389, %get3A_390] {strides = array<i32>} : memref<32x256xf32, #tpu.memory_space<vmem>>, vector<16xf32>,
        %mul3A_392 = arith.mulf %get3A_376, %get3A_388 : vector<16xf32>
        %mul3A_393 = arith.mulf %get3A_379, %get3A_391 : vector<16xf32>
        %sub3A_394 = arith.subf %mul3A_392, %mul3A_393 : vector<16xf32>
        %sub3A_395 = arith.subf %sub3A_394, %get3A_382 : vector<16xf32>
        %mul3A_396 = arith.mulf %get3A_376, %get3A_391 : vector<16xf32>
        %mul3A_397 = arith.mulf %get3A_379, %get3A_388 : vector<16xf32>
        %add3A_398 = arith.addf %mul3A_396, %mul3A_397 : vector<16xf32>
        %sub3A_399 = arith.subf %add3A_398, %get3A_385 : vector<16xf32>
        %mul3A_400 = arith.mulf %sub3A_395, %sub3A_395 : vector<16xf32>
        %mul3A_401 = arith.mulf %sub3A_399, %sub3A_399 : vector<16xf32>
        %add3A_402 = arith.constant 1.000000e-30 : f32
        %add3A_403 = vector.broadcast %add3A_402 : f32 to vector<16xf32>
        %add3A_404 = arith.addf %mul3A_401, %add3A_403 : vector<16xf32>
        %add3A_405 = arith.addf %mul3A_400, %add3A_404 : vector<16xf32>
        %bitcast3A_406 = vector.bitcast %add3A_405 : vector<16xf32> to vector<16xi32>
        %shift_right_logical3A_407 = arith.constant 1 : i32
        %shift_right_logical3A_408 = vector.broadcast %shift_right_logical3A_407 : i32 to vector<16xi32>
        %shift_right_logical3A_409 = arith.shrui %bitcast3A_406, %shift_right_logical3A_408 : vector<16xi32>
        %sub3A_410 = arith.constant 1595932665 : i32
        %sub3A_411 = vector.broadcast %sub3A_410 : i32 to vector<16xi32>
        %sub3A_412 = arith.subi %sub3A_411, %shift_right_logical3A_409 : vector<16xi32>
        %bitcast3A_413 = vector.bitcast %sub3A_412 : vector<16xi32> to vector<16xf32>
        %mul3A_414 = arith.mulf %add3A_405, %bitcast3A_413 : vector<16xf32>
        %mul3A_415 = arith.mulf %mul3A_414, %bitcast3A_413 : vector<16xf32>
        %sub3A_416 = arith.constant 2.38924456 : f32
        %sub3A_417 = vector.broadcast %sub3A_416 : f32 to vector<16xf32>
        %sub3A_418 = arith.subf %sub3A_417, %mul3A_415 : vector<16xf32>
        %mul3A_419 = arith.mulf %mul3A_414, %sub3A_418 : vector<16xf32>
        %get3A_420 = arith.index_cast %add3A_237 : i32 to index
        %get3A_421 = arith.constant 64 : index
        %get3A_422 = tpu.vector_load %arg12[%get3A_420, %get3A_421] {strides = array<i32>} : memref<32x256xf32, #tpu.memory_space<vmem>>, vector<16xf32>,
        %get3A_423 = arith.index_cast %add3A_237 : i32 to index
        %get3A_424 = arith.constant 192 : index
        %get3A_425 = tpu.vector_load %arg12[%get3A_423, %get3A_424] {strides = array<i32>} : memref<32x256xf32, #tpu.memory_space<vmem>>, vector<16xf32>,
        %get3A_426 = arith.index_cast %add3A_237 : i32 to index
        %get3A_427 = arith.constant 64 : index
        %get3A_428 = tpu.vector_load %arg14[%get3A_426, %get3A_427] {strides = array<i32>} : memref<32x256xf32, #tpu.memory_space<vmem>>, vector<16xf32>,
        %get3A_429 = arith.index_cast %add3A_237 : i32 to index
        %get3A_430 = arith.constant 192 : index
        %get3A_431 = tpu.vector_load %arg14[%get3A_429, %get3A_430] {strides = array<i32>} : memref<32x256xf32, #tpu.memory_space<vmem>>, vector<16xf32>,
        %get3A_432 = arith.index_cast %add3A_237 : i32 to index
        %get3A_433 = arith.constant 64 : index
        %get3A_434 = tpu.vector_load %arg16[%get3A_432, %get3A_433] {strides = array<i32>} : memref<32x256xf32, #tpu.memory_space<vmem>>, vector<16xf32>,
        %get3A_435 = arith.index_cast %add3A_237 : i32 to index
        %get3A_436 = arith.constant 192 : index
        %get3A_437 = tpu.vector_load %arg16[%get3A_435, %get3A_436] {strides = array<i32>} : memref<32x256xf32, #tpu.memory_space<vmem>>, vector<16xf32>,
        %mul3A_438 = arith.mulf %get3A_422, %get3A_434 : vector<16xf32>
        %mul3A_439 = arith.mulf %get3A_425, %get3A_437 : vector<16xf32>
        %sub3A_440 = arith.subf %mul3A_438, %mul3A_439 : vector<16xf32>
        %sub3A_441 = arith.subf %sub3A_440, %get3A_428 : vector<16xf32>
        %mul3A_442 = arith.mulf %get3A_422, %get3A_437 : vector<16xf32>
        %mul3A_443 = arith.mulf %get3A_425, %get3A_434 : vector<16xf32>
        %add3A_444 = arith.addf %mul3A_442, %mul3A_443 : vector<16xf32>
        %sub3A_445 = arith.subf %add3A_444, %get3A_431 : vector<16xf32>
        %mul3A_446 = arith.mulf %sub3A_441, %sub3A_441 : vector<16xf32>
        %mul3A_447 = arith.mulf %sub3A_445, %sub3A_445 : vector<16xf32>
        %add3A_448 = arith.constant 1.000000e-30 : f32
        %add3A_449 = vector.broadcast %add3A_448 : f32 to vector<16xf32>
        %add3A_450 = arith.addf %mul3A_447, %add3A_449 : vector<16xf32>
        %add3A_451 = arith.addf %mul3A_446, %add3A_450 : vector<16xf32>
        %bitcast3A_452 = vector.bitcast %add3A_451 : vector<16xf32> to vector<16xi32>
        %shift_right_logical3A_453 = arith.constant 1 : i32
        %shift_right_logical3A_454 = vector.broadcast %shift_right_logical3A_453 : i32 to vector<16xi32>
        %shift_right_logical3A_455 = arith.shrui %bitcast3A_452, %shift_right_logical3A_454 : vector<16xi32>
        %sub3A_456 = arith.constant 1595932665 : i32
        %sub3A_457 = vector.broadcast %sub3A_456 : i32 to vector<16xi32>
        %sub3A_458 = arith.subi %sub3A_457, %shift_right_logical3A_455 : vector<16xi32>
        %bitcast3A_459 = vector.bitcast %sub3A_458 : vector<16xi32> to vector<16xf32>
        %mul3A_460 = arith.mulf %add3A_451, %bitcast3A_459 : vector<16xf32>
        %mul3A_461 = arith.mulf %mul3A_460, %bitcast3A_459 : vector<16xf32>
        %sub3A_462 = arith.constant 2.38924456 : f32
        %sub3A_463 = vector.broadcast %sub3A_462 : f32 to vector<16xf32>
        %sub3A_464 = arith.subf %sub3A_463, %mul3A_461 : vector<16xf32>
        %mul3A_465 = arith.mulf %mul3A_460, %sub3A_464 : vector<16xf32>
        %get3A_466 = arith.index_cast %add3A_237 : i32 to index
        %get3A_467 = arith.constant 80 : index
        %get3A_468 = tpu.vector_load %arg12[%get3A_466, %get3A_467] {strides = array<i32>} : memref<32x256xf32, #tpu.memory_space<vmem>>, vector<16xf32>,
        %get3A_469 = arith.index_cast %add3A_237 : i32 to index
        %get3A_470 = arith.constant 208 : index
        %get3A_471 = tpu.vector_load %arg12[%get3A_469, %get3A_470] {strides = array<i32>} : memref<32x256xf32, #tpu.memory_space<vmem>>, vector<16xf32>,
        %get3A_472 = arith.index_cast %add3A_237 : i32 to index
        %get3A_473 = arith.constant 80 : index
        %get3A_474 = tpu.vector_load %arg14[%get3A_472, %get3A_473] {strides = array<i32>} : memref<32x256xf32, #tpu.memory_space<vmem>>, vector<16xf32>,
        %get3A_475 = arith.index_cast %add3A_237 : i32 to index
        %get3A_476 = arith.constant 208 : index
        %get3A_477 = tpu.vector_load %arg14[%get3A_475, %get3A_476] {strides = array<i32>} : memref<32x256xf32, #tpu.memory_space<vmem>>, vector<16xf32>,
        %get3A_478 = arith.index_cast %add3A_237 : i32 to index
        %get3A_479 = arith.constant 80 : index
        %get3A_480 = tpu.vector_load %arg16[%get3A_478, %get3A_479] {strides = array<i32>} : memref<32x256xf32, #tpu.memory_space<vmem>>, vector<16xf32>,
        %get3A_481 = arith.index_cast %add3A_237 : i32 to index
        %get3A_482 = arith.constant 208 : index
        %get3A_483 = tpu.vector_load %arg16[%get3A_481, %get3A_482] {strides = array<i32>} : memref<32x256xf32, #tpu.memory_space<vmem>>, vector<16xf32>,
        %mul3A_484 = arith.mulf %get3A_468, %get3A_480 : vector<16xf32>
        %mul3A_485 = arith.mulf %get3A_471, %get3A_483 : vector<16xf32>
        %sub3A_486 = arith.subf %mul3A_484, %mul3A_485 : vector<16xf32>
        %sub3A_487 = arith.subf %sub3A_486, %get3A_474 : vector<16xf32>
        %mul3A_488 = arith.mulf %get3A_468, %get3A_483 : vector<16xf32>
        %mul3A_489 = arith.mulf %get3A_471, %get3A_480 : vector<16xf32>
        %add3A_490 = arith.addf %mul3A_488, %mul3A_489 : vector<16xf32>
        %sub3A_491 = arith.subf %add3A_490, %get3A_477 : vector<16xf32>
        %mul3A_492 = arith.mulf %sub3A_487, %sub3A_487 : vector<16xf32>
        %mul3A_493 = arith.mulf %sub3A_491, %sub3A_491 : vector<16xf32>
        %add3A_494 = arith.constant 1.000000e-30 : f32
        %add3A_495 = vector.broadcast %add3A_494 : f32 to vector<16xf32>
        %add3A_496 = arith.addf %mul3A_493, %add3A_495 : vector<16xf32>
        %add3A_497 = arith.addf %mul3A_492, %add3A_496 : vector<16xf32>
        %bitcast3A_498 = vector.bitcast %add3A_497 : vector<16xf32> to vector<16xi32>
        %shift_right_logical3A_499 = arith.constant 1 : i32
        %shift_right_logical3A_500 = vector.broadcast %shift_right_logical3A_499 : i32 to vector<16xi32>
        %shift_right_logical3A_501 = arith.shrui %bitcast3A_498, %shift_right_logical3A_500 : vector<16xi32>
        %sub3A_502 = arith.constant 1595932665 : i32
        %sub3A_503 = vector.broadcast %sub3A_502 : i32 to vector<16xi32>
        %sub3A_504 = arith.subi %sub3A_503, %shift_right_logical3A_501 : vector<16xi32>
        %bitcast3A_505 = vector.bitcast %sub3A_504 : vector<16xi32> to vector<16xf32>
        %mul3A_506 = arith.mulf %add3A_497, %bitcast3A_505 : vector<16xf32>
        %mul3A_507 = arith.mulf %mul3A_506, %bitcast3A_505 : vector<16xf32>
        %sub3A_508 = arith.constant 2.38924456 : f32
        %sub3A_509 = vector.broadcast %sub3A_508 : f32 to vector<16xf32>
        %sub3A_510 = arith.subf %sub3A_509, %mul3A_507 : vector<16xf32>
        %mul3A_511 = arith.mulf %mul3A_506, %sub3A_510 : vector<16xf32>
        %get3A_512 = arith.index_cast %add3A_237 : i32 to index
        %get3A_513 = arith.constant 96 : index
        %get3A_514 = tpu.vector_load %arg12[%get3A_512, %get3A_513] {strides = array<i32>} : memref<32x256xf32, #tpu.memory_space<vmem>>, vector<16xf32>,
        %get3A_515 = arith.index_cast %add3A_237 : i32 to index
        %get3A_516 = arith.constant 224 : index
        %get3A_517 = tpu.vector_load %arg12[%get3A_515, %get3A_516] {strides = array<i32>} : memref<32x256xf32, #tpu.memory_space<vmem>>, vector<16xf32>,
        %get3A_518 = arith.index_cast %add3A_237 : i32 to index
        %get3A_519 = arith.constant 96 : index
        %get3A_520 = tpu.vector_load %arg14[%get3A_518, %get3A_519] {strides = array<i32>} : memref<32x256xf32, #tpu.memory_space<vmem>>, vector<16xf32>,
        %get3A_521 = arith.index_cast %add3A_237 : i32 to index
        %get3A_522 = arith.constant 224 : index
        %get3A_523 = tpu.vector_load %arg14[%get3A_521, %get3A_522] {strides = array<i32>} : memref<32x256xf32, #tpu.memory_space<vmem>>, vector<16xf32>,
        %get3A_524 = arith.index_cast %add3A_237 : i32 to index
        %get3A_525 = arith.constant 96 : index
        %get3A_526 = tpu.vector_load %arg16[%get3A_524, %get3A_525] {strides = array<i32>} : memref<32x256xf32, #tpu.memory_space<vmem>>, vector<16xf32>,
        %get3A_527 = arith.index_cast %add3A_237 : i32 to index
        %get3A_528 = arith.constant 224 : index
        %get3A_529 = tpu.vector_load %arg16[%get3A_527, %get3A_528] {strides = array<i32>} : memref<32x256xf32, #tpu.memory_space<vmem>>, vector<16xf32>,
        %mul3A_530 = arith.mulf %get3A_514, %get3A_526 : vector<16xf32>
        %mul3A_531 = arith.mulf %get3A_517, %get3A_529 : vector<16xf32>
        %sub3A_532 = arith.subf %mul3A_530, %mul3A_531 : vector<16xf32>
        %sub3A_533 = arith.subf %sub3A_532, %get3A_520 : vector<16xf32>
        %mul3A_534 = arith.mulf %get3A_514, %get3A_529 : vector<16xf32>
        %mul3A_535 = arith.mulf %get3A_517, %get3A_526 : vector<16xf32>
        %add3A_536 = arith.addf %mul3A_534, %mul3A_535 : vector<16xf32>
        %sub3A_537 = arith.subf %add3A_536, %get3A_523 : vector<16xf32>
        %mul3A_538 = arith.mulf %sub3A_533, %sub3A_533 : vector<16xf32>
        %mul3A_539 = arith.mulf %sub3A_537, %sub3A_537 : vector<16xf32>
        %add3A_540 = arith.constant 1.000000e-30 : f32
        %add3A_541 = vector.broadcast %add3A_540 : f32 to vector<16xf32>
        %add3A_542 = arith.addf %mul3A_539, %add3A_541 : vector<16xf32>
        %add3A_543 = arith.addf %mul3A_538, %add3A_542 : vector<16xf32>
        %bitcast3A_544 = vector.bitcast %add3A_543 : vector<16xf32> to vector<16xi32>
        %shift_right_logical3A_545 = arith.constant 1 : i32
        %shift_right_logical3A_546 = vector.broadcast %shift_right_logical3A_545 : i32 to vector<16xi32>
        %shift_right_logical3A_547 = arith.shrui %bitcast3A_544, %shift_right_logical3A_546 : vector<16xi32>
        %sub3A_548 = arith.constant 1595932665 : i32
        %sub3A_549 = vector.broadcast %sub3A_548 : i32 to vector<16xi32>
        %sub3A_550 = arith.subi %sub3A_549, %shift_right_logical3A_547 : vector<16xi32>
        %bitcast3A_551 = vector.bitcast %sub3A_550 : vector<16xi32> to vector<16xf32>
        %mul3A_552 = arith.mulf %add3A_543, %bitcast3A_551 : vector<16xf32>
        %mul3A_553 = arith.mulf %mul3A_552, %bitcast3A_551 : vector<16xf32>
        %sub3A_554 = arith.constant 2.38924456 : f32
        %sub3A_555 = vector.broadcast %sub3A_554 : f32 to vector<16xf32>
        %sub3A_556 = arith.subf %sub3A_555, %mul3A_553 : vector<16xf32>
        %mul3A_557 = arith.mulf %mul3A_552, %sub3A_556 : vector<16xf32>
        %get3A_558 = arith.index_cast %add3A_237 : i32 to index
        %get3A_559 = arith.constant 112 : index
        %get3A_560 = tpu.vector_load %arg12[%get3A_558, %get3A_559] {strides = array<i32>} : memref<32x256xf32, #tpu.memory_space<vmem>>, vector<16xf32>,
        %get3A_561 = arith.index_cast %add3A_237 : i32 to index
        %get3A_562 = arith.constant 240 : index
        %get3A_563 = tpu.vector_load %arg12[%get3A_561, %get3A_562] {strides = array<i32>} : memref<32x256xf32, #tpu.memory_space<vmem>>, vector<16xf32>,
        %get3A_564 = arith.index_cast %add3A_237 : i32 to index
        %get3A_565 = arith.constant 112 : index
        %get3A_566 = tpu.vector_load %arg14[%get3A_564, %get3A_565] {strides = array<i32>} : memref<32x256xf32, #tpu.memory_space<vmem>>, vector<16xf32>,
        %get3A_567 = arith.index_cast %add3A_237 : i32 to index
        %get3A_568 = arith.constant 240 : index
        %get3A_569 = tpu.vector_load %arg14[%get3A_567, %get3A_568] {strides = array<i32>} : memref<32x256xf32, #tpu.memory_space<vmem>>, vector<16xf32>,
        %get3A_570 = arith.index_cast %add3A_237 : i32 to index
        %get3A_571 = arith.constant 112 : index
        %get3A_572 = tpu.vector_load %arg16[%get3A_570, %get3A_571] {strides = array<i32>} : memref<32x256xf32, #tpu.memory_space<vmem>>, vector<16xf32>,
        %get3A_573 = arith.index_cast %add3A_237 : i32 to index
        %get3A_574 = arith.constant 240 : index
        %get3A_575 = tpu.vector_load %arg16[%get3A_573, %get3A_574] {strides = array<i32>} : memref<32x256xf32, #tpu.memory_space<vmem>>, vector<16xf32>,
        %mul3A_576 = arith.mulf %get3A_560, %get3A_572 : vector<16xf32>
        %mul3A_577 = arith.mulf %get3A_563, %get3A_575 : vector<16xf32>
        %sub3A_578 = arith.subf %mul3A_576, %mul3A_577 : vector<16xf32>
        %sub3A_579 = arith.subf %sub3A_578, %get3A_566 : vector<16xf32>
        %mul3A_580 = arith.mulf %get3A_560, %get3A_575 : vector<16xf32>
        %mul3A_581 = arith.mulf %get3A_563, %get3A_572 : vector<16xf32>
        %add3A_582 = arith.addf %mul3A_580, %mul3A_581 : vector<16xf32>
        %sub3A_583 = arith.subf %add3A_582, %get3A_569 : vector<16xf32>
        %mul3A_584 = arith.mulf %sub3A_579, %sub3A_579 : vector<16xf32>
        %mul3A_585 = arith.mulf %sub3A_583, %sub3A_583 : vector<16xf32>
        %add3A_586 = arith.constant 1.000000e-30 : f32
        %add3A_587 = vector.broadcast %add3A_586 : f32 to vector<16xf32>
        %add3A_588 = arith.addf %mul3A_585, %add3A_587 : vector<16xf32>
        %add3A_589 = arith.addf %mul3A_584, %add3A_588 : vector<16xf32>
        %bitcast3A_590 = vector.bitcast %add3A_589 : vector<16xf32> to vector<16xi32>
        %shift_right_logical3A_591 = arith.constant 1 : i32
        %shift_right_logical3A_592 = vector.broadcast %shift_right_logical3A_591 : i32 to vector<16xi32>
        %shift_right_logical3A_593 = arith.shrui %bitcast3A_590, %shift_right_logical3A_592 : vector<16xi32>
        %sub3A_594 = arith.constant 1595932665 : i32
        %sub3A_595 = vector.broadcast %sub3A_594 : i32 to vector<16xi32>
        %sub3A_596 = arith.subi %sub3A_595, %shift_right_logical3A_593 : vector<16xi32>
        %bitcast3A_597 = vector.bitcast %sub3A_596 : vector<16xi32> to vector<16xf32>
        %mul3A_598 = arith.mulf %add3A_589, %bitcast3A_597 : vector<16xf32>
        %mul3A_599 = arith.mulf %mul3A_598, %bitcast3A_597 : vector<16xf32>
        %sub3A_600 = arith.constant 2.38924456 : f32
        %sub3A_601 = vector.broadcast %sub3A_600 : f32 to vector<16xf32>
        %sub3A_602 = arith.subf %sub3A_601, %mul3A_599 : vector<16xf32>
        %mul3A_603 = arith.mulf %mul3A_598, %sub3A_602 : vector<16xf32>
        %add3A_604 = arith.addf %mul3A_281, %mul3A_327 : vector<16xf32>
        %add3A_605 = arith.addf %mul3A_373, %mul3A_419 : vector<16xf32>
        %add3A_606 = arith.addf %mul3A_465, %mul3A_511 : vector<16xf32>
        %add3A_607 = arith.addf %mul3A_557, %mul3A_603 : vector<16xf32>
        %add3A_608 = arith.addf %add3A_604, %add3A_605 : vector<16xf32>
        %add3A_609 = arith.addf %add3A_606, %add3A_607 : vector<16xf32>
        %add3A_610 = arith.addf %add3A_608, %add3A_609 : vector<16xf32>
        %add3A_611 = vector.broadcast %scan3A_234 : i32 to vector<16xi32>
        %add3A_612 = arith.addi %mul3A_164, %add3A_611 : vector<16xi32>
        tpu.vector_store_idx %arg17[%add3A_612], %add3A_610 : memref<256xf32, #tpu.memory_space<vmem>>[vector<16xi32>], vector<16xf32>,
      }
      %scan3A_177 = arith.constant 16 : i32
      %get3A = arith.constant 0 : index
      %get3A_178 = tpu.vector_load %arg17[%get3A] {strides = array<i32>} : memref<256xf32, #tpu.memory_space<vmem>>, vector<16xf32>,
      %get3A_179 = arith.constant 16 : index
      %get3A_180 = tpu.vector_load %arg17[%get3A_179] {strides = array<i32>} : memref<256xf32, #tpu.memory_space<vmem>>, vector<16xf32>,
      %get3A_181 = arith.constant 32 : index
      %get3A_182 = tpu.vector_load %arg17[%get3A_181] {strides = array<i32>} : memref<256xf32, #tpu.memory_space<vmem>>, vector<16xf32>,
      %get3A_183 = arith.constant 48 : index
      %get3A_184 = tpu.vector_load %arg17[%get3A_183] {strides = array<i32>} : memref<256xf32, #tpu.memory_space<vmem>>, vector<16xf32>,
      %get3A_185 = arith.constant 64 : index
      %get3A_186 = tpu.vector_load %arg17[%get3A_185] {strides = array<i32>} : memref<256xf32, #tpu.memory_space<vmem>>, vector<16xf32>,
      %get3A_187 = arith.constant 80 : index
      %get3A_188 = tpu.vector_load %arg17[%get3A_187] {strides = array<i32>} : memref<256xf32, #tpu.memory_space<vmem>>, vector<16xf32>,
      %get3A_189 = arith.constant 96 : index
      %get3A_190 = tpu.vector_load %arg17[%get3A_189] {strides = array<i32>} : memref<256xf32, #tpu.memory_space<vmem>>, vector<16xf32>,
      %get3A_191 = arith.constant 112 : index
      %get3A_192 = tpu.vector_load %arg17[%get3A_191] {strides = array<i32>} : memref<256xf32, #tpu.memory_space<vmem>>, vector<16xf32>,
      %get3A_193 = arith.constant 128 : index
      %get3A_194 = tpu.vector_load %arg17[%get3A_193] {strides = array<i32>} : memref<256xf32, #tpu.memory_space<vmem>>, vector<16xf32>,
      %get3A_195 = arith.constant 144 : index
      %get3A_196 = tpu.vector_load %arg17[%get3A_195] {strides = array<i32>} : memref<256xf32, #tpu.memory_space<vmem>>, vector<16xf32>,
      %get3A_197 = arith.constant 160 : index
      %get3A_198 = tpu.vector_load %arg17[%get3A_197] {strides = array<i32>} : memref<256xf32, #tpu.memory_space<vmem>>, vector<16xf32>,
      %get3A_199 = arith.constant 176 : index
      %get3A_200 = tpu.vector_load %arg17[%get3A_199] {strides = array<i32>} : memref<256xf32, #tpu.memory_space<vmem>>, vector<16xf32>,
      %get3A_201 = arith.constant 192 : index
      %get3A_202 = tpu.vector_load %arg17[%get3A_201] {strides = array<i32>} : memref<256xf32, #tpu.memory_space<vmem>>, vector<16xf32>,
      %get3A_203 = arith.constant 208 : index
      %get3A_204 = tpu.vector_load %arg17[%get3A_203] {strides = array<i32>} : memref<256xf32, #tpu.memory_space<vmem>>, vector<16xf32>,
      %get3A_205 = arith.constant 224 : index
      %get3A_206 = tpu.vector_load %arg17[%get3A_205] {strides = array<i32>} : memref<256xf32, #tpu.memory_space<vmem>>, vector<16xf32>,
      %get3A_207 = arith.constant 240 : index
      %get3A_208 = tpu.vector_load %arg17[%get3A_207] {strides = array<i32>} : memref<256xf32, #tpu.memory_space<vmem>>, vector<16xf32>,
      %add3A_209 = arith.addf %get3A_178, %get3A_180 : vector<16xf32>
      %add3A_210 = arith.addf %get3A_182, %get3A_184 : vector<16xf32>
      %add3A_211 = arith.addf %get3A_186, %get3A_188 : vector<16xf32>
      %add3A_212 = arith.addf %get3A_190, %get3A_192 : vector<16xf32>
      %add3A_213 = arith.addf %get3A_194, %get3A_196 : vector<16xf32>
      %add3A_214 = arith.addf %get3A_198, %get3A_200 : vector<16xf32>
      %add3A_215 = arith.addf %get3A_202, %get3A_204 : vector<16xf32>
      %add3A_216 = arith.addf %get3A_206, %get3A_208 : vector<16xf32>
      %add3A_217 = arith.addf %add3A_209, %add3A_210 : vector<16xf32>
      %add3A_218 = arith.addf %add3A_211, %add3A_212 : vector<16xf32>
      %add3A_219 = arith.addf %add3A_213, %add3A_214 : vector<16xf32>
      %add3A_220 = arith.addf %add3A_215, %add3A_216 : vector<16xf32>
      %add3A_221 = arith.addf %add3A_217, %add3A_218 : vector<16xf32>
      %add3A_222 = arith.addf %add3A_219, %add3A_220 : vector<16xf32>
      %add3A_223 = arith.addf %add3A_221, %add3A_222 : vector<16xf32>
      %mul3A_224 = arith.constant 0.703952252 : f32
      %mul3A_225 = vector.broadcast %mul3A_224 : f32 to vector<16xf32>
      %mul3A_226 = arith.mulf %mul3A_225, %add3A_223 : vector<16xf32>
      %sub3A = arith.constant 1.200000e+01 : f32
      %sub3A_227 = vector.broadcast %sub3A : f32 to vector<16xf32>
      %sub3A_228 = arith.subf %sub3A_227, %mul3A_226 : vector<16xf32>
      %mul3A_229 = arith.constant 16 : i32
      %mul3A_230 = arith.muli %scan3A_171, %mul3A_229 : i32
      %add3A_231 = arith.constant 96 : i32
      %add3A_232 = arith.addi %add3A_231, %mul3A_230 : i32
      %swap3A = arith.index_cast %add3A_232 : i32 to index
      %swap3A_233 = tpu.vector_load %arg18[%swap3A] {strides = array<i32>} : memref<128xf32, #tpu.memory_space<vmem>>, vector<16xf32>,
      tpu.vector_store %arg18[%swap3A], %sub3A_228 {strides = array<i32>} : memref<128xf32, #tpu.memory_space<vmem>>, vector<16xf32>,
    }
    %scan3A_170 = arith.constant 2 : i32
    "tpu.region"() ({
      %run_scoped3A = tpu.sem_alloc : memref<!tpu.dma_semaphore, #tpu.memory_space<semaphore_mem>>
      %dma_start3A_171 = tpu.memref_slice %arg7[%mul3A_2] : memref<4096xf32, #tpu.memory_space<hbm>> -> memref<128xf32, #tpu.memory_space<hbm>>
      %dma_start3A_172 = tpu.memref_slice %arg7[%mul3A_2] : memref<4096xf32, #tpu.memory_space<hbm>> -> memref<128xf32, #tpu.memory_space<hbm>>
      tpu.enqueue_dma source(%arg18 : memref<128xf32, #tpu.memory_space<vmem>>) target(%dma_start3A_172 : memref<128xf32, #tpu.memory_space<hbm>>) target_semaphore(%run_scoped3A : memref<!tpu.dma_semaphore, #tpu.memory_space<semaphore_mem>>)
      %dma_wait3A_173 = tpu.memref_slice %arg7[%mul3A_2] : memref<4096xf32, #tpu.memory_space<hbm>> -> memref<128xf32, #tpu.memory_space<hbm>>
      %dma_wait3A_174 = tpu.memref_slice %arg7[%mul3A_2] : memref<4096xf32, #tpu.memory_space<hbm>> -> memref<128xf32, #tpu.memory_space<hbm>>
      tpu.wait_dma2 semaphore(%run_scoped3A : memref<!tpu.dma_semaphore, #tpu.memory_space<semaphore_mem>>) src(%arg18 : memref<128xf32, #tpu.memory_space<vmem>>) dst(%dma_wait3A_174 : memref<128xf32, #tpu.memory_space<hbm>>)
      tpu.yield
    }) : () -> ()
    return
  }
}

module attributes {stable_mosaic.version = 14 : i64} {
  func.func @_trig_body(%arg0: memref<1000x128xf32, #tpu.memory_space<vmem>>, %arg1: memref<1000x256xf32, #tpu.memory_space<vmem>>) attributes {dimension_semantics = [], scalar_prefetch = 0 : i64, scratch_operands = 0 : i64, tpu.core_type = #tpu.core_type<tc>} {
    %get3A = arith.constant 0 : index
    %get3A_0 = arith.constant 0 : index
    %get3A_1 = vector.load %arg0[%get3A, %get3A_0] : memref<1000x128xf32, #tpu.memory_space<vmem>>, vector<1000x128xf32>
    %mul3A = arith.constant 28.7231331 : f32
    %mul3A_2 = vector.broadcast %mul3A : f32 to vector<1000x128xf32>
    %mul3A_3 = arith.mulf %get3A_1, %mul3A_2 : vector<1000x128xf32>
    %mul3A_4 = arith.mulf %mul3A_3, %mul3A_3 : vector<1000x128xf32>
    %mul3A_5 = arith.constant -9.72173383E-12 : f32
    %mul3A_6 = vector.broadcast %mul3A_5 : f32 to vector<1000x128xf32>
    %mul3A_7 = arith.mulf %mul3A_6, %mul3A_4 : vector<1000x128xf32>
    %add3A = arith.constant 2.06033302E-9 : f32
    %add3A_8 = vector.broadcast %add3A : f32 to vector<1000x128xf32>
    %add3A_9 = arith.addf %mul3A_7, %add3A_8 : vector<1000x128xf32>
    %mul3A_10 = arith.constant -6.61012206E-13 : f32
    %mul3A_11 = vector.broadcast %mul3A_10 : f32 to vector<1000x128xf32>
    %mul3A_12 = arith.mulf %mul3A_11, %mul3A_4 : vector<1000x128xf32>
    %add3A_13 = arith.constant 1.58964744E-10 : f32
    %add3A_14 = vector.broadcast %add3A_13 : f32 to vector<1000x128xf32>
    %add3A_15 = arith.addf %mul3A_12, %add3A_14 : vector<1000x128xf32>
    %mul3A_16 = arith.mulf %add3A_9, %mul3A_4 : vector<1000x128xf32>
    %add3A_17 = arith.constant -2.75347674E-7 : f32
    %add3A_18 = vector.broadcast %add3A_17 : f32 to vector<1000x128xf32>
    %add3A_19 = arith.addf %mul3A_16, %add3A_18 : vector<1000x128xf32>
    %mul3A_20 = arith.mulf %add3A_15, %mul3A_4 : vector<1000x128xf32>
    %add3A_21 = arith.constant -2.50386822E-8 : f32
    %add3A_22 = vector.broadcast %add3A_21 : f32 to vector<1000x128xf32>
    %add3A_23 = arith.addf %mul3A_20, %add3A_22 : vector<1000x128xf32>
    %mul3A_24 = arith.mulf %add3A_19, %mul3A_4 : vector<1000x128xf32>
    %add3A_25 = arith.constant 2.48005508E-5 : f32
    %add3A_26 = vector.broadcast %add3A_25 : f32 to vector<1000x128xf32>
    %add3A_27 = arith.addf %mul3A_24, %add3A_26 : vector<1000x128xf32>
    %mul3A_28 = arith.mulf %add3A_23, %mul3A_4 : vector<1000x128xf32>
    %add3A_29 = arith.constant 2.75567027E-6 : f32
    %add3A_30 = vector.broadcast %add3A_29 : f32 to vector<1000x128xf32>
    %add3A_31 = arith.addf %mul3A_28, %add3A_30 : vector<1000x128xf32>
    %mul3A_32 = arith.mulf %add3A_27, %mul3A_4 : vector<1000x128xf32>
    %add3A_33 = arith.constant -0.00138888624 : f32
    %add3A_34 = vector.broadcast %add3A_33 : f32 to vector<1000x128xf32>
    %add3A_35 = arith.addf %mul3A_32, %add3A_34 : vector<1000x128xf32>
    %mul3A_36 = arith.mulf %add3A_31, %mul3A_4 : vector<1000x128xf32>
    %add3A_37 = arith.constant -1.98412541E-4 : f32
    %add3A_38 = vector.broadcast %add3A_37 : f32 to vector<1000x128xf32>
    %add3A_39 = arith.addf %mul3A_36, %add3A_38 : vector<1000x128xf32>
    %mul3A_40 = arith.mulf %add3A_35, %mul3A_4 : vector<1000x128xf32>
    %add3A_41 = arith.constant 0.0416666642 : f32
    %add3A_42 = vector.broadcast %add3A_41 : f32 to vector<1000x128xf32>
    %add3A_43 = arith.addf %mul3A_40, %add3A_42 : vector<1000x128xf32>
    %mul3A_44 = arith.mulf %add3A_39, %mul3A_4 : vector<1000x128xf32>
    %add3A_45 = arith.constant 0.00833333284 : f32
    %add3A_46 = vector.broadcast %add3A_45 : f32 to vector<1000x128xf32>
    %add3A_47 = arith.addf %mul3A_44, %add3A_46 : vector<1000x128xf32>
    %mul3A_48 = arith.mulf %add3A_43, %mul3A_4 : vector<1000x128xf32>
    %add3A_49 = arith.constant -5.000000e-01 : f32
    %add3A_50 = vector.broadcast %add3A_49 : f32 to vector<1000x128xf32>
    %add3A_51 = arith.addf %mul3A_48, %add3A_50 : vector<1000x128xf32>
    %mul3A_52 = arith.mulf %add3A_47, %mul3A_4 : vector<1000x128xf32>
    %add3A_53 = arith.constant -0.166666672 : f32
    %add3A_54 = vector.broadcast %add3A_53 : f32 to vector<1000x128xf32>
    %add3A_55 = arith.addf %mul3A_52, %add3A_54 : vector<1000x128xf32>
    %mul3A_56 = arith.mulf %add3A_51, %mul3A_4 : vector<1000x128xf32>
    %add3A_57 = arith.constant 1.000000e+00 : f32
    %add3A_58 = vector.broadcast %add3A_57 : f32 to vector<1000x128xf32>
    %add3A_59 = arith.addf %mul3A_56, %add3A_58 : vector<1000x128xf32>
    %mul3A_60 = arith.mulf %add3A_55, %mul3A_4 : vector<1000x128xf32>
    %add3A_61 = arith.constant 1.000000e+00 : f32
    %add3A_62 = vector.broadcast %add3A_61 : f32 to vector<1000x128xf32>
    %add3A_63 = arith.addf %mul3A_60, %add3A_62 : vector<1000x128xf32>
    %swap3A = arith.constant 0 : index
    %swap3A_64 = arith.constant 0 : index
    %swap3A_65 = vector.load %arg1[%swap3A, %swap3A_64] : memref<1000x256xf32, #tpu.memory_space<vmem>>, vector<1000x128xf32>
    tpu.vector_store %arg1[%swap3A, %swap3A_64], %add3A_59 {strides = array<i32>} : memref<1000x256xf32, #tpu.memory_space<vmem>>, vector<1000x128xf32>,
    %mul3A_66 = arith.mulf %mul3A_3, %add3A_63 : vector<1000x128xf32>
    %swap3A_67 = arith.constant 0 : index
    %swap3A_68 = arith.constant 128 : index
    %swap3A_69 = vector.load %arg1[%swap3A_67, %swap3A_68] : memref<1000x256xf32, #tpu.memory_space<vmem>>, vector<1000x128xf32>
    tpu.vector_store %arg1[%swap3A_67, %swap3A_68], %mul3A_66 {strides = array<i32>} : memref<1000x256xf32, #tpu.memory_space<vmem>>, vector<1000x128xf32>,
    return
  }
}

</mosaic_0001>

<sc_bundles>
// kernel: kernel.4.cloned.1.call-start
scs
__scs_entry_jumppad:
0x0: {  	(pc) =	sbr.rel $0x88, $3  }
0x1: {  	(tag) =	ssettag $0x0;
	lr =	simm.s32 $0x1  }
0x2: {  	[smem:$0x3F9E] =	sst lr;
	_ =	strace $0xD0000000  }
0x3: {  	_ = 	snop  }
0x4: {  	_ = 	snop  }
0x5: {  	_ = 	snop  }
0x6: {  	_ = 	snop  }
0x7: {  	_ = 	snop  }
__scs_overlays_trampoline_lowered:
0x8: {  	[smem:$0x3FAD] =	sst s0  }
0x9: {  	[smem:$0x3FAE] =	sst s1  }
0xa: {  	[smem:$0x3FAF] =	sst s2  }
0xb: {  	[smem:$0x3FB0] =	sst s3  }
0xc: {  	[smem:$0x3FB1] =	sst s4  }
0xd: {  	[smem:$0x3FB2] =	sst s5  }
0xe: {  	[smem:$0x3FB3] =	sst s6  }
0xf: {  	[smem:$0x3FB4] =	sst s7  }
0x10: {  	[smem:$0x3FB5] =	sst s8  }
0x11: {  	[smem:$0x3FB6] =	sst s9;
	s0 =	simm.s32 @!p0 $0x0  }
0x12: {  	s1 =	sld [smem:$0x3F9C];
	s0 =	simm.s32 @p0 $0x1  }
0x13: {  	[smem:$0x3FB7] =	sst s0;
	s0 =	simm.s32 @!p1 $0x0  }
0x14: {  	s2 =	sld [smem:$0x3F9B];
	s0 =	simm.s32 @p1 $0x1  }
0x15: {  	[smem:$0x3FB8] =	sst s0;
	s0 =	simm.s32 @!p2 $0x0  }
0x16: {  	s3 =	sld [smem:$0x3FDB];
	s0 =	simm.s32 @p2 $0x1  }
0x17: {  	s4 =	simm.s32 $0x1BF5;
	[smem:$0x3FBA] =	sst s0  }
0x18: {  	s0 =	sld [smem:$0x3F9D];
	_ =	swait.ge [sflag:s4], $0x0  }
0x19: {  	s7 =	sld [smem:$0x3F9E]  }
0x1a: {  	s8 =	sadd.s32 $0xFFFFE003, lr  }
0x1b: {  	s9 =	sadd.s32 $0xFFFFFEF7, lr;
	s5 =	simm.s32 $0xFFFFFFFF;
	p2 =	slt.u32 s8, $0xFFFFF086  }
0x1c: {  	p1 =	slt.u32 s9, $0xF7A;
	s5 =	simm.s32 @!p2 $0x0  }
0x1d: {  	s5 =	simm.s32 @p1 $0x1;
	p0 =	seq.s32 s7, s2  }
0x1e: {  	s7 =	smul.u32 @!p0 $0xF7A, s2;
	p2 =	seq.s32 @!p0 s5, $0x0  }
0x1f: {  	s9 =	smul.u32 $0xF7A, s1;
	s8 =	simm.s32 @!p0 $0x1BF5;
	p2 =	por !p2, p0  }
0x20: {  	[sflag:s8] =	ssyncset.s32 @!p0 $0xFFFFF086;
	s6 =	sadd.s32 @!p0 s3, s7;
	s7 =	simm.s32 @!p0 $0x108  }
0x21: {  	s3 =	sadd.s32 s3, s9;
	s6 =	sadd.s32 @!p0 $0x88, s6;
	s7 =	simm.s32 @p2 $0x1082  }
0x22: {  	[simem:s7], [sflag:s8] =	dma.local @!p0 [hbm:s6], $0xF7A  }
0x23: {  	s9 =	sor.u32 $0xD0000000, s2;
	s6 =	simm.s32 $0x108;
	_ =	swait.ge @!p0 [sflag:s8], $0x0  }
0x24: {  	s3 =	sadd.s32 $0x88, s3;
	s6 =	simm.s32 @!p1 $0x1082;
	[sflag:s4] =	ssyncset.s32 $0xFFFFF086  }
0x25: {  	[simem:s6], [sflag:s4] =	dma.local [hbm:s3], $0xF7A  }
0x26: {  	[smem:$0x3F9E] =	sst s1;
	(tag) =	ssettag s2;
	_ =	strace s9  }
0x27: {  	s1 =	sld [smem:$0x3FAE]  }
0x28: {  	s2 =	sld [smem:$0x3FAF]  }
0x29: {  	s4 =	sld [smem:$0x3FB1]  }
0x2a: {  	p0 =	seq.s32 s5, $0x0;
	s5 =	sld [smem:$0x3FB2]  }
0x2b: {  	s6 =	sld [smem:$0x3FB3]  }
0x2c: {  	s7 =	sld [smem:$0x3FB4]  }
0x2d: {  	s3 =	simm.s32 $0x108;
	s8 =	sld [smem:$0x3FB5]  }
0x2e: {  	s3 =	simm.s32 @!p0 $0x1082;
	s9 =	sld [smem:$0x3FB6]  }
0x2f: {  	lr =	sadd.s32 s0, s3;
	s0 =	sld [smem:$0x3FAD]  }
0x30: {  	s3 =	sld [smem:$0x3FB0]  }
0x31: {  	[smem:$0x3FB9] =	sst s10  }
0x32: {  	s10 =	sld [smem:$0x3FB7];
	_ =	sdelay $0x3  }
0x33: {  	p0 =	seq.s32 s10, $0x1;
	s10 =	sld [smem:$0x3FB9];
	_ =	sdelay $0x3  }
0x34: {  	[smem:$0x3FB9] =	sst s10  }
0x35: {  	s10 =	sld [smem:$0x3FB8];
	_ =	sdelay $0x3  }
0x36: {  	p1 =	seq.s32 s10, $0x1;
	s10 =	sld [smem:$0x3FB9];
	_ =	sdelay $0x3  }
0x37: {  	[smem:$0x3FB9] =	sst s10  }
0x38: {  	s10 =	sld [smem:$0x3FBA]  }
0x39: {  	_ = 	snop;
	(pc) =	sbr.ind lr, $3  }
0x3a: {  	_ = 	snop  }
0x3b: {  	_ = 	snop  }
0x3c: {  	p2 =	seq.s32 s10, $0x1;
	s10 =	sld [smem:$0x3FB9]  }
0x3d: {  	_ =	shalt  }
0x3e: {  	_ =	shalt  }
0x3f: {  	_ =	shalt  }
0x40: {  	_ =	shalt  }
0x41: {  	_ =	shalt  }
0x42: {  	_ =	shalt  }
0x43: {  	_ =	shalt  }
0x44: {  	_ =	shalt  }
0x45: {  	_ =	shalt  }
0x46: {  	_ =	shalt  }
0x47: {  	_ =	shalt  }
0x48: {  	_ =	shalt  }
0x49: {  	_ =	shalt  }
0x4a: {  	_ =	shalt  }
0x4b: {  	_ =	shalt  }
0x4c: {  	_ =	shalt  }
0x4d: {  	_ =	shalt  }
0x4e: {  	_ =	shalt  }
0x4f: {  	_ =	shalt  }
0x50: {  	_ =	shalt  }
0x51: {  	_ =	shalt  }
0x52: {  	_ =	shalt  }
0x53: {  	_ =	shalt  }
0x54: {  	_ =	shalt  }
0x55: {  	_ =	shalt  }
0x56: {  	_ =	shalt  }
0x57: {  	_ =	shalt  }
0x58: {  	_ =	shalt  }
0x59: {  	_ =	shalt  }
0x5a: {  	_ =	shalt  }
0x5b: {  	_ =	shalt  }
0x5c: {  	_ =	shalt  }
0x5d: {  	_ =	shalt  }
0x5e: {  	_ =	shalt  }
0x5f: {  	_ =	shalt  }
0x60: {  	_ =	shalt  }
0x61: {  	_ =	shalt  }
0x62: {  	_ =	shalt  }
0x63: {  	_ =	shalt  }
0x64: {  	_ =	shalt  }
0x65: {  	_ =	shalt  }
0x66: {  	_ =	shalt  }
0x67: {  	_ =	shalt  }
0x68: {  	_ =	shalt  }
0x69: {  	_ =	shalt  }
0x6a: {  	_ =	shalt  }
0x6b: {  	_ =	shalt  }
0x6c: {  	_ =	shalt  }
0x6d: {  	_ =	shalt  }
0x6e: {  	_ =	shalt  }
0x6f: {  	_ =	shalt  }
0x70: {  	_ =	shalt  }
0x71: {  	_ =	shalt  }
0x72: {  	_ =	shalt  }
0x73: {  	_ =	shalt  }
0x74: {  	_ =	shalt  }
0x75: {  	_ =	shalt  }
0x76: {  	_ =	shalt  }
0x77: {  	_ =	shalt  }
0x78: {  	_ =	shalt  }
0x79: {  	_ =	shalt  }
0x7a: {  	_ =	shalt  }
0x7b: {  	_ =	shalt  }
0x7c: {  	_ =	shalt  }
0x7d: {  	_ =	shalt  }
0x7e: {  	_ =	shalt  }
0x7f: {  	_ =	shalt  }
0x80: {  	_ =	shalt  }
0x81: {  	_ =	shalt  }
0x82: {  	_ =	shalt  }
0x83: {  	_ =	shalt  }
0x84: {  	_ =	shalt  }
0x85: {  	_ =	shalt  }
0x86: {  	_ =	shalt  }
0x87: {  	_ =	shalt  }
.Lfunc_end0:
.L_simem_size_0:
called_computation_lowered:
.L_overlay_start_0:
0x88: {  	s2 =	sld [smem:$0x3FD9]  }
0x89: {  	s3 =	sld [smem:$0x3FFE];
	_ =	sdelay $0x1  }
0x8a: {  	s1 =	srdreg.scid  }
0x8b: {  	s0 =	sand.u32 $0x1, s1  }
0x8c: {  	s17 =	sshll.u32 s0, $0xA;
	s2 =	sadd.s32 s3, s2  }
0x8d: {  	s2 =	sadd.s32 s2, s17  }
0x8e: {  	[smem:$0x3FC5] =	sst s2  }
0x8f: {  	_ = 	snop  }
0x90: {  	s2 =	sld [smem:$0x3FC8]  }
0x91: {  	s18 =	sld [smem:$0x3FD0];
	(tm) =	ssettm $0x1  }
0x92: {  	s4 =	sld [smem:$0x3FFB];
	_ =	sdelay $0x3  }
0x93: {  	_ =	strace s4  }
0x94: {  	s4 =	sld [smem:$0x3FFC];
	_ =	sdelay $0x3  }
0x95: {  	_ =	strace s4  }
0x96: {  	s4 =	sld [smem:$0x3FFD];
	_ =	sdelay $0x3  }
0x97: {  	_ =	strace s4  }
0x98: {  	_ =	strace $0x8FFFFFFF  }
0x99: {  	s19 =	sld [smem:$0x3FDB];
	_ =	sdelay $0x1  }
0x9a: {  	s5 =	simm.s32 $_scs_section_size  }
0x9b: {  	s6 =	simm.s32 $_size__tile_overlayer_lowered;
	s7 =	simm.s32 $_tile_overlayer_lowered  }
0x9c: {  	s22 =	simm.s32 $0x1BFF;
	s21 =	sshll.u32 s7, $0x1;
	s4 =	sadd.s32 s5, s19  }
0x9d: {  	s8 =	simm.s32 $0x0;
	s20 =	sshll.u32 s6, $0x1;
	s6 =	sadd.s32 s21, s4  }
0x9e: {  	[timem:s8], [sflag:s22] =	dma.local [hbm:s6], s20  }
0x9f: {  	_ =	swait.ge [sflag:s22], s20  }
0xa0: {  	s5 =	ssub.s32 $0x0, s20;
	[sflag:s22] =	ssyncset.done $0x0  }
0xa1: {  	[sflag:s22] =	ssyncadd.s32 s5;
	_ =	sdelay $0x1  }
0xa2: {  	s23 =	simm.s32 $0x1B8B  }
0xa3: {  	_ =	swait.ge [sflag:s23], $0x1  }
0xa4: {  	[sflag:s23] =	ssyncset.done $0x0  }
0xa5: {  	s25 =	simm.s32 $0x1B8E;
	s24 =	sld [smem:$0x3FFE];
	[sflag:s23] =	ssyncadd.s32 $0xFFFFFFFF  }
0xa6: {  	s26 =	simm.s32 $execute0_lowered;
	[smem:$0x3FD2] =	sst s25  }
0xa7: {  	s6 =	sshll.u32 s26, $0x1;
	_ =	strace $0x80000046;
	[dreg:$0x1] =	wrdreg $0xFFFFFFFF  }
0xa8: {  	s28 =	simm.s32 $_size_execute0_lowered;
	s4 =	sadd.s32 s4, s6;
	[dreg:$0x0] =	wrdreg $0x0  }
0xa9: {  	s6 =	sshll.u32 s28, $0x1;
	[dreg:$0x2] =	wrdreg s4  }
0xaa: {  	[dreg:$0x3] =	wrdreg s6  }
0xab: {  	[dreg:$0x4] =	wrdreg $0xC0  }
0xac: {  	_ =	task [dreg:s8], $0x5FFFF  }
0xad: {  	[dreg:$0x1] =	wrdreg $0xFFFFFFFF  }
0xae: {  	[dreg:$0x0] =	wrdreg $0x60  }
0xaf: {  	[dreg:$0x2] =	wrdreg s2  }
0xb0: {  	[dreg:$0x3] =	wrdreg s24  }
0xb1: {  	[dreg:$0x4] =	wrdreg s18  }
0xb2: {  	[dreg:$0x5] =	wrdreg $0x9  }
0xb3: {  	_ =	task.clear_ibuf [dreg:s8], $0x6FFFF;
	_ =	strace $0x90000046  }
0xb4: {  	s29 =	simm.s32 $0x9;
	_ =	strace $0x80000048  }
0xb5: {  	_ =	swait.ge [sflag:s29], $0x1  }
0xb6: {  	[sflag:s29] =	ssyncadd.s32 $0xFFFFFFFF  }
0xb7: {  	_ =	strace $0x90000048  }
0xb8: {  	_ =	sfence  }
0xb9: {  	s30 =	sld [smem:$0x0];
	_ =	sdelay $0x2  }
0xba: {  	s31 =	sshll.u32 s1, $0xD;
	s1 =	sshrl.u32 s1, $0x2  }
0xbb: {  	s3 =	sand.u32 $0x4000, s31;
	s1 =	sadd.s32 s1, s30  }
0xbc: {  	s0 =	sor.u32 s3, s0;
	s1 =	sshll.u32 s1, $0x11  }
0xbd: {  	s0 =	sor.u32 s1, s0  }
0xbe: {  	s0 =	sadd.s32 $0x8F2B, s0  }
0xbf: {  	[sflag:s0] =	ssyncadd.remote.s32 $0x1  }
0xc0: {  	_ =	sfence.sel $0xFFFF  }
0xc1: {  	[dreg:$0x0] =	wrdreg $0xFFFFFFFF;
	(pc) =	sbr.abs _section_cstart, $3  }
0xc2: {  	[dreg:$0x1] =	wrdreg $0xFFFFFFFF  }
0xc3: {  	_ =	task.clear_ibuf [dreg:s8], $0x2FFFF;
	_ =	strace $0x9FFFFFFF  }
0xc4: {  	(tm) =	ssettm $0x7FFFFFFF  }
0xc5: {  	_ =	shalt  }
tec
execute0_lowered:
.L_overlay_start_1:
0x0: {  	(tag) =	ssettag $0x1  }
0x1: {  	s1 =	rddreg [dreg:$0x0]  }
0x2: {  	s0 =	rddreg [dreg:$0x1]  }
0x3: {  	s2 =	rddreg [dreg:$0x2];
	s4 =	srdreg.scid  }
0x4: {  	s3 =	simm.s32 $0x0;
	s5 =	stileid.u32;
	s12 =	simm.s32 $0x3  }
0x5: {  	s29 =	simm.s32 $0x180;
	s30 =	simm.s32 $0x6180;
	s31 =	simm.s32 $0x6980  }
0x6: {  	s10 =	simm.s32 $0xA180;
	s11 =	simm.s32 $0xA980;
	s13 =	simm.s32 $0xB180  }
0x7: {  	s14 =	simm.s32 $0xB980;
	s15 =	simm.s32 $0x1;
	s16 =	simm.s32 $0xC180  }
0x8: {  	s17 =	simm.s32 $0x2;
	s18 =	simm.s32 $0x4;
	s19 =	simm.s32 $0x0  }
0x9: {  	s4 =	sand.u32 $0x1, s4;
	[smem:$0x7FF] =	sst s3;
	s5 =	sshll.u32 s5, $0x5  }
0xa: {  	s6 =	sshll.u32 s4, $0x4;
	_ =	strace $0x80000047;
	s26 =	ssub.s32 $0x2, s4  }
0xb: {  	s4 =	sadd.s32 $0x1000, s0;
	s8 =	sor.u32 s6, s5;
	s28 =	sshrl.u32 s26, $0x1  }
0xc: {  	v3 =	vlaneseq.u32;
	s0 =	sadd.s32 s8, s0;
	s9 =	ssub.s32 s26, s28;
	s8 =	sadd.s32 s2, s8  }
0xd: {  	vm0 =	vmmov $0xffff;
	v1 =	vshrl.u32 v3, $0x3;
	v0 =	vand.u32 $0x7, v3;
	s2 =	simm.s32 $0x7980;
	s5 =	sadd.s32 $0xE00, s0;
	s6 =	sadd.s32 $0xC00, s0  }
0xe: {  	v2 =	vor.u32 $0x8, v3;
	v3 =	vmul.u32 $0x10, v3;
	v1 =	vmul.u32 $0x8, v1;
	s7 =	sadd.s32 $0xA00, s0;
	s9 =	smax.u32 s9, $0x1;
	s0 =	simm.s32 $0x7180  }
.LBB2_1:
0xf: {  	[tilespmem:s3], [sflag:$0x3] =	stream.linear.gather [hbm4b:s5+s3], $0x80, $0x38;
	[tilespmem:$0xC300] =	vst v63  }
0x10: {  	s20 =	simm.s32 $0x80  }
0x11: {  	[tilespmem:s20], [sflag:$0x3] =	stream.linear.gather [hbm4b:s6+s3], $0x80, $0x38;
	[tilespmem:$0xC300] =	vst v63  }
0x12: {  	s26 =	simm.s32 $0x100  }
0x13: {  	[tilespmem:s26], [sflag:$0x3] =	stream.linear.gather [hbm4b:s7+s3], $0x80, $0x38;
	[tilespmem:$0xC300] =	vst v63  }
0x14: {  	_ =	swait.ge [sflag:s12], $0x80  }
0x15: {  	[sflag:s12] =	ssyncset.done $0x0  }
0x16: {  	[sflag:s12] =	ssyncadd.s32 $0xFFFFFF80  }
0x17: {  	_ =	swait.ge [sflag:s12], $0x80  }
0x18: {  	[sflag:s12] =	ssyncset.done $0x0  }
0x19: {  	[sflag:s12] =	ssyncadd.s32 $0xFFFFFF80  }
0x1a: {  	_ =	swait.ge [sflag:s12], $0x80  }
0x1b: {  	[sflag:s12] =	ssyncset.done $0x0  }
0x1c: {  	[sflag:s12] =	ssyncadd.s32 $0xFFFFFF80  }
0x1d: {  	v4 =	vld [tilespmem:$0x0];
	_ =	sdelay $0x4  }
0x1e: {  	v5 =	vshll.u32 v4, $0x1  }
0x1f: {  	v4 =	vand.u32 $0x7, v4;
	v5 =	vand.u32 $0xFFFFFFF0, v5  }
0x20: {  	v4 =	vor.u32 v4, v5  }
0x21: {  	v5 =	vperm.xlane v4, v0;
	_ =	sdelay $0x1  }
0x22: {  	v4 =	vperm.xlane v4, v2;
	v5 =	vadd.s32 v1, v5;
	_ =	sdelay $0x1  }
0x23: {  	v4 =	vadd.s32 v1, v4;
	_ =	sdelay $0x2  }
0x24: {  	[tilespmem:s29], [sflag:$0x1] =	stream.indirect_vreg.gather [hbm4b:s1+s3], $0x80, v5, vm0, $0xb8;
	[tilespmem:$0xC300] =	vst v63  }
0x25: {  	s28 =	simm.s32 $0x980  }
0x26: {  	[tilespmem:s28], [sflag:$0x1] =	stream.indirect_vreg.gather [hbm4b:s1+s3], $0x80, v4, vm0, $0xb8;
	[tilespmem:$0xC300] =	vst v63  }
0x27: {  	v4 =	vld [tilespmem:$0x10];
	_ =	sdelay $0x4  }
0x28: {  	v5 =	vshll.u32 v4, $0x1  }
0x29: {  	v4 =	vand.u32 $0x7, v4;
	v5 =	vand.u32 $0xFFFFFFF0, v5  }
0x2a: {  	v4 =	vor.u32 v4, v5  }
0x2b: {  	v5 =	vperm.xlane v4, v0;
	_ =	sdelay $0x1  }
0x2c: {  	v4 =	vperm.xlane v4, v2;
	v5 =	vadd.s32 v1, v5;
	_ =	sdelay $0x1  }
0x2d: {  	v4 =	vadd.s32 v1, v4;
	_ =	sdelay $0x1  }
0x2e: {  	s21 =	simm.s32 $0x1180  }
0x2f: {  	[tilespmem:s21], [sflag:$0x1] =	stream.indirect_vreg.gather [hbm4b:s1+s3], $0x80, v5, vm0, $0xb8;
	[tilespmem:$0xC300] =	vst v63  }
0x30: {  	s22 =	simm.s32 $0x1980  }
0x31: {  	[tilespmem:s22], [sflag:$0x1] =	stream.indirect_vreg.gather [hbm4b:s1+s3], $0x80, v4, vm0, $0xb8;
	[tilespmem:$0xC300] =	vst v63  }
0x32: {  	v4 =	vld [tilespmem:$0x100];
	_ =	sdelay $0x4  }
0x33: {  	v5 =	vshll.u32 v4, $0x1  }
0x34: {  	v4 =	vand.u32 $0x7, v4;
	v5 =	vand.u32 $0xFFFFFFF0, v5  }
0x35: {  	v4 =	vor.u32 v4, v5  }
0x36: {  	v5 =	vperm.xlane v4, v0;
	_ =	sdelay $0x1  }
0x37: {  	v4 =	vperm.xlane v4, v2;
	v5 =	vadd.s32 v1, v5;
	_ =	sdelay $0x1  }
0x38: {  	v4 =	vadd.s32 v1, v4;
	_ =	sdelay $0x1  }
0x39: {  	s23 =	simm.s32 $0x4180  }
0x3a: {  	[tilespmem:s23], [sflag:$0x1] =	stream.indirect_vreg.gather [hbm4b:s1+s3], $0x80, v5, vm0, $0xb8;
	[tilespmem:$0xC300] =	vst v63  }
0x3b: {  	s24 =	simm.s32 $0x4980  }
0x3c: {  	[tilespmem:s24], [sflag:$0x1] =	stream.indirect_vreg.gather [hbm4b:s1+s3], $0x80, v4, vm0, $0xb8;
	[tilespmem:$0xC300] =	vst v63  }
0x3d: {  	v4 =	vld [tilespmem:$0x110];
	_ =	sdelay $0x4  }
0x3e: {  	v5 =	vshll.u32 v4, $0x1  }
0x3f: {  	v4 =	vand.u32 $0x7, v4;
	v5 =	vand.u32 $0xFFFFFFF0, v5  }
0x40: {  	v4 =	vor.u32 v4, v5  }
0x41: {  	v5 =	vperm.xlane v4, v0;
	_ =	sdelay $0x1  }
0x42: {  	v4 =	vperm.xlane v4, v2;
	v5 =	vadd.s32 v1, v5;
	_ =	sdelay $0x1  }
0x43: {  	v4 =	vadd.s32 v1, v4;
	_ =	sdelay $0x1  }
0x44: {  	s25 =	simm.s32 $0x5180  }
0x45: {  	[tilespmem:s25], [sflag:$0x1] =	stream.indirect_vreg.gather [hbm4b:s1+s3], $0x80, v5, vm0, $0xb8;
	[tilespmem:$0xC300] =	vst v63  }
0x46: {  	s26 =	simm.s32 $0x5980  }
0x47: {  	[tilespmem:s26], [sflag:$0x1] =	stream.indirect_vreg.gather [hbm4b:s1+s3], $0x80, v4, vm0, $0xb8;
	[tilespmem:$0xC300] =	vst v63  }
0x48: {  	v4 =	vld [tilespmem:$0x80];
	_ =	sdelay $0x4  }
0x49: {  	v5 =	vshll.u32 v4, $0x1  }
0x4a: {  	v4 =	vand.u32 $0x7, v4;
	v5 =	vand.u32 $0xFFFFFFF0, v5  }
0x4b: {  	v4 =	vor.u32 v4, v5  }
0x4c: {  	v5 =	vperm.xlane v4, v0;
	_ =	sdelay $0x1  }
0x4d: {  	v4 =	vperm.xlane v4, v2;
	v5 =	vadd.s32 v1, v5;
	_ =	sdelay $0x1  }
0x4e: {  	v4 =	vadd.s32 v1, v4;
	_ =	sdelay $0x1  }
0x4f: {  	s28 =	simm.s32 $0x8180  }
0x50: {  	[tilespmem:s28], [sflag:$0x1] =	stream.indirect_vreg.gather [hbm4b:s4+s3], $0x80, v5, vm0, $0xb8;
	[tilespmem:$0xC300] =	vst v63  }
0x51: {  	s21 =	simm.s32 $0x8980  }
0x52: {  	[tilespmem:s21], [sflag:$0x1] =	stream.indirect_vreg.gather [hbm4b:s4+s3], $0x80, v4, vm0, $0xb8;
	[tilespmem:$0xC300] =	vst v63  }
0x53: {  	v4 =	vld [tilespmem:$0x90];
	_ =	sdelay $0x4  }
0x54: {  	v5 =	vshll.u32 v4, $0x1  }
0x55: {  	v4 =	vand.u32 $0x7, v4;
	v5 =	vand.u32 $0xFFFFFFF0, v5  }
0x56: {  	v4 =	vor.u32 v4, v5  }
0x57: {  	v5 =	vperm.xlane v4, v0;
	_ =	sdelay $0x1  }
0x58: {  	v4 =	vperm.xlane v4, v2;
	v5 =	vadd.s32 v1, v5;
	_ =	sdelay $0x1  }
0x59: {  	v4 =	vadd.s32 v1, v4;
	_ =	sdelay $0x1  }
0x5a: {  	s22 =	simm.s32 $0x9180  }
0x5b: {  	[tilespmem:s22], [sflag:$0x1] =	stream.indirect_vreg.gather [hbm4b:s4+s3], $0x80, v5, vm0, $0xb8;
	[tilespmem:$0xC300] =	vst v63  }
0x5c: {  	s23 =	simm.s32 $0x9980  }
0x5d: {  	[tilespmem:s23], [sflag:$0x1] =	stream.indirect_vreg.gather [hbm4b:s4+s3], $0x80, v4, vm0, $0xb8;
	[tilespmem:$0xC300] =	vst v63  }
0x5e: {  	v4 =	vld [tilespmem:$0x20];
	_ =	sdelay $0x4  }
0x5f: {  	v5 =	vshll.u32 v4, $0x1  }
0x60: {  	v4 =	vand.u32 $0x7, v4;
	v5 =	vand.u32 $0xFFFFFFF0, v5  }
0x61: {  	v4 =	vor.u32 v4, v5  }
0x62: {  	v5 =	vperm.xlane v4, v0;
	_ =	sdelay $0x1  }
0x63: {  	v4 =	vperm.xlane v4, v2;
	v5 =	vadd.s32 v1, v5;
	_ =	sdelay $0x1  }
0x64: {  	v4 =	vadd.s32 v1, v4;
	_ =	sdelay $0x1  }
0x65: {  	s24 =	simm.s32 $0x2180  }
0x66: {  	[tilespmem:s24], [sflag:$0x2] =	stream.indirect_vreg.gather [hbm4b:s1+s3], $0x80, v5, vm0, $0xb8;
	[tilespmem:$0xC300] =	vst v63  }
0x67: {  	s25 =	simm.s32 $0x2980  }
0x68: {  	[tilespmem:s25], [sflag:$0x2] =	stream.indirect_vreg.gather [hbm4b:s1+s3], $0x80, v4, vm0, $0xb8;
	[tilespmem:$0xC300] =	vst v63  }
0x69: {  	v4 =	vld [tilespmem:$0x30];
	_ =	sdelay $0x4  }
0x6a: {  	v5 =	vshll.u32 v4, $0x1  }
0x6b: {  	v4 =	vand.u32 $0x7, v4;
	v5 =	vand.u32 $0xFFFFFFF0, v5  }
0x6c: {  	v4 =	vor.u32 v4, v5  }
0x6d: {  	v5 =	vperm.xlane v4, v0;
	_ =	sdelay $0x1  }
0x6e: {  	v4 =	vperm.xlane v4, v2;
	v5 =	vadd.s32 v1, v5;
	_ =	sdelay $0x1  }
0x6f: {  	v4 =	vadd.s32 v1, v4;
	_ =	sdelay $0x1  }
0x70: {  	s26 =	simm.s32 $0x3180  }
0x71: {  	[tilespmem:s26], [sflag:$0x2] =	stream.indirect_vreg.gather [hbm4b:s1+s3], $0x80, v5, vm0, $0xb8;
	[tilespmem:$0xC300] =	vst v63  }
0x72: {  	s28 =	simm.s32 $0x3980  }
0x73: {  	[tilespmem:s28], [sflag:$0x2] =	stream.indirect_vreg.gather [hbm4b:s1+s3], $0x80, v4, vm0, $0xb8;
	[tilespmem:$0xC300] =	vst v63  }
0x74: {  	v4 =	vld [tilespmem:$0x120];
	_ =	sdelay $0x4  }
0x75: {  	v5 =	vshll.u32 v4, $0x1  }
0x76: {  	v4 =	vand.u32 $0x7, v4;
	v5 =	vand.u32 $0xFFFFFFF0, v5  }
0x77: {  	v4 =	vor.u32 v4, v5  }
0x78: {  	v5 =	vperm.xlane v4, v0;
	_ =	sdelay $0x1  }
0x79: {  	v4 =	vperm.xlane v4, v2;
	v5 =	vadd.s32 v1, v5;
	_ =	sdelay $0x1  }
0x7a: {  	v4 =	vadd.s32 v1, v4;
	_ =	sdelay $0x2  }
0x7b: {  	[tilespmem:s30], [sflag:$0x2] =	stream.indirect_vreg.gather [hbm4b:s1+s3], $0x80, v5, vm0, $0xb8;
	[tilespmem:$0xC300] =	vst v63  }
0x7c: {  	_ = 	snop  }
0x7d: {  	[tilespmem:s31], [sflag:$0x2] =	stream.indirect_vreg.gather [hbm4b:s1+s3], $0x80, v4, vm0, $0xb8;
	[tilespmem:$0xC300] =	vst v63  }
0x7e: {  	v4 =	vld [tilespmem:$0x130];
	_ =	sdelay $0x4  }
0x7f: {  	v5 =	vshll.u32 v4, $0x1  }
0x80: {  	v4 =	vand.u32 $0x7, v4;
	v5 =	vand.u32 $0xFFFFFFF0, v5  }
0x81: {  	v4 =	vor.u32 v4, v5  }
0x82: {  	v5 =	vperm.xlane v4, v0;
	_ =	sdelay $0x1  }
0x83: {  	v4 =	vperm.xlane v4, v2;
	v5 =	vadd.s32 v1, v5;
	_ =	sdelay $0x1  }
0x84: {  	v4 =	vadd.s32 v1, v4;
	_ =	sdelay $0x2  }
0x85: {  	[tilespmem:s0], [sflag:$0x2] =	stream.indirect_vreg.gather [hbm4b:s1+s3], $0x80, v5, vm0, $0xb8;
	[tilespmem:$0xC300] =	vst v63  }
0x86: {  	_ = 	snop  }
0x87: {  	[tilespmem:s2], [sflag:$0x2] =	stream.indirect_vreg.gather [hbm4b:s1+s3], $0x80, v4, vm0, $0xb8;
	[tilespmem:$0xC300] =	vst v63  }
0x88: {  	v4 =	vld [tilespmem:$0xA0];
	_ =	sdelay $0x4  }
0x89: {  	v5 =	vshll.u32 v4, $0x1  }
0x8a: {  	v4 =	vand.u32 $0x7, v4;
	v5 =	vand.u32 $0xFFFFFFF0, v5  }
0x8b: {  	v4 =	vor.u32 v4, v5  }
0x8c: {  	v5 =	vperm.xlane v4, v0;
	_ =	sdelay $0x1  }
0x8d: {  	v4 =	vperm.xlane v4, v2;
	v5 =	vadd.s32 v1, v5;
	_ =	sdelay $0x1  }
0x8e: {  	v4 =	vadd.s32 v1, v4;
	_ =	sdelay $0x2  }
0x8f: {  	[tilespmem:s10], [sflag:$0x2] =	stream.indirect_vreg.gather [hbm4b:s4+s3], $0x80, v5, vm0, $0xb8;
	[tilespmem:$0xC300] =	vst v63  }
0x90: {  	_ = 	snop  }
0x91: {  	[tilespmem:s11], [sflag:$0x2] =	stream.indirect_vreg.gather [hbm4b:s4+s3], $0x80, v4, vm0, $0xb8;
	[tilespmem:$0xC300] =	vst v63  }
0x92: {  	v4 =	vld [tilespmem:$0xB0];
	_ =	sdelay $0x4  }
0x93: {  	v5 =	vshll.u32 v4, $0x1  }
0x94: {  	v4 =	vand.u32 $0x7, v4;
	v5 =	vand.u32 $0xFFFFFFF0, v5  }
0x95: {  	v4 =	vor.u32 v4, v5  }
0x96: {  	v5 =	vperm.xlane v4, v0;
	_ =	sdelay $0x1  }
0x97: {  	v4 =	vperm.xlane v4, v2;
	v5 =	vadd.s32 v1, v5;
	_ =	sdelay $0x1  }
0x98: {  	v4 =	vadd.s32 v1, v4;
	_ =	sdelay $0x2  }
0x99: {  	[tilespmem:s13], [sflag:$0x2] =	stream.indirect_vreg.gather [hbm4b:s4+s3], $0x80, v5, vm0, $0xb8;
	[tilespmem:$0xC300] =	vst v63  }
0x9a: {  	_ = 	snop  }
0x9b: {  	[tilespmem:s14], [sflag:$0x2] =	stream.indirect_vreg.gather [hbm4b:s4+s3], $0x80, v4, vm0, $0xb8;
	[tilespmem:$0xC300] =	vst v63  }
0x9c: {  	_ =	swait.ge [sflag:s15], $0x2000  }
0x9d: {  	[sflag:s15] =	ssyncset.done $0x0  }
0x9e: {  	[sflag:s15] =	ssyncadd.s32 $0xFFFFE000  }
0x9f: {  	_ =	swait.ge [sflag:s15], $0x2000  }
0xa0: {  	[sflag:s15] =	ssyncset.done $0x0  }
0xa1: {  	[sflag:s15] =	ssyncadd.s32 $0xFFFFE000  }
0xa2: {  	_ =	swait.ge [sflag:s15], $0x2000  }
0xa3: {  	[sflag:s15] =	ssyncset.done $0x0  }
0xa4: {  	p1 =	por $0x1, $0x1;
	s20 =	simm.s32 $0x0;
	[sflag:s15] =	ssyncadd.s32 $0xFFFFE000  }
.LBB2_2:
0xa5: {  	s21 =	simm.s32 $0x0  }
0xa6: {  	s22 =	sshll.u32 s20, $0xC;
	s23 =	sand.u32 $0x800, s21  }
0xa7: {  	s24 =	sand.u32 $0x380, s21;
	s23 =	sor.u32 s22, s23  }
0xa8: {  	s23 =	sor.u32 s24, s23  }
0xa9: {  	v5 =	vld [tilespmem:s23+$0x4180]  }
0xaa: {  	v6 =	vld [tilespmem:s23+$0x4190]  }
0xab: {  	v9 =	vld [tilespmem:s23+$0x41A0]  }
0xac: {  	v4 =	vld [tilespmem:s23+$0x41B0]  }
0xad: {  	v8 =	vld [tilespmem:s23+$0x8180]  }
0xae: {  	v10 =	vld [tilespmem:s23+$0x180]  }
0xaf: {  	v11 =	vld [tilespmem:s23+$0x8580]  }
0xb0: {  	v12 =	vld [tilespmem:s23+$0x580]  }
0xb1: {  	v13 =	vld [tilespmem:s23+$0x8190]  }
0xb2: {  	v14 =	vld [tilespmem:s23+$0x190]  }
0xb3: {  	v15 =	vld [tilespmem:s23+$0x8590]  }
0xb4: {  	v16 =	vld [tilespmem:s23+$0x590]  }
0xb5: {  	v17 =	vld [tilespmem:s23+$0x4580]  }
0xb6: {  	v7 =	vld [tilespmem:s23+$0x41C0];
	v18 =	vmul.f32 v11, v10;
	v19 =	vmul.f32 v8, v12  }
0xb7: {  	v20 =	vld [tilespmem:s23+$0x4590];
	v8 =	vmul.f32 v8, v10;
	v10 =	vmul.f32 v11, v12  }
0xb8: {  	v21 =	vld [tilespmem:s23+$0x45B0];
	v11 =	vadd.f32 v18, v19  }
0xb9: {  	v23 =	vld [tilespmem:s23+$0x45C0];
	v18 =	vmul.f32 v15, v14;
	v19 =	vmul.f32 v13, v16;
	v8 =	vsub.f32 v8, v10  }
0xba: {  	v13 =	vmul.f32 v13, v14;
	v14 =	vmul.f32 v15, v16;
	v16 =	vld [tilespmem:s23+$0x1A0];
	v10 =	vsub.f32 v11, v17  }
0xbb: {  	v11 =	vld [tilespmem:s23+$0x81A0];
	v15 =	vadd.f32 v18, v19  }
0xbc: {  	v5 =	vsub.f32 v8, v5;
	v8 =	vmul.f32 v10, v10;
	v10 =	vld [tilespmem:s23+$0x85A0]  }
0xbd: {  	v13 =	vsub.f32 v13, v14;
	v14 =	vsub.f32 v15, v20;
	v15 =	vld [tilespmem:s23+$0x5A0]  }
0xbe: {  	v22 =	vld [tilespmem:s23+$0x85B0];
	v5 =	vmul.f32 v5, v5  }
0xbf: {  	v24 =	vld [tilespmem:s23+$0x5C0];
	v6 =	vsub.f32 v13, v6;
	v17 =	vadd.f32 $1.000000000e-30, v8;
	v13 =	vmul.f32 v14, v14  }
0xc0: {  	v14 =	vld [tilespmem:s23+$0x81B0]  }
0xc1: {  	v6 =	vmul.f32 v6, v6;
	v5 =	vadd.f32 v17, v5;
	v13 =	vadd.f32 $1.000000000e-30, v13;
	v17 =	vld [tilespmem:s23+$0x1B0]  }
0xc2: {  	v12 =	vld [tilespmem:s23+$0x45A0];
	v19 =	vmul.f32 v10, v16;
	v20 =	vmul.f32 v11, v15  }
0xc3: {  	v10 =	vmul.f32 v10, v15;
	v15 =	vld [tilespmem:s23+$0x5B0];
	v18 =	vshrl.u32 v5, $0x1;
	v6 =	vadd.f32 v13, v6  }
0xc4: {  	v8 =	vld [tilespmem:s23+$0x45D0];
	v11 =	vmul.f32 v11, v16;
	v13 =	vsub.s32 $0x5F1FFFF9, v18  }
0xc5: {  	v16 =	vadd.f32 v19, v20;
	v19 =	vld [tilespmem:s23+$0x81C0];
	v5 =	vmul.f32 v13, v5;
	v18 =	vshrl.u32 v6, $0x1  }
0xc6: {  	v10 =	vsub.f32 v11, v10;
	v20 =	vld [tilespmem:s23+$0x1C0];
	v11 =	vsub.s32 $0x5F1FFFF9, v18;
	v26 =	vmul.f32 v14, v17  }
0xc7: {  	v12 =	vsub.f32 v16, v12;
	v16 =	vld [tilespmem:s23+$0x85C0];
	v17 =	vmul.f32 v22, v17;
	v13 =	vmul.f32 v13, v5  }
0xc8: {  	v10 =	vsub.f32 v10, v9;
	v9 =	vld [tilespmem:s23+$0x81D0];
	v6 =	vmul.f32 v11, v6;
	v22 =	vmul.f32 v22, v15  }
0xc9: {  	v14 =	vmul.f32 v14, v15;
	v15 =	vld [tilespmem:s23+$0x5D0];
	v12 =	vmul.f32 v12, v12  }
0xca: {  	v10 =	vmul.f32 v10, v10;
	v25 =	vsub.f32 $2.389244560e+00, v13;
	v18 =	vmul.f32 v11, v6;
	v11 =	vld [tilespmem:s23+$0x1D0]  }
0xcb: {  	v13 =	vld [tilespmem:s23+$0x85D0];
	v29 =	vmul.f32 v19, v24;
	v17 =	vadd.f32 v17, v14;
	v12 =	vadd.f32 $1.000000000e-30, v12  }
0xcc: {  	v19 =	vmul.f32 v19, v20;
	v14 =	vld [tilespmem:s23+$0x85E0];
	v27 =	vsub.f32 $2.389244560e+00, v18;
	v28 =	vmul.f32 v16, v20  }
0xcd: {  	v16 =	vmul.f32 v16, v24;
	v21 =	vsub.f32 v17, v21;
	v17 =	vld [tilespmem:s23+$0x81F0];
	v18 =	vadd.f32 v12, v10  }
0xce: {  	v5 =	vmul.f32 v25, v5;
	v10 =	vld [tilespmem:s23+$0x81E0];
	v62 =	vadd.f32 v28, v29  }
0xcf: {  	p0 =	por p1, p1;
	v20 =	vsub.f32 v26, v22;
	v12 =	vld [tilespmem:s23+$0x1E0];
	v22 =	vsub.f32 v19, v16;
	v63 =	vshrl.u32 v18, $0x1  }
0xd0: {  	s25 =	simm.s32 $0x0;
	s26 =	simm.s32 $0x0;
	s24 =	simm.s32 $0x1;
	v16 =	vld [tilespmem:s23+$0x5E0];
	v6 =	vmul.f32 v27, v6;
	v19 =	vsub.s32 $0x5F1FFFF9, v63;
	v23 =	vsub.f32 v62, v23  }
.LBB2_3:
0xd1: {  	p1 =	sne.s32 s24, $0xF;
	v4 =	vsub.f32 v20, v4;
	v20 =	vmul.f32 v21, v21;
	v7 =	vsub.f32 v22, v7;
	v21 =	vld [tilespmem:s23+$0x1F0]  }
0xd2: {  	v18 =	vmul.f32 v19, v18;
	v22 =	vmul.f32 v23, v23;
	v23 =	vld [tilespmem:s23+$0x85F0]  }
0xd3: {  	v4 =	vmul.f32 v4, v4;
	v20 =	vadd.f32 $1.000000000e-30, v20;
	v7 =	vmul.f32 v7, v7;
	v24 =	vld [tilespmem:s23+$0x5F0]  }
0xd4: {  	v25 =	vmul.f32 v13, v11;
	v26 =	vmul.f32 v9, v15;
	v22 =	vadd.f32 $1.000000000e-30, v22  }
0xd5: {  	v9 =	vmul.f32 v9, v11;
	v11 =	vmul.f32 v13, v15;
	v4 =	vadd.f32 v20, v4;
	v20 =	vld [tilespmem:s23+$0x41D0]  }
0xd6: {  	v13 =	vmul.f32 v19, v18;
	v15 =	vadd.f32 v25, v26;
	v7 =	vadd.f32 v22, v7;
	v19 =	vld [tilespmem:s23+$0x45E0]  }
0xd7: {  	v9 =	vsub.f32 v9, v11;
	v11 =	vmul.f32 v14, v12;
	v22 =	vmul.f32 v10, v16;
	v25 =	vld [tilespmem:s23+$0x45F0]  }
0xd8: {  	v8 =	vsub.f32 v15, v8;
	v26 =	vmul.f32 v23, v21;
	v15 =	vld [tilespmem:s23+$0x41E0];
	v27 =	vmul.f32 v17, v24  }
0xd9: {  	v10 =	vmul.f32 v10, v12;
	v12 =	vmul.f32 v14, v16;
	v11 =	vadd.f32 v11, v22;
	v14 =	vld [tilespmem:s23+$0x41F0]  }
0xda: {  	v16 =	vmul.f32 v17, v21;
	v17 =	vmul.f32 v23, v24;
	v21 =	vadd.f32 v26, v27  }
0xdb: {  	v22 =	vshrl.u32 v4, $0x1;
	v10 =	vsub.f32 v10, v12;
	v11 =	vsub.f32 v11, v19  }
0xdc: {  	v12 =	vsub.s32 $0x5F1FFFF9, v22;
	v16 =	vsub.f32 v16, v17;
	v17 =	vsub.f32 v21, v25  }
0xdd: {  	v8 =	vmul.f32 v8, v8;
	v9 =	vsub.f32 v9, v20;
	v10 =	vsub.f32 v10, v15  }
0xde: {  	v11 =	vmul.f32 v11, v11;
	v14 =	vsub.f32 v16, v14;
	v15 =	vmul.f32 v17, v17  }
0xdf: {  	v8 =	vadd.f32 $1.000000000e-30, v8;
	v9 =	vmul.f32 v9, v9;
	v10 =	vmul.f32 v10, v10  }
0xe0: {  	v11 =	vadd.f32 $1.000000000e-30, v11;
	v14 =	vmul.f32 v14, v14;
	v15 =	vadd.f32 $1.000000000e-30, v15  }
0xe1: {  	v4 =	vmul.f32 v12, v4;
	v16 =	vshrl.u32 v7, $0x1;
	v8 =	vadd.f32 v8, v9  }
0xe2: {  	v9 =	vsub.s32 $0x5F1FFFF9, v16;
	v10 =	vadd.f32 v11, v10;
	v11 =	vadd.f32 v15, v14  }
0xe3: {  	v12 =	vmul.f32 v12, v4;
	v7 =	vmul.f32 v9, v7;
	v14 =	vshrl.u32 v8, $0x1  }
0xe4: {  	v14 =	vsub.s32 $0x5F1FFFF9, v14;
	v15 =	vshrl.u32 v10, $0x1;
	v16 =	vshrl.u32 v11, $0x1  }
0xe5: {  	v8 =	vmul.f32 v14, v8;
	v15 =	vsub.s32 $0x5F1FFFF9, v15;
	v16 =	vsub.s32 $0x5F1FFFF9, v16  }
0xe6: {  	v10 =	vmul.f32 v15, v10;
	v11 =	vmul.f32 v16, v11  }
0xe7: {  	v13 =	vsub.f32 $2.389244560e+00, v13;
	v9 =	vmul.f32 v9, v7;
	v14 =	vmul.f32 v14, v8  }
0xe8: {  	v12 =	vsub.f32 $2.389244560e+00, v12;
	v15 =	vmul.f32 v15, v10;
	v16 =	vmul.f32 v16, v11  }
0xe9: {  	v13 =	vmul.f32 v13, v18;
	v9 =	vsub.f32 $2.389244560e+00, v9;
	v14 =	vsub.f32 $2.389244560e+00, v14  }
0xea: {  	v4 =	vmul.f32 v12, v4;
	v12 =	vsub.f32 $2.389244560e+00, v15;
	v15 =	vsub.f32 $2.389244560e+00, v16  }
0xeb: {  	v7 =	vmul.f32 v9, v7;
	v8 =	vmul.f32 v14, v8  }
0xec: {  	v9 =	vmul.f32 v12, v10;
	v10 =	vmul.f32 v15, v11  }
0xed: {  	v5 =	vadd.f32 v6, v5;
	v4 =	vadd.f32 v4, v13  }
0xee: {  	v6 =	vadd.f32 v8, v7;
	v7 =	vadd.f32 v10, v9  }
0xef: {  	v8 =	vor.u32 s21, v3;
	s21 =	smov.u32 s24  }
0xf0: {  	v4 =	vadd.f32 v4, v5;
	v5 =	vadd.f32 v7, v6  }
0xf1: {  	s25 =	sadd.s32 $0x100, s25  }
0xf2: {  	s26 =	sadd.s32 $0x80, s26;
	s23 =	sand.u32 $0x800, s25;
	v4 =	vadd.f32 v5, v4  }
0xf3: {  	s28 =	sand.u32 $0x380, s26;
	s23 =	sor.u32 s22, s23  }
0xf4: {  	s23 =	sor.u32 s28, s23;
	[tilespmem:v8+s16+$0x0] =	vst.idx.msk $0xffff, v4  }
0xf5: {  	v5 =	vld [tilespmem:s23+$0x4180]  }
0xf6: {  	v6 =	vld [tilespmem:s23+$0x4190]  }
0xf7: {  	v9 =	vld [tilespmem:s23+$0x41A0]  }
0xf8: {  	v4 =	vld [tilespmem:s23+$0x41B0]  }
0xf9: {  	v8 =	vld [tilespmem:s23+$0x8180]  }
0xfa: {  	v10 =	vld [tilespmem:s23+$0x180]  }
0xfb: {  	v11 =	vld [tilespmem:s23+$0x8580]  }
0xfc: {  	v12 =	vld [tilespmem:s23+$0x580]  }
0xfd: {  	v13 =	vld [tilespmem:s23+$0x8190]  }
0xfe: {  	v14 =	vld [tilespmem:s23+$0x190]  }
0xff: {  	v15 =	vld [tilespmem:s23+$0x8590]  }
0x100: {  	v16 =	vld [tilespmem:s23+$0x590]  }
0x101: {  	v17 =	vld [tilespmem:s23+$0x4580]  }
0x102: {  	v18 =	vmul.f32 v11, v10;
	v19 =	vmul.f32 v8, v12;
	v7 =	vld [tilespmem:s23+$0x41C0]  }
0x103: {  	v20 =	vld [tilespmem:s23+$0x4590]  }
0x104: {  	v8 =	vmul.f32 v8, v10;
	v10 =	vmul.f32 v11, v12;
	v11 =	vadd.f32 v18, v19;
	v12 =	vld [tilespmem:s23+$0x45A0]  }
0x105: {  	v18 =	vmul.f32 v15, v14;
	v19 =	vmul.f32 v13, v16;
	v21 =	vld [tilespmem:s23+$0x45B0]  }
0x106: {  	v8 =	vsub.f32 v8, v10;
	v10 =	vsub.f32 v11, v17;
	v11 =	vld [tilespmem:s23+$0x81A0]  }
0x107: {  	v13 =	vmul.f32 v13, v14;
	v14 =	vmul.f32 v15, v16;
	v15 =	vadd.f32 v18, v19;
	v16 =	vld [tilespmem:s23+$0x1A0]  }
0x108: {  	v5 =	vsub.f32 v8, v5;
	v8 =	vmul.f32 v10, v10;
	v10 =	vld [tilespmem:s23+$0x85A0]  }
0x109: {  	v13 =	vsub.f32 v13, v14;
	v14 =	vsub.f32 v15, v20;
	v15 =	vld [tilespmem:s23+$0x5A0]  }
0x10a: {  	v5 =	vmul.f32 v5, v5;
	v17 =	vadd.f32 $1.000000000e-30, v8;
	v23 =	vld [tilespmem:s23+$0x45C0]  }
0x10b: {  	v6 =	vsub.f32 v13, v6;
	v13 =	vmul.f32 v14, v14;
	v8 =	vld [tilespmem:s23+$0x45D0]  }
0x10c: {  	v5 =	vadd.f32 v17, v5;
	v14 =	vld [tilespmem:s23+$0x81B0]  }
0x10d: {  	v6 =	vmul.f32 v6, v6;
	v13 =	vadd.f32 $1.000000000e-30, v13;
	v17 =	vld [tilespmem:s23+$0x1B0]  }
0x10e: {  	v19 =	vmul.f32 v10, v16;
	v18 =	vshrl.u32 v5, $0x1;
	v20 =	vmul.f32 v11, v15;
	v22 =	vld [tilespmem:s23+$0x85B0]  }
0x10f: {  	v11 =	vmul.f32 v11, v16;
	v10 =	vmul.f32 v10, v15;
	v6 =	vadd.f32 v13, v6;
	v15 =	vld [tilespmem:s23+$0x5B0]  }
0x110: {  	v13 =	vsub.s32 $0x5F1FFFF9, v18;
	v16 =	vadd.f32 v19, v20;
	v19 =	vld [tilespmem:s23+$0x81C0]  }
0x111: {  	v5 =	vmul.f32 v13, v5;
	v10 =	vsub.f32 v11, v10;
	v18 =	vshrl.u32 v6, $0x1;
	v20 =	vld [tilespmem:s23+$0x1C0]  }
0x112: {  	v11 =	vsub.s32 $0x5F1FFFF9, v18;
	v12 =	vsub.f32 v16, v12;
	v16 =	vld [tilespmem:s23+$0x85C0]  }
0x113: {  	v13 =	vmul.f32 v13, v5;
	v10 =	vsub.f32 v10, v9;
	v6 =	vmul.f32 v11, v6;
	v24 =	vld [tilespmem:s23+$0x5C0]  }
0x114: {  	v12 =	vmul.f32 v12, v12;
	v9 =	vld [tilespmem:s23+$0x81D0]  }
0x115: {  	v25 =	vsub.f32 $2.389244560e+00, v13;
	v10 =	vmul.f32 v10, v10;
	v18 =	vmul.f32 v11, v6;
	v11 =	vld [tilespmem:s23+$0x1D0]  }
0x116: {  	v26 =	vmul.f32 v14, v17;
	v17 =	vmul.f32 v22, v17;
	v12 =	vadd.f32 $1.000000000e-30, v12;
	v13 =	vld [tilespmem:s23+$0x85D0]  }
0x117: {  	v22 =	vmul.f32 v22, v15;
	v14 =	vmul.f32 v14, v15;
	v27 =	vsub.f32 $2.389244560e+00, v18;
	v15 =	vld [tilespmem:s23+$0x5D0]  }
.Ltmp0:
0x118: {  	v28 =	vmul.f32 v16, v20;
	v18 =	vadd.f32 v12, v10;
	v29 =	vmul.f32 v19, v24;
	v10 =	vld [tilespmem:s23+$0x81E0];
	(pc) =	sbr.rel @p1 .LBB2_3-.Ltmp0, $4  }
0x119: {  	v17 =	vadd.f32 v17, v14;
	v19 =	vmul.f32 v19, v20;
	v16 =	vmul.f32 v16, v24;
	v12 =	vld [tilespmem:s23+$0x1E0]  }
0x11a: {  	v5 =	vmul.f32 v25, v5;
	v20 =	vsub.f32 v26, v22;
	v24 =	vadd.f32 v28, v29;
	v14 =	vld [tilespmem:s23+$0x85E0]  }
0x11b: {  	v21 =	vsub.f32 v17, v21;
	v25 =	vshrl.u32 v18, $0x1;
	v22 =	vsub.f32 v19, v16;
	v16 =	vld [tilespmem:s23+$0x5E0]  }
0x11c: {  	s24 =	sadd.s32 $0x1, s24;
	v6 =	vmul.f32 v27, v6;
	v19 =	vsub.s32 $0x5F1FFFF9, v25;
	v23 =	vsub.f32 v24, v23;
	v17 =	vld [tilespmem:s23+$0x81F0]  }
0x11d: {  	v44 =	vmul.f32 v21, v21  }
0x11e: {  	v45 =	vld [tilespmem:s23+$0x1F0];
	v18 =	vmul.f32 v19, v18;
	v25 =	vmul.f32 v13, v11  }
0x11f: {  	v4 =	vsub.f32 v20, v4;
	v47 =	vld [tilespmem:s23+$0x85F0];
	v26 =	vmul.f32 v9, v15;
	v49 =	vmul.f32 v9, v11  }
0x120: {  	v7 =	vsub.f32 v22, v7;
	v24 =	vld [tilespmem:s23+$0x5F0];
	v50 =	vmul.f32 v13, v15;
	v46 =	vmul.f32 v23, v23  }
0x121: {  	v59 =	vmul.f32 v10, v12;
	v4 =	vmul.f32 v4, v4  }
0x122: {  	v48 =	vld [tilespmem:s23+$0x41D0];
	v20 =	vadd.f32 $1.000000000e-30, v44;
	v7 =	vmul.f32 v7, v7;
	v52 =	vadd.f32 v25, v26  }
0x123: {  	v53 =	vld [tilespmem:s23+$0x45E0];
	v9 =	vsub.f32 v49, v50;
	v54 =	vmul.f32 v14, v12;
	v22 =	vadd.f32 $1.000000000e-30, v46  }
0x124: {  	v56 =	vld [tilespmem:s23+$0x45F0];
	v55 =	vmul.f32 v10, v16;
	v60 =	vmul.f32 v14, v16;
	v4 =	vadd.f32 v20, v4  }
0x125: {  	v57 =	vld [tilespmem:s23+$0x41E0];
	v8 =	vsub.f32 v52, v8;
	v58 =	vmul.f32 v47, v45;
	v27 =	vmul.f32 v17, v24  }
0x126: {  	v61 =	vld [tilespmem:s23+$0x41F0];
	v7 =	vadd.f32 v22, v7;
	v11 =	vadd.f32 v54, v55;
	v62 =	vmul.f32 v17, v45  }
0x127: {  	v63 =	vmul.f32 v47, v24;
	v10 =	vsub.f32 v59, v60;
	v24 =	vadd.f32 v58, v27  }
0x128: {  	v51 =	vmul.f32 v19, v18;
	v9 =	vsub.f32 v9, v48;
	v11 =	vsub.f32 v11, v53  }
0x129: {  	v26 =	vshrl.u32 v4, $0x1;
	v16 =	vsub.f32 v62, v63;
	v28 =	vsub.f32 v24, v56  }
0x12a: {  	v8 =	vmul.f32 v8, v8;
	v27 =	vsub.s32 $0x5F1FFFF9, v26;
	v10 =	vsub.f32 v10, v57  }
0x12b: {  	v11 =	vmul.f32 v11, v11;
	v14 =	vsub.f32 v16, v61;
	v29 =	vmul.f32 v28, v28  }
0x12c: {  	v9 =	vmul.f32 v9, v9;
	v8 =	vadd.f32 $1.000000000e-30, v8;
	v10 =	vmul.f32 v10, v10  }
0x12d: {  	v11 =	vadd.f32 $1.000000000e-30, v11;
	v14 =	vmul.f32 v14, v14;
	v15 =	vadd.f32 $1.000000000e-30, v29  }
0x12e: {  	v30 =	vshrl.u32 v7, $0x1;
	v4 =	vmul.f32 v27, v4;
	v8 =	vadd.f32 v8, v9  }
0x12f: {  	v31 =	vsub.s32 $0x5F1FFFF9, v30;
	v10 =	vadd.f32 v11, v10;
	v32 =	vadd.f32 v15, v14  }
0x130: {  	v7 =	vmul.f32 v31, v7;
	v12 =	vmul.f32 v27, v4;
	v33 =	vshrl.u32 v8, $0x1  }
0x131: {  	v14 =	vsub.s32 $0x5F1FFFF9, v33;
	v34 =	vshrl.u32 v10, $0x1;
	v35 =	vshrl.u32 v32, $0x1  }
0x132: {  	v8 =	vmul.f32 v14, v8;
	v15 =	vsub.s32 $0x5F1FFFF9, v34;
	v16 =	vsub.s32 $0x5F1FFFF9, v35  }
0x133: {  	v10 =	vmul.f32 v15, v10;
	v11 =	vmul.f32 v16, v32  }
0x134: {  	v13 =	vsub.f32 $2.389244560e+00, v51;
	v9 =	vmul.f32 v31, v7;
	v14 =	vmul.f32 v14, v8  }
0x135: {  	v12 =	vsub.f32 $2.389244560e+00, v12;
	v15 =	vmul.f32 v15, v10;
	v16 =	vmul.f32 v16, v11  }
0x136: {  	v13 =	vmul.f32 v13, v18;
	v9 =	vsub.f32 $2.389244560e+00, v9;
	v14 =	vsub.f32 $2.389244560e+00, v14  }
0x137: {  	v4 =	vmul.f32 v12, v4;
	v36 =	vsub.f32 $2.389244560e+00, v15;
	v37 =	vsub.f32 $2.389244560e+00, v16  }
0x138: {  	v7 =	vmul.f32 v9, v7;
	v8 =	vmul.f32 v14, v8  }
0x139: {  	v38 =	vmul.f32 v36, v10;
	v39 =	vmul.f32 v37, v11  }
0x13a: {  	v5 =	vadd.f32 v6, v5;
	v4 =	vadd.f32 v4, v13  }
0x13b: {  	v40 =	vadd.f32 v8, v7;
	v41 =	vadd.f32 v39, v38  }
0x13c: {  	v42 =	vor.u32 s21, v3  }
0x13d: {  	v4 =	vadd.f32 v4, v5;
	v5 =	vadd.f32 v41, v40;
	_ =	sdelay $0x1  }
0x13e: {  	v4 =	vadd.f32 v5, v4;
	_ =	sdelay $0x1  }
0x13f: {  	[tilespmem:v42+s16+$0x0] =	vst.idx.msk $0xffff, v4  }
0x140: {  	v4 =	vld [tilespmem:$0xC180]  }
0x141: {  	v5 =	vld [tilespmem:$0xC190]  }
0x142: {  	v43 =	vld [tilespmem:$0xC1A0]  }
0x143: {  	v44 =	vld [tilespmem:$0xC1B0]  }
0x144: {  	v8 =	vld [tilespmem:$0xC1C0]  }
0x145: {  	v45 =	vld [tilespmem:$0xC1D0]  }
0x146: {  	v46 =	vld [tilespmem:$0xC1E0]  }
0x147: {  	v47 =	vld [tilespmem:$0xC1F0]  }
0x148: {  	v48 =	vld [tilespmem:$0xC200]  }
0x149: {  	v49 =	vld [tilespmem:$0xC210]  }
0x14a: {  	v50 =	vld [tilespmem:$0xC220]  }
0x14b: {  	v51 =	vld [tilespmem:$0xC230]  }
0x14c: {  	v52 =	vld [tilespmem:$0xC240]  }
0x14d: {  	v53 =	vld [tilespmem:$0xC250]  }
0x14e: {  	v54 =	vld [tilespmem:$0xC260]  }
0x14f: {  	v55 =	vld [tilespmem:$0xC270];
	_ =	sdelay $0x1  }
0x150: {  	v4 =	vadd.f32 v5, v4;
	v5 =	vadd.f32 v44, v43  }
0x151: {  	v56 =	vadd.f32 v45, v8;
	v57 =	vadd.f32 v47, v46  }
0x152: {  	v58 =	vadd.f32 v49, v48;
	v59 =	vadd.f32 v51, v50  }
0x153: {  	v60 =	vadd.f32 v53, v52;
	v61 =	vadd.f32 v55, v54  }
0x154: {  	v4 =	vadd.f32 v5, v4;
	v5 =	vadd.f32 v57, v56  }
0x155: {  	v62 =	vadd.f32 v59, v58;
	v63 =	vadd.f32 v61, v60;
	_ =	sdelay $0x1  }
0x156: {  	v4 =	vadd.f32 v5, v4;
	v5 =	vadd.f32 v63, v62;
	_ =	sdelay $0x1  }
0x157: {  	v4 =	vadd.f32 v5, v4;
	_ =	sdelay $0x1  }
.Ltmp1:
0x158: {  	v4 =	vmul.f32 $-7.039522520e-01, v4;
	(pc) =	sbr.rel @p0 .LBB2_2-.Ltmp1, $4  }
0x159: {  	_ = 	snop  }
0x15a: {  	s20 =	sshll.u32 s20, $0x4;
	v4 =	vadd.f32 $1.200000000e+01, v4  }
0x15b: {  	s20 =	sand.u32 $0x3FFFFFF0, s20  }
0x15c: {  	p1 =	por $0x0, $0x0;
	[tilespmem:s20+$0xC280] =	vst v4;
	s20 =	simm.s32 $0x1  }
0x15d: {  	v4 =	vld [tilespmem:$0x40];
	_ =	sdelay $0x4  }
0x15e: {  	v5 =	vshll.u32 v4, $0x1  }
0x15f: {  	v4 =	vand.u32 $0x7, v4;
	v5 =	vand.u32 $0xFFFFFFF0, v5  }
0x160: {  	v4 =	vor.u32 v4, v5  }
0x161: {  	v5 =	vperm.xlane v4, v0;
	_ =	sdelay $0x1  }
0x162: {  	v4 =	vperm.xlane v4, v2;
	v5 =	vadd.s32 v1, v5;
	_ =	sdelay $0x1  }
0x163: {  	v4 =	vadd.s32 v1, v4;
	_ =	sdelay $0x1  }
0x164: {  	s20 =	simm.s32 $0x0  }
0x165: {  	[tilespmem:s29], [sflag:$0x1] =	stream.indirect_vreg.gather [hbm4b:s1+s20], $0x80, v5, vm0, $0xb8;
	[tilespmem:$0xC300] =	vst v63  }
0x166: {  	s21 =	simm.s32 $0x980  }
0x167: {  	[tilespmem:s21], [sflag:$0x1] =	stream.indirect_vreg.gather [hbm4b:s1+s20], $0x80, v4, vm0, $0xb8;
	[tilespmem:$0xC300] =	vst v63  }
0x168: {  	v4 =	vld [tilespmem:$0x50];
	_ =	sdelay $0x4  }
0x169: {  	v5 =	vshll.u32 v4, $0x1  }
0x16a: {  	v4 =	vand.u32 $0x7, v4;
	v5 =	vand.u32 $0xFFFFFFF0, v5  }
0x16b: {  	v4 =	vor.u32 v4, v5  }
0x16c: {  	v5 =	vperm.xlane v4, v0;
	_ =	sdelay $0x1  }
0x16d: {  	v4 =	vperm.xlane v4, v2;
	v5 =	vadd.s32 v1, v5;
	_ =	sdelay $0x1  }
0x16e: {  	v4 =	vadd.s32 v1, v4;
	_ =	sdelay $0x1  }
0x16f: {  	s26 =	simm.s32 $0x1180  }
0x170: {  	[tilespmem:s26], [sflag:$0x1] =	stream.indirect_vreg.gather [hbm4b:s1+s20], $0x80, v5, vm0, $0xb8;
	[tilespmem:$0xC300] =	vst v63  }
0x171: {  	s28 =	simm.s32 $0x1980  }
0x172: {  	[tilespmem:s28], [sflag:$0x1] =	stream.indirect_vreg.gather [hbm4b:s1+s20], $0x80, v4, vm0, $0xb8;
	[tilespmem:$0xC300] =	vst v63  }
0x173: {  	v4 =	vld [tilespmem:$0x140];
	_ =	sdelay $0x4  }
0x174: {  	v5 =	vshll.u32 v4, $0x1  }
0x175: {  	v4 =	vand.u32 $0x7, v4;
	v5 =	vand.u32 $0xFFFFFFF0, v5  }
0x176: {  	v4 =	vor.u32 v4, v5  }
0x177: {  	v5 =	vperm.xlane v4, v0;
	_ =	sdelay $0x1  }
0x178: {  	v4 =	vperm.xlane v4, v2;
	v5 =	vadd.s32 v1, v5;
	_ =	sdelay $0x1  }
0x179: {  	v4 =	vadd.s32 v1, v4;
	_ =	sdelay $0x1  }
0x17a: {  	s29 =	simm.s32 $0x4180  }
0x17b: {  	[tilespmem:s29], [sflag:$0x1] =	stream.indirect_vreg.gather [hbm4b:s1+s20], $0x80, v5, vm0, $0xb8;
	[tilespmem:$0xC300] =	vst v63  }
0x17c: {  	s22 =	simm.s32 $0x4980  }
0x17d: {  	[tilespmem:s22], [sflag:$0x1] =	stream.indirect_vreg.gather [hbm4b:s1+s20], $0x80, v4, vm0, $0xb8;
	[tilespmem:$0xC300] =	vst v63  }
0x17e: {  	v4 =	vld [tilespmem:$0x150];
	_ =	sdelay $0x4  }
0x17f: {  	v5 =	vshll.u32 v4, $0x1  }
0x180: {  	v4 =	vand.u32 $0x7, v4;
	v5 =	vand.u32 $0xFFFFFFF0, v5  }
0x181: {  	v4 =	vor.u32 v4, v5  }
0x182: {  	v5 =	vperm.xlane v4, v0;
	_ =	sdelay $0x1  }
0x183: {  	v4 =	vperm.xlane v4, v2;
	v5 =	vadd.s32 v1, v5;
	_ =	sdelay $0x1  }
0x184: {  	v4 =	vadd.s32 v1, v4;
	_ =	sdelay $0x1  }
0x185: {  	s23 =	simm.s32 $0x5180  }
0x186: {  	[tilespmem:s23], [sflag:$0x1] =	stream.indirect_vreg.gather [hbm4b:s1+s20], $0x80, v5, vm0, $0xb8;
	[tilespmem:$0xC300] =	vst v63  }
0x187: {  	s24 =	simm.s32 $0x5980  }
0x188: {  	[tilespmem:s24], [sflag:$0x1] =	stream.indirect_vreg.gather [hbm4b:s1+s20], $0x80, v4, vm0, $0xb8;
	[tilespmem:$0xC300] =	vst v63  }
0x189: {  	v4 =	vld [tilespmem:$0xC0];
	_ =	sdelay $0x4  }
0x18a: {  	v5 =	vshll.u32 v4, $0x1  }
0x18b: {  	v4 =	vand.u32 $0x7, v4;
	v5 =	vand.u32 $0xFFFFFFF0, v5  }
0x18c: {  	v4 =	vor.u32 v4, v5  }
0x18d: {  	v5 =	vperm.xlane v4, v0;
	_ =	sdelay $0x1  }
0x18e: {  	v4 =	vperm.xlane v4, v2;
	v5 =	vadd.s32 v1, v5;
	_ =	sdelay $0x1  }
0x18f: {  	v4 =	vadd.s32 v1, v4;
	_ =	sdelay $0x1  }
0x190: {  	s25 =	simm.s32 $0x8180  }
0x191: {  	[tilespmem:s25], [sflag:$0x1] =	stream.indirect_vreg.gather [hbm4b:s4+s20], $0x80, v5, vm0, $0xb8;
	[tilespmem:$0xC300] =	vst v63  }
0x192: {  	s26 =	simm.s32 $0x8980  }
0x193: {  	[tilespmem:s26], [sflag:$0x1] =	stream.indirect_vreg.gather [hbm4b:s4+s20], $0x80, v4, vm0, $0xb8;
	[tilespmem:$0xC300] =	vst v63  }
0x194: {  	v4 =	vld [tilespmem:$0xD0];
	_ =	sdelay $0x4  }
0x195: {  	v5 =	vshll.u32 v4, $0x1  }
0x196: {  	v4 =	vand.u32 $0x7, v4;
	v5 =	vand.u32 $0xFFFFFFF0, v5  }
0x197: {  	v4 =	vor.u32 v4, v5  }
0x198: {  	v5 =	vperm.xlane v4, v0;
	_ =	sdelay $0x1  }
0x199: {  	v4 =	vperm.xlane v4, v2;
	v5 =	vadd.s32 v1, v5;
	_ =	sdelay $0x1  }
0x19a: {  	v4 =	vadd.s32 v1, v4;
	_ =	sdelay $0x1  }
0x19b: {  	s28 =	simm.s32 $0x9180  }
0x19c: {  	[tilespmem:s28], [sflag:$0x1] =	stream.indirect_vreg.gather [hbm4b:s4+s20], $0x80, v5, vm0, $0xb8;
	[tilespmem:$0xC300] =	vst v63  }
0x19d: {  	s29 =	simm.s32 $0x9980  }
0x19e: {  	[tilespmem:s29], [sflag:$0x1] =	stream.indirect_vreg.gather [hbm4b:s4+s20], $0x80, v4, vm0, $0xb8;
	[tilespmem:$0xC300] =	vst v63  }
0x19f: {  	_ =	swait.ge [sflag:s17], $0x2000  }
0x1a0: {  	[sflag:s17] =	ssyncset.done $0x0  }
0x1a1: {  	[sflag:s17] =	ssyncadd.s32 $0xFFFFE000  }
0x1a2: {  	_ =	swait.ge [sflag:s17], $0x2000  }
0x1a3: {  	[sflag:s17] =	ssyncset.done $0x0  }
0x1a4: {  	[sflag:s17] =	ssyncadd.s32 $0xFFFFE000  }
0x1a5: {  	_ =	swait.ge [sflag:s17], $0x2000  }
0x1a6: {  	[sflag:s17] =	ssyncset.done $0x0  }
0x1a7: {  	p1 =	por $0x1, $0x1;
	s21 =	simm.s32 $0x0;
	[sflag:s17] =	ssyncadd.s32 $0xFFFFE000  }
.LBB2_6:
0x1a8: {  	s22 =	sshll.u32 s21, $0xC;
	s23 =	sand.u32 $0x800, s20  }
0x1a9: {  	s24 =	sand.u32 $0x380, s20;
	s23 =	sor.u32 s22, s23  }
0x1aa: {  	s24 =	sor.u32 s24, s23  }
0x1ab: {  	v5 =	vld [tilespmem:s24+$0x6180]  }
0x1ac: {  	v6 =	vld [tilespmem:s24+$0x6190]  }
0x1ad: {  	v9 =	vld [tilespmem:s24+$0x61A0]  }
0x1ae: {  	v4 =	vld [tilespmem:s24+$0x61B0]  }
0x1af: {  	v8 =	vld [tilespmem:s24+$0xA180]  }
0x1b0: {  	v10 =	vld [tilespmem:s24+$0x2180]  }
0x1b1: {  	v11 =	vld [tilespmem:s24+$0xA580]  }
0x1b2: {  	v12 =	vld [tilespmem:s24+$0x2580]  }
0x1b3: {  	v13 =	vld [tilespmem:s24+$0xA190]  }
0x1b4: {  	v14 =	vld [tilespmem:s24+$0x2190]  }
0x1b5: {  	v15 =	vld [tilespmem:s24+$0xA590]  }
0x1b6: {  	v16 =	vld [tilespmem:s24+$0x2590]  }
0x1b7: {  	v17 =	vld [tilespmem:s24+$0x6580]  }
0x1b8: {  	v7 =	vld [tilespmem:s24+$0x61C0];
	v18 =	vmul.f32 v11, v10;
	v19 =	vmul.f32 v8, v12  }
0x1b9: {  	v20 =	vld [tilespmem:s24+$0x6590];
	v8 =	vmul.f32 v8, v10;
	v10 =	vmul.f32 v11, v12  }
0x1ba: {  	v21 =	vld [tilespmem:s24+$0x65B0];
	v11 =	vadd.f32 v18, v19  }
0x1bb: {  	v23 =	vld [tilespmem:s24+$0x65C0];
	v18 =	vmul.f32 v15, v14;
	v19 =	vmul.f32 v13, v16;
	v8 =	vsub.f32 v8, v10  }
0x1bc: {  	v13 =	vmul.f32 v13, v14;
	v14 =	vmul.f32 v15, v16;
	v16 =	vld [tilespmem:s24+$0x21A0];
	v10 =	vsub.f32 v11, v17  }
0x1bd: {  	v11 =	vld [tilespmem:s24+$0xA1A0];
	v15 =	vadd.f32 v18, v19  }
0x1be: {  	v5 =	vsub.f32 v8, v5;
	v8 =	vmul.f32 v10, v10;
	v10 =	vld [tilespmem:s24+$0xA5A0]  }
0x1bf: {  	v13 =	vsub.f32 v13, v14;
	v14 =	vsub.f32 v15, v20;
	v15 =	vld [tilespmem:s24+$0x25A0]  }
0x1c0: {  	v22 =	vld [tilespmem:s24+$0xA5B0];
	v5 =	vmul.f32 v5, v5  }
0x1c1: {  	v24 =	vld [tilespmem:s24+$0x25C0];
	v6 =	vsub.f32 v13, v6;
	v17 =	vadd.f32 $1.000000000e-30, v8;
	v13 =	vmul.f32 v14, v14  }
0x1c2: {  	v14 =	vld [tilespmem:s24+$0xA1B0]  }
0x1c3: {  	v6 =	vmul.f32 v6, v6;
	v5 =	vadd.f32 v17, v5;
	v13 =	vadd.f32 $1.000000000e-30, v13;
	v17 =	vld [tilespmem:s24+$0x21B0]  }
0x1c4: {  	v12 =	vld [tilespmem:s24+$0x65A0];
	v19 =	vmul.f32 v10, v16;
	v20 =	vmul.f32 v11, v15  }
0x1c5: {  	v10 =	vmul.f32 v10, v15;
	v15 =	vld [tilespmem:s24+$0x25B0];
	v18 =	vshrl.u32 v5, $0x1;
	v6 =	vadd.f32 v13, v6  }
0x1c6: {  	v8 =	vld [tilespmem:s24+$0x65D0];
	v11 =	vmul.f32 v11, v16;
	v13 =	vsub.s32 $0x5F1FFFF9, v18  }
0x1c7: {  	v16 =	vadd.f32 v19, v20;
	v19 =	vld [tilespmem:s24+$0xA1C0];
	v5 =	vmul.f32 v13, v5;
	v18 =	vshrl.u32 v6, $0x1  }
0x1c8: {  	v10 =	vsub.f32 v11, v10;
	v20 =	vld [tilespmem:s24+$0x21C0];
	v11 =	vsub.s32 $0x5F1FFFF9, v18;
	v26 =	vmul.f32 v14, v17  }
0x1c9: {  	v12 =	vsub.f32 v16, v12;
	v16 =	vld [tilespmem:s24+$0xA5C0];
	v17 =	vmul.f32 v22, v17;
	v13 =	vmul.f32 v13, v5  }
0x1ca: {  	v10 =	vsub.f32 v10, v9;
	v9 =	vld [tilespmem:s24+$0xA1D0];
	v6 =	vmul.f32 v11, v6;
	v22 =	vmul.f32 v22, v15  }
0x1cb: {  	v14 =	vmul.f32 v14, v15;
	v15 =	vld [tilespmem:s24+$0x25D0];
	v12 =	vmul.f32 v12, v12  }
0x1cc: {  	v10 =	vmul.f32 v10, v10;
	v25 =	vsub.f32 $2.389244560e+00, v13;
	v18 =	vmul.f32 v11, v6;
	v11 =	vld [tilespmem:s24+$0x21D0]  }
0x1cd: {  	v13 =	vld [tilespmem:s24+$0xA5D0];
	v29 =	vmul.f32 v19, v24;
	v17 =	vadd.f32 v17, v14;
	v12 =	vadd.f32 $1.000000000e-30, v12  }
0x1ce: {  	v19 =	vmul.f32 v19, v20;
	v14 =	vld [tilespmem:s24+$0xA5E0];
	v27 =	vsub.f32 $2.389244560e+00, v18;
	v28 =	vmul.f32 v16, v20  }
0x1cf: {  	v16 =	vmul.f32 v16, v24;
	v21 =	vsub.f32 v17, v21;
	v17 =	vld [tilespmem:s24+$0xA1F0];
	v18 =	vadd.f32 v12, v10  }
0x1d0: {  	v5 =	vmul.f32 v25, v5;
	v10 =	vld [tilespmem:s24+$0xA1E0];
	v62 =	vadd.f32 v28, v29  }
0x1d1: {  	s25 =	simm.s32 $0x1;
	p0 =	por p1, p1;
	v20 =	vsub.f32 v26, v22;
	v12 =	vld [tilespmem:s24+$0x21E0];
	v22 =	vsub.f32 v19, v16;
	v63 =	vshrl.u32 v18, $0x1  }
0x1d2: {  	s26 =	simm.s32 $0x0;
	s28 =	simm.s32 $0x0;
	s23 =	simm.s32 $0x0;
	v16 =	vld [tilespmem:s24+$0x25E0];
	v6 =	vmul.f32 v27, v6;
	v19 =	vsub.s32 $0x5F1FFFF9, v63;
	v23 =	vsub.f32 v62, v23  }
.LBB2_7:
0x1d3: {  	p1 =	sne.s32 s25, $0xF;
	v4 =	vsub.f32 v20, v4;
	v20 =	vmul.f32 v21, v21;
	v7 =	vsub.f32 v22, v7;
	v21 =	vld [tilespmem:s24+$0x21F0]  }
0x1d4: {  	v18 =	vmul.f32 v19, v18;
	v22 =	vmul.f32 v23, v23;
	v23 =	vld [tilespmem:s24+$0xA5F0]  }
0x1d5: {  	v4 =	vmul.f32 v4, v4;
	v20 =	vadd.f32 $1.000000000e-30, v20;
	v7 =	vmul.f32 v7, v7;
	v24 =	vld [tilespmem:s24+$0x25F0]  }
0x1d6: {  	v25 =	vmul.f32 v13, v11;
	v26 =	vmul.f32 v9, v15;
	v22 =	vadd.f32 $1.000000000e-30, v22  }
0x1d7: {  	v9 =	vmul.f32 v9, v11;
	v11 =	vmul.f32 v13, v15;
	v4 =	vadd.f32 v20, v4;
	v20 =	vld [tilespmem:s24+$0x61D0]  }
0x1d8: {  	v13 =	vmul.f32 v19, v18;
	v15 =	vadd.f32 v25, v26;
	v7 =	vadd.f32 v22, v7;
	v19 =	vld [tilespmem:s24+$0x65E0]  }
0x1d9: {  	v9 =	vsub.f32 v9, v11;
	v11 =	vmul.f32 v14, v12;
	v22 =	vmul.f32 v10, v16;
	v25 =	vld [tilespmem:s24+$0x65F0]  }
0x1da: {  	v8 =	vsub.f32 v15, v8;
	v26 =	vmul.f32 v23, v21;
	v15 =	vld [tilespmem:s24+$0x61E0];
	v27 =	vmul.f32 v17, v24  }
0x1db: {  	v10 =	vmul.f32 v10, v12;
	v12 =	vmul.f32 v14, v16;
	v11 =	vadd.f32 v11, v22;
	v14 =	vld [tilespmem:s24+$0x61F0]  }
0x1dc: {  	v16 =	vmul.f32 v17, v21;
	v17 =	vmul.f32 v23, v24;
	v21 =	vadd.f32 v26, v27  }
0x1dd: {  	v22 =	vshrl.u32 v4, $0x1;
	v10 =	vsub.f32 v10, v12;
	v11 =	vsub.f32 v11, v19  }
0x1de: {  	v12 =	vsub.s32 $0x5F1FFFF9, v22;
	v16 =	vsub.f32 v16, v17;
	v17 =	vsub.f32 v21, v25  }
0x1df: {  	v8 =	vmul.f32 v8, v8;
	v9 =	vsub.f32 v9, v20;
	v10 =	vsub.f32 v10, v15  }
0x1e0: {  	v11 =	vmul.f32 v11, v11;
	v14 =	vsub.f32 v16, v14;
	v15 =	vmul.f32 v17, v17  }
0x1e1: {  	v8 =	vadd.f32 $1.000000000e-30, v8;
	v9 =	vmul.f32 v9, v9;
	v10 =	vmul.f32 v10, v10  }
0x1e2: {  	v11 =	vadd.f32 $1.000000000e-30, v11;
	v14 =	vmul.f32 v14, v14;
	v15 =	vadd.f32 $1.000000000e-30, v15  }
0x1e3: {  	v4 =	vmul.f32 v12, v4;
	v16 =	vshrl.u32 v7, $0x1;
	v8 =	vadd.f32 v8, v9  }
0x1e4: {  	v9 =	vsub.s32 $0x5F1FFFF9, v16;
	v10 =	vadd.f32 v11, v10;
	v11 =	vadd.f32 v15, v14  }
0x1e5: {  	v12 =	vmul.f32 v12, v4;
	v7 =	vmul.f32 v9, v7;
	v14 =	vshrl.u32 v8, $0x1  }
0x1e6: {  	v14 =	vsub.s32 $0x5F1FFFF9, v14;
	v15 =	vshrl.u32 v10, $0x1;
	v16 =	vshrl.u32 v11, $0x1  }
0x1e7: {  	v8 =	vmul.f32 v14, v8;
	v15 =	vsub.s32 $0x5F1FFFF9, v15;
	v16 =	vsub.s32 $0x5F1FFFF9, v16  }
0x1e8: {  	v10 =	vmul.f32 v15, v10;
	v11 =	vmul.f32 v16, v11  }
0x1e9: {  	v13 =	vsub.f32 $2.389244560e+00, v13;
	v9 =	vmul.f32 v9, v7;
	v14 =	vmul.f32 v14, v8  }
0x1ea: {  	v12 =	vsub.f32 $2.389244560e+00, v12;
	v15 =	vmul.f32 v15, v10;
	v16 =	vmul.f32 v16, v11  }
0x1eb: {  	v13 =	vmul.f32 v13, v18;
	v9 =	vsub.f32 $2.389244560e+00, v9;
	v14 =	vsub.f32 $2.389244560e+00, v14  }
0x1ec: {  	v4 =	vmul.f32 v12, v4;
	v12 =	vsub.f32 $2.389244560e+00, v15;
	v15 =	vsub.f32 $2.389244560e+00, v16  }
0x1ed: {  	v7 =	vmul.f32 v9, v7;
	v8 =	vmul.f32 v14, v8  }
0x1ee: {  	v9 =	vmul.f32 v12, v10;
	v10 =	vmul.f32 v15, v11  }
0x1ef: {  	v5 =	vadd.f32 v6, v5;
	v4 =	vadd.f32 v4, v13  }
0x1f0: {  	v6 =	vadd.f32 v8, v7;
	v7 =	vadd.f32 v10, v9  }
0x1f1: {  	v8 =	vor.u32 s23, v3;
	s23 =	smov.u32 s25  }
0x1f2: {  	v4 =	vadd.f32 v4, v5;
	v5 =	vadd.f32 v7, v6  }
0x1f3: {  	s26 =	sadd.s32 $0x100, s26  }
0x1f4: {  	s28 =	sadd.s32 $0x80, s28;
	s24 =	sand.u32 $0x800, s26;
	v4 =	vadd.f32 v5, v4  }
0x1f5: {  	s29 =	sand.u32 $0x380, s28;
	s24 =	sor.u32 s22, s24  }
0x1f6: {  	s24 =	sor.u32 s29, s24;
	[tilespmem:v8+s16+$0x0] =	vst.idx.msk $0xffff, v4  }
0x1f7: {  	v5 =	vld [tilespmem:s24+$0x6180]  }
0x1f8: {  	v6 =	vld [tilespmem:s24+$0x6190]  }
0x1f9: {  	v9 =	vld [tilespmem:s24+$0x61A0]  }
0x1fa: {  	v4 =	vld [tilespmem:s24+$0x61B0]  }
0x1fb: {  	v8 =	vld [tilespmem:s24+$0xA180]  }
0x1fc: {  	v10 =	vld [tilespmem:s24+$0x2180]  }
0x1fd: {  	v11 =	vld [tilespmem:s24+$0xA580]  }
0x1fe: {  	v12 =	vld [tilespmem:s24+$0x2580]  }
0x1ff: {  	v13 =	vld [tilespmem:s24+$0xA190]  }
0x200: {  	v14 =	vld [tilespmem:s24+$0x2190]  }
0x201: {  	v15 =	vld [tilespmem:s24+$0xA590]  }
0x202: {  	v16 =	vld [tilespmem:s24+$0x2590]  }
0x203: {  	v17 =	vld [tilespmem:s24+$0x6580]  }
0x204: {  	v18 =	vmul.f32 v11, v10;
	v19 =	vmul.f32 v8, v12;
	v7 =	vld [tilespmem:s24+$0x61C0]  }
0x205: {  	v20 =	vld [tilespmem:s24+$0x6590]  }
0x206: {  	v8 =	vmul.f32 v8, v10;
	v10 =	vmul.f32 v11, v12;
	v11 =	vadd.f32 v18, v19;
	v12 =	vld [tilespmem:s24+$0x65A0]  }
0x207: {  	v18 =	vmul.f32 v15, v14;
	v19 =	vmul.f32 v13, v16;
	v21 =	vld [tilespmem:s24+$0x65B0]  }
0x208: {  	v8 =	vsub.f32 v8, v10;
	v10 =	vsub.f32 v11, v17;
	v11 =	vld [tilespmem:s24+$0xA1A0]  }
0x209: {  	v13 =	vmul.f32 v13, v14;
	v14 =	vmul.f32 v15, v16;
	v15 =	vadd.f32 v18, v19;
	v16 =	vld [tilespmem:s24+$0x21A0]  }
0x20a: {  	v5 =	vsub.f32 v8, v5;
	v8 =	vmul.f32 v10, v10;
	v10 =	vld [tilespmem:s24+$0xA5A0]  }
0x20b: {  	v13 =	vsub.f32 v13, v14;
	v14 =	vsub.f32 v15, v20;
	v15 =	vld [tilespmem:s24+$0x25A0]  }
0x20c: {  	v5 =	vmul.f32 v5, v5;
	v17 =	vadd.f32 $1.000000000e-30, v8;
	v23 =	vld [tilespmem:s24+$0x65C0]  }
0x20d: {  	v6 =	vsub.f32 v13, v6;
	v13 =	vmul.f32 v14, v14;
	v8 =	vld [tilespmem:s24+$0x65D0]  }
0x20e: {  	v5 =	vadd.f32 v17, v5;
	v14 =	vld [tilespmem:s24+$0xA1B0]  }
0x20f: {  	v6 =	vmul.f32 v6, v6;
	v13 =	vadd.f32 $1.000000000e-30, v13;
	v17 =	vld [tilespmem:s24+$0x21B0]  }
0x210: {  	v19 =	vmul.f32 v10, v16;
	v18 =	vshrl.u32 v5, $0x1;
	v20 =	vmul.f32 v11, v15;
	v22 =	vld [tilespmem:s24+$0xA5B0]  }
0x211: {  	v11 =	vmul.f32 v11, v16;
	v10 =	vmul.f32 v10, v15;
	v6 =	vadd.f32 v13, v6;
	v15 =	vld [tilespmem:s24+$0x25B0]  }
0x212: {  	v13 =	vsub.s32 $0x5F1FFFF9, v18;
	v16 =	vadd.f32 v19, v20;
	v19 =	vld [tilespmem:s24+$0xA1C0]  }
0x213: {  	v5 =	vmul.f32 v13, v5;
	v10 =	vsub.f32 v11, v10;
	v18 =	vshrl.u32 v6, $0x1;
	v20 =	vld [tilespmem:s24+$0x21C0]  }
0x214: {  	v11 =	vsub.s32 $0x5F1FFFF9, v18;
	v12 =	vsub.f32 v16, v12;
	v16 =	vld [tilespmem:s24+$0xA5C0]  }
0x215: {  	v13 =	vmul.f32 v13, v5;
	v10 =	vsub.f32 v10, v9;
	v6 =	vmul.f32 v11, v6;
	v24 =	vld [tilespmem:s24+$0x25C0]  }
0x216: {  	v12 =	vmul.f32 v12, v12;
	v9 =	vld [tilespmem:s24+$0xA1D0]  }
0x217: {  	v25 =	vsub.f32 $2.389244560e+00, v13;
	v10 =	vmul.f32 v10, v10;
	v18 =	vmul.f32 v11, v6;
	v11 =	vld [tilespmem:s24+$0x21D0]  }
0x218: {  	v26 =	vmul.f32 v14, v17;
	v17 =	vmul.f32 v22, v17;
	v12 =	vadd.f32 $1.000000000e-30, v12;
	v13 =	vld [tilespmem:s24+$0xA5D0]  }
0x219: {  	v22 =	vmul.f32 v22, v15;
	v14 =	vmul.f32 v14, v15;
	v27 =	vsub.f32 $2.389244560e+00, v18;
	v15 =	vld [tilespmem:s24+$0x25D0]  }
.Ltmp2:
0x21a: {  	v28 =	vmul.f32 v16, v20;
	v18 =	vadd.f32 v12, v10;
	v29 =	vmul.f32 v19, v24;
	v10 =	vld [tilespmem:s24+$0xA1E0];
	(pc) =	sbr.rel @p1 .LBB2_7-.Ltmp2, $4  }
0x21b: {  	v17 =	vadd.f32 v17, v14;
	v19 =	vmul.f32 v19, v20;
	v16 =	vmul.f32 v16, v24;
	v12 =	vld [tilespmem:s24+$0x21E0]  }
0x21c: {  	v5 =	vmul.f32 v25, v5;
	v20 =	vsub.f32 v26, v22;
	v24 =	vadd.f32 v28, v29;
	v14 =	vld [tilespmem:s24+$0xA5E0]  }
0x21d: {  	v21 =	vsub.f32 v17, v21;
	v25 =	vshrl.u32 v18, $0x1;
	v22 =	vsub.f32 v19, v16;
	v16 =	vld [tilespmem:s24+$0x25E0]  }
0x21e: {  	s25 =	sadd.s32 $0x1, s25;
	v6 =	vmul.f32 v27, v6;
	v19 =	vsub.s32 $0x5F1FFFF9, v25;
	v23 =	vsub.f32 v24, v23;
	v17 =	vld [tilespmem:s24+$0xA1F0]  }
0x21f: {  	v44 =	vmul.f32 v21, v21  }
0x220: {  	v45 =	vld [tilespmem:s24+$0x21F0];
	v18 =	vmul.f32 v19, v18;
	v25 =	vmul.f32 v13, v11  }
0x221: {  	v4 =	vsub.f32 v20, v4;
	v47 =	vld [tilespmem:s24+$0xA5F0];
	v26 =	vmul.f32 v9, v15;
	v49 =	vmul.f32 v9, v11  }
0x222: {  	v7 =	vsub.f32 v22, v7;
	v24 =	vld [tilespmem:s24+$0x25F0];
	v50 =	vmul.f32 v13, v15;
	v46 =	vmul.f32 v23, v23  }
0x223: {  	v59 =	vmul.f32 v10, v12;
	v4 =	vmul.f32 v4, v4  }
0x224: {  	v48 =	vld [tilespmem:s24+$0x61D0];
	v20 =	vadd.f32 $1.000000000e-30, v44;
	v7 =	vmul.f32 v7, v7;
	v52 =	vadd.f32 v25, v26  }
0x225: {  	v53 =	vld [tilespmem:s24+$0x65E0];
	v9 =	vsub.f32 v49, v50;
	v54 =	vmul.f32 v14, v12;
	v22 =	vadd.f32 $1.000000000e-30, v46  }
0x226: {  	v56 =	vld [tilespmem:s24+$0x65F0];
	v55 =	vmul.f32 v10, v16;
	v60 =	vmul.f32 v14, v16;
	v4 =	vadd.f32 v20, v4  }
0x227: {  	v57 =	vld [tilespmem:s24+$0x61E0];
	v8 =	vsub.f32 v52, v8;
	v58 =	vmul.f32 v47, v45;
	v27 =	vmul.f32 v17, v24  }
0x228: {  	v61 =	vld [tilespmem:s24+$0x61F0];
	v7 =	vadd.f32 v22, v7;
	v11 =	vadd.f32 v54, v55;
	v62 =	vmul.f32 v17, v45  }
0x229: {  	v63 =	vmul.f32 v47, v24;
	v10 =	vsub.f32 v59, v60;
	v24 =	vadd.f32 v58, v27  }
0x22a: {  	v51 =	vmul.f32 v19, v18;
	v9 =	vsub.f32 v9, v48;
	v11 =	vsub.f32 v11, v53  }
0x22b: {  	v26 =	vshrl.u32 v4, $0x1;
	v16 =	vsub.f32 v62, v63;
	v28 =	vsub.f32 v24, v56  }
0x22c: {  	v8 =	vmul.f32 v8, v8;
	v27 =	vsub.s32 $0x5F1FFFF9, v26;
	v10 =	vsub.f32 v10, v57  }
0x22d: {  	v11 =	vmul.f32 v11, v11;
	v14 =	vsub.f32 v16, v61;
	v29 =	vmul.f32 v28, v28  }
0x22e: {  	v9 =	vmul.f32 v9, v9;
	v8 =	vadd.f32 $1.000000000e-30, v8;
	v10 =	vmul.f32 v10, v10  }
0x22f: {  	v11 =	vadd.f32 $1.000000000e-30, v11;
	v14 =	vmul.f32 v14, v14;
	v15 =	vadd.f32 $1.000000000e-30, v29  }
0x230: {  	v30 =	vshrl.u32 v7, $0x1;
	v4 =	vmul.f32 v27, v4;
	v8 =	vadd.f32 v8, v9  }
0x231: {  	v31 =	vsub.s32 $0x5F1FFFF9, v30;
	v10 =	vadd.f32 v11, v10;
	v32 =	vadd.f32 v15, v14  }
0x232: {  	v7 =	vmul.f32 v31, v7;
	v12 =	vmul.f32 v27, v4;
	v33 =	vshrl.u32 v8, $0x1  }
0x233: {  	v14 =	vsub.s32 $0x5F1FFFF9, v33;
	v34 =	vshrl.u32 v10, $0x1;
	v35 =	vshrl.u32 v32, $0x1  }
0x234: {  	v8 =	vmul.f32 v14, v8;
	v15 =	vsub.s32 $0x5F1FFFF9, v34;
	v16 =	vsub.s32 $0x5F1FFFF9, v35  }
0x235: {  	v10 =	vmul.f32 v15, v10;
	v11 =	vmul.f32 v16, v32  }
0x236: {  	v13 =	vsub.f32 $2.389244560e+00, v51;
	v9 =	vmul.f32 v31, v7;
	v14 =	vmul.f32 v14, v8  }
0x237: {  	v12 =	vsub.f32 $2.389244560e+00, v12;
	v15 =	vmul.f32 v15, v10;
	v16 =	vmul.f32 v16, v11  }
0x238: {  	v13 =	vmul.f32 v13, v18;
	v9 =	vsub.f32 $2.389244560e+00, v9;
	v14 =	vsub.f32 $2.389244560e+00, v14  }
0x239: {  	v4 =	vmul.f32 v12, v4;
	v36 =	vsub.f32 $2.389244560e+00, v15;
	v37 =	vsub.f32 $2.389244560e+00, v16  }
0x23a: {  	v7 =	vmul.f32 v9, v7;
	v8 =	vmul.f32 v14, v8  }
0x23b: {  	v38 =	vmul.f32 v36, v10;
	v39 =	vmul.f32 v37, v11  }
0x23c: {  	v5 =	vadd.f32 v6, v5;
	v4 =	vadd.f32 v4, v13  }
0x23d: {  	v40 =	vadd.f32 v8, v7;
	v41 =	vadd.f32 v39, v38  }
0x23e: {  	v42 =	vor.u32 s23, v3  }
0x23f: {  	v4 =	vadd.f32 v4, v5;
	v5 =	vadd.f32 v41, v40;
	_ =	sdelay $0x1  }
0x240: {  	v4 =	vadd.f32 v5, v4;
	_ =	sdelay $0x1  }
0x241: {  	[tilespmem:v42+s16+$0x0] =	vst.idx.msk $0xffff, v4  }
0x242: {  	v4 =	vld [tilespmem:$0xC180]  }
0x243: {  	v5 =	vld [tilespmem:$0xC190]  }
0x244: {  	v43 =	vld [tilespmem:$0xC1A0]  }
0x245: {  	v44 =	vld [tilespmem:$0xC1B0]  }
0x246: {  	v8 =	vld [tilespmem:$0xC1C0]  }
0x247: {  	v45 =	vld [tilespmem:$0xC1D0]  }
0x248: {  	v46 =	vld [tilespmem:$0xC1E0]  }
0x249: {  	v47 =	vld [tilespmem:$0xC1F0]  }
0x24a: {  	v48 =	vld [tilespmem:$0xC200]  }
0x24b: {  	v49 =	vld [tilespmem:$0xC210]  }
0x24c: {  	v50 =	vld [tilespmem:$0xC220]  }
0x24d: {  	v51 =	vld [tilespmem:$0xC230]  }
0x24e: {  	v52 =	vld [tilespmem:$0xC240]  }
0x24f: {  	v53 =	vld [tilespmem:$0xC250]  }
0x250: {  	v54 =	vld [tilespmem:$0xC260]  }
0x251: {  	v55 =	vld [tilespmem:$0xC270];
	_ =	sdelay $0x1  }
0x252: {  	v4 =	vadd.f32 v5, v4;
	v5 =	vadd.f32 v44, v43  }
0x253: {  	v56 =	vadd.f32 v45, v8;
	v57 =	vadd.f32 v47, v46  }
0x254: {  	v58 =	vadd.f32 v49, v48;
	v59 =	vadd.f32 v51, v50  }
0x255: {  	v60 =	vadd.f32 v53, v52;
	v61 =	vadd.f32 v55, v54  }
0x256: {  	v4 =	vadd.f32 v5, v4;
	v5 =	vadd.f32 v57, v56  }
0x257: {  	v62 =	vadd.f32 v59, v58;
	v63 =	vadd.f32 v61, v60;
	_ =	sdelay $0x1  }
0x258: {  	v4 =	vadd.f32 v5, v4;
	v5 =	vadd.f32 v63, v62;
	_ =	sdelay $0x1  }
0x259: {  	v4 =	vadd.f32 v5, v4;
	_ =	sdelay $0x1  }
.Ltmp3:
0x25a: {  	v4 =	vmul.f32 $-7.039522520e-01, v4;
	(pc) =	sbr.rel @p0 .LBB2_6-.Ltmp3, $4  }
0x25b: {  	_ = 	snop  }
0x25c: {  	s21 =	sshll.u32 s21, $0x4;
	v4 =	vadd.f32 $1.200000000e+01, v4  }
0x25d: {  	s21 =	sand.u32 $0x3FFFFFF0, s21  }
0x25e: {  	p1 =	por $0x0, $0x0;
	[tilespmem:s21+$0xC2A0] =	vst v4;
	s21 =	simm.s32 $0x1  }
0x25f: {  	v4 =	vld [tilespmem:$0x60];
	_ =	sdelay $0x4  }
0x260: {  	v5 =	vshll.u32 v4, $0x1  }
0x261: {  	v4 =	vand.u32 $0x7, v4;
	v5 =	vand.u32 $0xFFFFFFF0, v5  }
0x262: {  	v4 =	vor.u32 v4, v5  }
0x263: {  	v5 =	vperm.xlane v4, v0;
	_ =	sdelay $0x1  }
0x264: {  	v4 =	vperm.xlane v4, v2;
	v5 =	vadd.s32 v1, v5;
	_ =	sdelay $0x1  }
0x265: {  	v4 =	vadd.s32 v1, v4;
	_ =	sdelay $0x1  }
0x266: {  	s20 =	simm.s32 $0x0;
	s21 =	simm.s32 $0x2180  }
0x267: {  	[tilespmem:s21], [sflag:$0x2] =	stream.indirect_vreg.gather [hbm4b:s1+s20], $0x80, v5, vm0, $0xb8;
	[tilespmem:$0xC300] =	vst v63  }
0x268: {  	s26 =	simm.s32 $0x2980  }
0x269: {  	[tilespmem:s26], [sflag:$0x2] =	stream.indirect_vreg.gather [hbm4b:s1+s20], $0x80, v4, vm0, $0xb8;
	[tilespmem:$0xC300] =	vst v63  }
0x26a: {  	v4 =	vld [tilespmem:$0x70];
	_ =	sdelay $0x4  }
0x26b: {  	v5 =	vshll.u32 v4, $0x1  }
0x26c: {  	v4 =	vand.u32 $0x7, v4;
	v5 =	vand.u32 $0xFFFFFFF0, v5  }
0x26d: {  	v4 =	vor.u32 v4, v5  }
0x26e: {  	v5 =	vperm.xlane v4, v0;
	_ =	sdelay $0x1  }
0x26f: {  	v4 =	vperm.xlane v4, v2;
	v5 =	vadd.s32 v1, v5;
	_ =	sdelay $0x1  }
0x270: {  	v4 =	vadd.s32 v1, v4;
	_ =	sdelay $0x1  }
0x271: {  	s28 =	simm.s32 $0x3180  }
0x272: {  	[tilespmem:s28], [sflag:$0x2] =	stream.indirect_vreg.gather [hbm4b:s1+s20], $0x80, v5, vm0, $0xb8;
	[tilespmem:$0xC300] =	vst v63  }
0x273: {  	s29 =	simm.s32 $0x3980  }
0x274: {  	[tilespmem:s29], [sflag:$0x2] =	stream.indirect_vreg.gather [hbm4b:s1+s20], $0x80, v4, vm0, $0xb8;
	[tilespmem:$0xC300] =	vst v63  }
0x275: {  	v4 =	vld [tilespmem:$0x160];
	_ =	sdelay $0x4  }
0x276: {  	v5 =	vshll.u32 v4, $0x1  }
0x277: {  	v4 =	vand.u32 $0x7, v4;
	v5 =	vand.u32 $0xFFFFFFF0, v5  }
0x278: {  	v4 =	vor.u32 v4, v5  }
0x279: {  	v5 =	vperm.xlane v4, v0;
	_ =	sdelay $0x1  }
0x27a: {  	v4 =	vperm.xlane v4, v2;
	v5 =	vadd.s32 v1, v5;
	_ =	sdelay $0x1  }
0x27b: {  	v4 =	vadd.s32 v1, v4;
	_ =	sdelay $0x2  }
0x27c: {  	[tilespmem:s30], [sflag:$0x2] =	stream.indirect_vreg.gather [hbm4b:s1+s20], $0x80, v5, vm0, $0xb8;
	[tilespmem:$0xC300] =	vst v63  }
0x27d: {  	_ = 	snop  }
0x27e: {  	[tilespmem:s31], [sflag:$0x2] =	stream.indirect_vreg.gather [hbm4b:s1+s20], $0x80, v4, vm0, $0xb8;
	[tilespmem:$0xC300] =	vst v63  }
0x27f: {  	v4 =	vld [tilespmem:$0x170];
	_ =	sdelay $0x4  }
0x280: {  	v5 =	vshll.u32 v4, $0x1  }
0x281: {  	v4 =	vand.u32 $0x7, v4;
	v5 =	vand.u32 $0xFFFFFFF0, v5  }
0x282: {  	v4 =	vor.u32 v4, v5  }
0x283: {  	v5 =	vperm.xlane v4, v0;
	_ =	sdelay $0x1  }
0x284: {  	v4 =	vperm.xlane v4, v2;
	v5 =	vadd.s32 v1, v5;
	_ =	sdelay $0x1  }
0x285: {  	v4 =	vadd.s32 v1, v4;
	_ =	sdelay $0x2  }
0x286: {  	[tilespmem:s0], [sflag:$0x2] =	stream.indirect_vreg.gather [hbm4b:s1+s20], $0x80, v5, vm0, $0xb8;
	[tilespmem:$0xC300] =	vst v63  }
0x287: {  	_ = 	snop  }
0x288: {  	[tilespmem:s2], [sflag:$0x2] =	stream.indirect_vreg.gather [hbm4b:s1+s20], $0x80, v4, vm0, $0xb8;
	[tilespmem:$0xC300] =	vst v63  }
0x289: {  	v4 =	vld [tilespmem:$0xE0];
	_ =	sdelay $0x4  }
0x28a: {  	v5 =	vshll.u32 v4, $0x1  }
0x28b: {  	v4 =	vand.u32 $0x7, v4;
	v5 =	vand.u32 $0xFFFFFFF0, v5  }
0x28c: {  	v4 =	vor.u32 v4, v5  }
0x28d: {  	v5 =	vperm.xlane v4, v0;
	_ =	sdelay $0x1  }
0x28e: {  	v4 =	vperm.xlane v4, v2;
	v5 =	vadd.s32 v1, v5;
	_ =	sdelay $0x1  }
0x28f: {  	v4 =	vadd.s32 v1, v4;
	_ =	sdelay $0x2  }
0x290: {  	[tilespmem:s10], [sflag:$0x2] =	stream.indirect_vreg.gather [hbm4b:s4+s20], $0x80, v5, vm0, $0xb8;
	[tilespmem:$0xC300] =	vst v63  }
0x291: {  	_ = 	snop  }
0x292: {  	[tilespmem:s11], [sflag:$0x2] =	stream.indirect_vreg.gather [hbm4b:s4+s20], $0x80, v4, vm0, $0xb8;
	[tilespmem:$0xC300] =	vst v63  }
0x293: {  	v4 =	vld [tilespmem:$0xF0];
	_ =	sdelay $0x4  }
0x294: {  	v5 =	vshll.u32 v4, $0x1  }
0x295: {  	v4 =	vand.u32 $0x7, v4;
	v5 =	vand.u32 $0xFFFFFFF0, v5  }
0x296: {  	v4 =	vor.u32 v4, v5  }
0x297: {  	v5 =	vperm.xlane v4, v0;
	_ =	sdelay $0x1  }
0x298: {  	v4 =	vperm.xlane v4, v2;
	v5 =	vadd.s32 v1, v5;
	_ =	sdelay $0x1  }
0x299: {  	v4 =	vadd.s32 v1, v4;
	_ =	sdelay $0x2  }
0x29a: {  	[tilespmem:s13], [sflag:$0x2] =	stream.indirect_vreg.gather [hbm4b:s4+s20], $0x80, v5, vm0, $0xb8;
	[tilespmem:$0xC300] =	vst v63  }
0x29b: {  	_ = 	snop  }
0x29c: {  	[tilespmem:s14], [sflag:$0x2] =	stream.indirect_vreg.gather [hbm4b:s4+s20], $0x80, v4, vm0, $0xb8;
	[tilespmem:$0xC300] =	vst v63  }
0x29d: {  	_ =	swait.ge [sflag:s15], $0x2000  }
0x29e: {  	[sflag:s15] =	ssyncset.done $0x0  }
0x29f: {  	[sflag:s15] =	ssyncadd.s32 $0xFFFFE000  }
0x2a0: {  	_ =	swait.ge [sflag:s15], $0x2000  }
0x2a1: {  	[sflag:s15] =	ssyncset.done $0x0  }
0x2a2: {  	[sflag:s15] =	ssyncadd.s32 $0xFFFFE000  }
0x2a3: {  	_ =	swait.ge [sflag:s15], $0x2000  }
0x2a4: {  	[sflag:s15] =	ssyncset.done $0x0  }
0x2a5: {  	p1 =	por $0x1, $0x1;
	s21 =	simm.s32 $0x0;
	[sflag:s15] =	ssyncadd.s32 $0xFFFFE000  }
.LBB2_10:
0x2a6: {  	s22 =	sshll.u32 s21, $0xC;
	s23 =	sand.u32 $0x800, s20  }
0x2a7: {  	s24 =	sand.u32 $0x380, s20;
	s23 =	sor.u32 s22, s23  }
0x2a8: {  	s24 =	sor.u32 s24, s23  }
0x2a9: {  	v5 =	vld [tilespmem:s24+$0x4180]  }
0x2aa: {  	v6 =	vld [tilespmem:s24+$0x4190]  }
0x2ab: {  	v9 =	vld [tilespmem:s24+$0x41A0]  }
0x2ac: {  	v4 =	vld [tilespmem:s24+$0x41B0]  }
0x2ad: {  	v8 =	vld [tilespmem:s24+$0x8180]  }
0x2ae: {  	v10 =	vld [tilespmem:s24+$0x180]  }
0x2af: {  	v11 =	vld [tilespmem:s24+$0x8580]  }
0x2b0: {  	v12 =	vld [tilespmem:s24+$0x580]  }
0x2b1: {  	v13 =	vld [tilespmem:s24+$0x8190]  }
0x2b2: {  	v14 =	vld [tilespmem:s24+$0x190]  }
0x2b3: {  	v15 =	vld [tilespmem:s24+$0x8590]  }
0x2b4: {  	v16 =	vld [tilespmem:s24+$0x590]  }
0x2b5: {  	v17 =	vld [tilespmem:s24+$0x4580]  }
0x2b6: {  	v7 =	vld [tilespmem:s24+$0x41C0];
	v18 =	vmul.f32 v11, v10;
	v19 =	vmul.f32 v8, v12  }
0x2b7: {  	v20 =	vld [tilespmem:s24+$0x4590];
	v8 =	vmul.f32 v8, v10;
	v10 =	vmul.f32 v11, v12  }
0x2b8: {  	v21 =	vld [tilespmem:s24+$0x45B0];
	v11 =	vadd.f32 v18, v19  }
0x2b9: {  	v23 =	vld [tilespmem:s24+$0x45C0];
	v18 =	vmul.f32 v15, v14;
	v19 =	vmul.f32 v13, v16;
	v8 =	vsub.f32 v8, v10  }
0x2ba: {  	v13 =	vmul.f32 v13, v14;
	v14 =	vmul.f32 v15, v16;
	v16 =	vld [tilespmem:s24+$0x1A0];
	v10 =	vsub.f32 v11, v17  }
0x2bb: {  	v11 =	vld [tilespmem:s24+$0x81A0];
	v15 =	vadd.f32 v18, v19  }
0x2bc: {  	v5 =	vsub.f32 v8, v5;
	v8 =	vmul.f32 v10, v10;
	v10 =	vld [tilespmem:s24+$0x85A0]  }
0x2bd: {  	v13 =	vsub.f32 v13, v14;
	v14 =	vsub.f32 v15, v20;
	v15 =	vld [tilespmem:s24+$0x5A0]  }
0x2be: {  	v22 =	vld [tilespmem:s24+$0x85B0];
	v5 =	vmul.f32 v5, v5  }
0x2bf: {  	v24 =	vld [tilespmem:s24+$0x5C0];
	v6 =	vsub.f32 v13, v6;
	v17 =	vadd.f32 $1.000000000e-30, v8;
	v13 =	vmul.f32 v14, v14  }
0x2c0: {  	v14 =	vld [tilespmem:s24+$0x81B0]  }
0x2c1: {  	v6 =	vmul.f32 v6, v6;
	v5 =	vadd.f32 v17, v5;
	v13 =	vadd.f32 $1.000000000e-30, v13;
	v17 =	vld [tilespmem:s24+$0x1B0]  }
0x2c2: {  	v12 =	vld [tilespmem:s24+$0x45A0];
	v19 =	vmul.f32 v10, v16;
	v20 =	vmul.f32 v11, v15  }
0x2c3: {  	v10 =	vmul.f32 v10, v15;
	v15 =	vld [tilespmem:s24+$0x5B0];
	v18 =	vshrl.u32 v5, $0x1;
	v6 =	vadd.f32 v13, v6  }
0x2c4: {  	v8 =	vld [tilespmem:s24+$0x45D0];
	v11 =	vmul.f32 v11, v16;
	v13 =	vsub.s32 $0x5F1FFFF9, v18  }
0x2c5: {  	v16 =	vadd.f32 v19, v20;
	v19 =	vld [tilespmem:s24+$0x81C0];
	v5 =	vmul.f32 v13, v5;
	v18 =	vshrl.u32 v6, $0x1  }
0x2c6: {  	v10 =	vsub.f32 v11, v10;
	v20 =	vld [tilespmem:s24+$0x1C0];
	v11 =	vsub.s32 $0x5F1FFFF9, v18;
	v26 =	vmul.f32 v14, v17  }
0x2c7: {  	v12 =	vsub.f32 v16, v12;
	v16 =	vld [tilespmem:s24+$0x85C0];
	v17 =	vmul.f32 v22, v17;
	v13 =	vmul.f32 v13, v5  }
0x2c8: {  	v10 =	vsub.f32 v10, v9;
	v9 =	vld [tilespmem:s24+$0x81D0];
	v6 =	vmul.f32 v11, v6;
	v22 =	vmul.f32 v22, v15  }
0x2c9: {  	v14 =	vmul.f32 v14, v15;
	v15 =	vld [tilespmem:s24+$0x5D0];
	v12 =	vmul.f32 v12, v12  }
0x2ca: {  	v10 =	vmul.f32 v10, v10;
	v25 =	vsub.f32 $2.389244560e+00, v13;
	v18 =	vmul.f32 v11, v6;
	v11 =	vld [tilespmem:s24+$0x1D0]  }
0x2cb: {  	v13 =	vld [tilespmem:s24+$0x85D0];
	v29 =	vmul.f32 v19, v24;
	v17 =	vadd.f32 v17, v14;
	v12 =	vadd.f32 $1.000000000e-30, v12  }
0x2cc: {  	v19 =	vmul.f32 v19, v20;
	v14 =	vld [tilespmem:s24+$0x85E0];
	v27 =	vsub.f32 $2.389244560e+00, v18;
	v28 =	vmul.f32 v16, v20  }
0x2cd: {  	v16 =	vmul.f32 v16, v24;
	v21 =	vsub.f32 v17, v21;
	v17 =	vld [tilespmem:s24+$0x81F0];
	v18 =	vadd.f32 v12, v10  }
0x2ce: {  	v5 =	vmul.f32 v25, v5;
	v10 =	vld [tilespmem:s24+$0x81E0];
	v62 =	vadd.f32 v28, v29  }
0x2cf: {  	s25 =	simm.s32 $0x1;
	p0 =	por p1, p1;
	v20 =	vsub.f32 v26, v22;
	v12 =	vld [tilespmem:s24+$0x1E0];
	v22 =	vsub.f32 v19, v16;
	v63 =	vshrl.u32 v18, $0x1  }
0x2d0: {  	s26 =	simm.s32 $0x0;
	s28 =	simm.s32 $0x0;
	s23 =	simm.s32 $0x0;
	v16 =	vld [tilespmem:s24+$0x5E0];
	v6 =	vmul.f32 v27, v6;
	v19 =	vsub.s32 $0x5F1FFFF9, v63;
	v23 =	vsub.f32 v62, v23  }
.LBB2_11:
0x2d1: {  	p1 =	sne.s32 s25, $0xF;
	v4 =	vsub.f32 v20, v4;
	v20 =	vmul.f32 v21, v21;
	v7 =	vsub.f32 v22, v7;
	v21 =	vld [tilespmem:s24+$0x1F0]  }
0x2d2: {  	v18 =	vmul.f32 v19, v18;
	v22 =	vmul.f32 v23, v23;
	v23 =	vld [tilespmem:s24+$0x85F0]  }
0x2d3: {  	v4 =	vmul.f32 v4, v4;
	v20 =	vadd.f32 $1.000000000e-30, v20;
	v7 =	vmul.f32 v7, v7;
	v24 =	vld [tilespmem:s24+$0x5F0]  }
0x2d4: {  	v25 =	vmul.f32 v13, v11;
	v26 =	vmul.f32 v9, v15;
	v22 =	vadd.f32 $1.000000000e-30, v22  }
0x2d5: {  	v9 =	vmul.f32 v9, v11;
	v11 =	vmul.f32 v13, v15;
	v4 =	vadd.f32 v20, v4;
	v20 =	vld [tilespmem:s24+$0x41D0]  }
0x2d6: {  	v13 =	vmul.f32 v19, v18;
	v15 =	vadd.f32 v25, v26;
	v7 =	vadd.f32 v22, v7;
	v19 =	vld [tilespmem:s24+$0x45E0]  }
0x2d7: {  	v9 =	vsub.f32 v9, v11;
	v11 =	vmul.f32 v14, v12;
	v22 =	vmul.f32 v10, v16;
	v25 =	vld [tilespmem:s24+$0x45F0]  }
0x2d8: {  	v8 =	vsub.f32 v15, v8;
	v26 =	vmul.f32 v23, v21;
	v15 =	vld [tilespmem:s24+$0x41E0];
	v27 =	vmul.f32 v17, v24  }
0x2d9: {  	v10 =	vmul.f32 v10, v12;
	v12 =	vmul.f32 v14, v16;
	v11 =	vadd.f32 v11, v22;
	v14 =	vld [tilespmem:s24+$0x41F0]  }
0x2da: {  	v16 =	vmul.f32 v17, v21;
	v17 =	vmul.f32 v23, v24;
	v21 =	vadd.f32 v26, v27  }
0x2db: {  	v22 =	vshrl.u32 v4, $0x1;
	v10 =	vsub.f32 v10, v12;
	v11 =	vsub.f32 v11, v19  }
0x2dc: {  	v12 =	vsub.s32 $0x5F1FFFF9, v22;
	v16 =	vsub.f32 v16, v17;
	v17 =	vsub.f32 v21, v25  }
0x2dd: {  	v8 =	vmul.f32 v8, v8;
	v9 =	vsub.f32 v9, v20;
	v10 =	vsub.f32 v10, v15  }
0x2de: {  	v11 =	vmul.f32 v11, v11;
	v14 =	vsub.f32 v16, v14;
	v15 =	vmul.f32 v17, v17  }
0x2df: {  	v8 =	vadd.f32 $1.000000000e-30, v8;
	v9 =	vmul.f32 v9, v9;
	v10 =	vmul.f32 v10, v10  }
0x2e0: {  	v11 =	vadd.f32 $1.000000000e-30, v11;
	v14 =	vmul.f32 v14, v14;
	v15 =	vadd.f32 $1.000000000e-30, v15  }
0x2e1: {  	v4 =	vmul.f32 v12, v4;
	v16 =	vshrl.u32 v7, $0x1;
	v8 =	vadd.f32 v8, v9  }
0x2e2: {  	v9 =	vsub.s32 $0x5F1FFFF9, v16;
	v10 =	vadd.f32 v11, v10;
	v11 =	vadd.f32 v15, v14  }
0x2e3: {  	v12 =	vmul.f32 v12, v4;
	v7 =	vmul.f32 v9, v7;
	v14 =	vshrl.u32 v8, $0x1  }
0x2e4: {  	v14 =	vsub.s32 $0x5F1FFFF9, v14;
	v15 =	vshrl.u32 v10, $0x1;
	v16 =	vshrl.u32 v11, $0x1  }
0x2e5: {  	v8 =	vmul.f32 v14, v8;
	v15 =	vsub.s32 $0x5F1FFFF9, v15;
	v16 =	vsub.s32 $0x5F1FFFF9, v16  }
0x2e6: {  	v10 =	vmul.f32 v15, v10;
	v11 =	vmul.f32 v16, v11  }
0x2e7: {  	v13 =	vsub.f32 $2.389244560e+00, v13;
	v9 =	vmul.f32 v9, v7;
	v14 =	vmul.f32 v14, v8  }
0x2e8: {  	v12 =	vsub.f32 $2.389244560e+00, v12;
	v15 =	vmul.f32 v15, v10;
	v16 =	vmul.f32 v16, v11  }
0x2e9: {  	v13 =	vmul.f32 v13, v18;
	v9 =	vsub.f32 $2.389244560e+00, v9;
	v14 =	vsub.f32 $2.389244560e+00, v14  }
0x2ea: {  	v4 =	vmul.f32 v12, v4;
	v12 =	vsub.f32 $2.389244560e+00, v15;
	v15 =	vsub.f32 $2.389244560e+00, v16  }
0x2eb: {  	v7 =	vmul.f32 v9, v7;
	v8 =	vmul.f32 v14, v8  }
0x2ec: {  	v9 =	vmul.f32 v12, v10;
	v10 =	vmul.f32 v15, v11  }
0x2ed: {  	v5 =	vadd.f32 v6, v5;
	v4 =	vadd.f32 v4, v13  }
0x2ee: {  	v6 =	vadd.f32 v8, v7;
	v7 =	vadd.f32 v10, v9  }
0x2ef: {  	v8 =	vor.u32 s23, v3;
	s23 =	smov.u32 s25  }
0x2f0: {  	v4 =	vadd.f32 v4, v5;
	v5 =	vadd.f32 v7, v6  }
0x2f1: {  	s26 =	sadd.s32 $0x100, s26  }
0x2f2: {  	s28 =	sadd.s32 $0x80, s28;
	s24 =	sand.u32 $0x800, s26;
	v4 =	vadd.f32 v5, v4  }
0x2f3: {  	s29 =	sand.u32 $0x380, s28;
	s24 =	sor.u32 s22, s24  }
0x2f4: {  	s24 =	sor.u32 s29, s24;
	[tilespmem:v8+s16+$0x0] =	vst.idx.msk $0xffff, v4  }
0x2f5: {  	v5 =	vld [tilespmem:s24+$0x4180]  }
0x2f6: {  	v6 =	vld [tilespmem:s24+$0x4190]  }
0x2f7: {  	v9 =	vld [tilespmem:s24+$0x41A0]  }
0x2f8: {  	v4 =	vld [tilespmem:s24+$0x41B0]  }
0x2f9: {  	v8 =	vld [tilespmem:s24+$0x8180]  }
0x2fa: {  	v10 =	vld [tilespmem:s24+$0x180]  }
0x2fb: {  	v11 =	vld [tilespmem:s24+$0x8580]  }
0x2fc: {  	v12 =	vld [tilespmem:s24+$0x580]  }
0x2fd: {  	v13 =	vld [tilespmem:s24+$0x8190]  }
0x2fe: {  	v14 =	vld [tilespmem:s24+$0x190]  }
0x2ff: {  	v15 =	vld [tilespmem:s24+$0x8590]  }
0x300: {  	v16 =	vld [tilespmem:s24+$0x590]  }
0x301: {  	v17 =	vld [tilespmem:s24+$0x4580]  }
0x302: {  	v18 =	vmul.f32 v11, v10;
	v19 =	vmul.f32 v8, v12;
	v7 =	vld [tilespmem:s24+$0x41C0]  }
0x303: {  	v20 =	vld [tilespmem:s24+$0x4590]  }
0x304: {  	v8 =	vmul.f32 v8, v10;
	v10 =	vmul.f32 v11, v12;
	v11 =	vadd.f32 v18, v19;
	v12 =	vld [tilespmem:s24+$0x45A0]  }
0x305: {  	v18 =	vmul.f32 v15, v14;
	v19 =	vmul.f32 v13, v16;
	v21 =	vld [tilespmem:s24+$0x45B0]  }
0x306: {  	v8 =	vsub.f32 v8, v10;
	v10 =	vsub.f32 v11, v17;
	v11 =	vld [tilespmem:s24+$0x81A0]  }
0x307: {  	v13 =	vmul.f32 v13, v14;
	v14 =	vmul.f32 v15, v16;
	v15 =	vadd.f32 v18, v19;
	v16 =	vld [tilespmem:s24+$0x1A0]  }
0x308: {  	v5 =	vsub.f32 v8, v5;
	v8 =	vmul.f32 v10, v10;
	v10 =	vld [tilespmem:s24+$0x85A0]  }
0x309: {  	v13 =	vsub.f32 v13, v14;
	v14 =	vsub.f32 v15, v20;
	v15 =	vld [tilespmem:s24+$0x5A0]  }
0x30a: {  	v5 =	vmul.f32 v5, v5;
	v17 =	vadd.f32 $1.000000000e-30, v8;
	v23 =	vld [tilespmem:s24+$0x45C0]  }
0x30b: {  	v6 =	vsub.f32 v13, v6;
	v13 =	vmul.f32 v14, v14;
	v8 =	vld [tilespmem:s24+$0x45D0]  }
0x30c: {  	v5 =	vadd.f32 v17, v5;
	v14 =	vld [tilespmem:s24+$0x81B0]  }
0x30d: {  	v6 =	vmul.f32 v6, v6;
	v13 =	vadd.f32 $1.000000000e-30, v13;
	v17 =	vld [tilespmem:s24+$0x1B0]  }
0x30e: {  	v19 =	vmul.f32 v10, v16;
	v18 =	vshrl.u32 v5, $0x1;
	v20 =	vmul.f32 v11, v15;
	v22 =	vld [tilespmem:s24+$0x85B0]  }
0x30f: {  	v11 =	vmul.f32 v11, v16;
	v10 =	vmul.f32 v10, v15;
	v6 =	vadd.f32 v13, v6;
	v15 =	vld [tilespmem:s24+$0x5B0]  }
0x310: {  	v13 =	vsub.s32 $0x5F1FFFF9, v18;
	v16 =	vadd.f32 v19, v20;
	v19 =	vld [tilespmem:s24+$0x81C0]  }
0x311: {  	v5 =	vmul.f32 v13, v5;
	v10 =	vsub.f32 v11, v10;
	v18 =	vshrl.u32 v6, $0x1;
	v20 =	vld [tilespmem:s24+$0x1C0]  }
0x312: {  	v11 =	vsub.s32 $0x5F1FFFF9, v18;
	v12 =	vsub.f32 v16, v12;
	v16 =	vld [tilespmem:s24+$0x85C0]  }
0x313: {  	v13 =	vmul.f32 v13, v5;
	v10 =	vsub.f32 v10, v9;
	v6 =	vmul.f32 v11, v6;
	v24 =	vld [tilespmem:s24+$0x5C0]  }
0x314: {  	v12 =	vmul.f32 v12, v12;
	v9 =	vld [tilespmem:s24+$0x81D0]  }
0x315: {  	v25 =	vsub.f32 $2.389244560e+00, v13;
	v10 =	vmul.f32 v10, v10;
	v18 =	vmul.f32 v11, v6;
	v11 =	vld [tilespmem:s24+$0x1D0]  }
0x316: {  	v26 =	vmul.f32 v14, v17;
	v17 =	vmul.f32 v22, v17;
	v12 =	vadd.f32 $1.000000000e-30, v12;
	v13 =	vld [tilespmem:s24+$0x85D0]  }
0x317: {  	v22 =	vmul.f32 v22, v15;
	v14 =	vmul.f32 v14, v15;
	v27 =	vsub.f32 $2.389244560e+00, v18;
	v15 =	vld [tilespmem:s24+$0x5D0]  }
.Ltmp4:
0x318: {  	v28 =	vmul.f32 v16, v20;
	v18 =	vadd.f32 v12, v10;
	v29 =	vmul.f32 v19, v24;
	v10 =	vld [tilespmem:s24+$0x81E0];
	(pc) =	sbr.rel @p1 .LBB2_11-.Ltmp4, $4  }
0x319: {  	v17 =	vadd.f32 v17, v14;
	v19 =	vmul.f32 v19, v20;
	v16 =	vmul.f32 v16, v24;
	v12 =	vld [tilespmem:s24+$0x1E0]  }
0x31a: {  	v5 =	vmul.f32 v25, v5;
	v20 =	vsub.f32 v26, v22;
	v24 =	vadd.f32 v28, v29;
	v14 =	vld [tilespmem:s24+$0x85E0]  }
0x31b: {  	v21 =	vsub.f32 v17, v21;
	v25 =	vshrl.u32 v18, $0x1;
	v22 =	vsub.f32 v19, v16;
	v16 =	vld [tilespmem:s24+$0x5E0]  }
0x31c: {  	s25 =	sadd.s32 $0x1, s25;
	v6 =	vmul.f32 v27, v6;
	v19 =	vsub.s32 $0x5F1FFFF9, v25;
	v23 =	vsub.f32 v24, v23;
	v17 =	vld [tilespmem:s24+$0x81F0]  }
0x31d: {  	v44 =	vmul.f32 v21, v21  }
0x31e: {  	v45 =	vld [tilespmem:s24+$0x1F0];
	v18 =	vmul.f32 v19, v18;
	v25 =	vmul.f32 v13, v11  }
0x31f: {  	v4 =	vsub.f32 v20, v4;
	v47 =	vld [tilespmem:s24+$0x85F0];
	v26 =	vmul.f32 v9, v15;
	v49 =	vmul.f32 v9, v11  }
0x320: {  	v7 =	vsub.f32 v22, v7;
	v24 =	vld [tilespmem:s24+$0x5F0];
	v50 =	vmul.f32 v13, v15;
	v46 =	vmul.f32 v23, v23  }
0x321: {  	v59 =	vmul.f32 v10, v12;
	v4 =	vmul.f32 v4, v4  }
0x322: {  	v48 =	vld [tilespmem:s24+$0x41D0];
	v20 =	vadd.f32 $1.000000000e-30, v44;
	v7 =	vmul.f32 v7, v7;
	v52 =	vadd.f32 v25, v26  }
0x323: {  	v53 =	vld [tilespmem:s24+$0x45E0];
	v9 =	vsub.f32 v49, v50;
	v54 =	vmul.f32 v14, v12;
	v22 =	vadd.f32 $1.000000000e-30, v46  }
0x324: {  	v56 =	vld [tilespmem:s24+$0x45F0];
	v55 =	vmul.f32 v10, v16;
	v60 =	vmul.f32 v14, v16;
	v4 =	vadd.f32 v20, v4  }
0x325: {  	v57 =	vld [tilespmem:s24+$0x41E0];
	v8 =	vsub.f32 v52, v8;
	v58 =	vmul.f32 v47, v45;
	v27 =	vmul.f32 v17, v24  }
0x326: {  	v61 =	vld [tilespmem:s24+$0x41F0];
	v7 =	vadd.f32 v22, v7;
	v11 =	vadd.f32 v54, v55;
	v62 =	vmul.f32 v17, v45  }
0x327: {  	v63 =	vmul.f32 v47, v24;
	v10 =	vsub.f32 v59, v60;
	v24 =	vadd.f32 v58, v27  }
0x328: {  	v51 =	vmul.f32 v19, v18;
	v9 =	vsub.f32 v9, v48;
	v11 =	vsub.f32 v11, v53  }
0x329: {  	v26 =	vshrl.u32 v4, $0x1;
	v16 =	vsub.f32 v62, v63;
	v28 =	vsub.f32 v24, v56  }
0x32a: {  	v8 =	vmul.f32 v8, v8;
	v27 =	vsub.s32 $0x5F1FFFF9, v26;
	v10 =	vsub.f32 v10, v57  }
0x32b: {  	v11 =	vmul.f32 v11, v11;
	v14 =	vsub.f32 v16, v61;
	v29 =	vmul.f32 v28, v28  }
0x32c: {  	v9 =	vmul.f32 v9, v9;
	v8 =	vadd.f32 $1.000000000e-30, v8;
	v10 =	vmul.f32 v10, v10  }
0x32d: {  	v11 =	vadd.f32 $1.000000000e-30, v11;
	v14 =	vmul.f32 v14, v14;
	v15 =	vadd.f32 $1.000000000e-30, v29  }
0x32e: {  	v30 =	vshrl.u32 v7, $0x1;
	v4 =	vmul.f32 v27, v4;
	v8 =	vadd.f32 v8, v9  }
0x32f: {  	v31 =	vsub.s32 $0x5F1FFFF9, v30;
	v10 =	vadd.f32 v11, v10;
	v32 =	vadd.f32 v15, v14  }
0x330: {  	v7 =	vmul.f32 v31, v7;
	v12 =	vmul.f32 v27, v4;
	v33 =	vshrl.u32 v8, $0x1  }
0x331: {  	v14 =	vsub.s32 $0x5F1FFFF9, v33;
	v34 =	vshrl.u32 v10, $0x1;
	v35 =	vshrl.u32 v32, $0x1  }
0x332: {  	v8 =	vmul.f32 v14, v8;
	v15 =	vsub.s32 $0x5F1FFFF9, v34;
	v16 =	vsub.s32 $0x5F1FFFF9, v35  }
0x333: {  	v10 =	vmul.f32 v15, v10;
	v11 =	vmul.f32 v16, v32  }
0x334: {  	v13 =	vsub.f32 $2.389244560e+00, v51;
	v9 =	vmul.f32 v31, v7;
	v14 =	vmul.f32 v14, v8  }
0x335: {  	v12 =	vsub.f32 $2.389244560e+00, v12;
	v15 =	vmul.f32 v15, v10;
	v16 =	vmul.f32 v16, v11  }
0x336: {  	v13 =	vmul.f32 v13, v18;
	v9 =	vsub.f32 $2.389244560e+00, v9;
	v14 =	vsub.f32 $2.389244560e+00, v14  }
0x337: {  	v4 =	vmul.f32 v12, v4;
	v36 =	vsub.f32 $2.389244560e+00, v15;
	v37 =	vsub.f32 $2.389244560e+00, v16  }
0x338: {  	v7 =	vmul.f32 v9, v7;
	v8 =	vmul.f32 v14, v8  }
0x339: {  	v38 =	vmul.f32 v36, v10;
	v39 =	vmul.f32 v37, v11  }
0x33a: {  	v5 =	vadd.f32 v6, v5;
	v4 =	vadd.f32 v4, v13  }
0x33b: {  	v40 =	vadd.f32 v8, v7;
	v41 =	vadd.f32 v39, v38  }
0x33c: {  	v42 =	vor.u32 s23, v3  }
0x33d: {  	v4 =	vadd.f32 v4, v5;
	v5 =	vadd.f32 v41, v40;
	_ =	sdelay $0x1  }
0x33e: {  	v4 =	vadd.f32 v5, v4;
	_ =	sdelay $0x1  }
0x33f: {  	[tilespmem:v42+s16+$0x0] =	vst.idx.msk $0xffff, v4  }
0x340: {  	v4 =	vld [tilespmem:$0xC180]  }
0x341: {  	v5 =	vld [tilespmem:$0xC190]  }
0x342: {  	v43 =	vld [tilespmem:$0xC1A0]  }
0x343: {  	v44 =	vld [tilespmem:$0xC1B0]  }
0x344: {  	v8 =	vld [tilespmem:$0xC1C0]  }
0x345: {  	v45 =	vld [tilespmem:$0xC1D0]  }
0x346: {  	v46 =	vld [tilespmem:$0xC1E0]  }
0x347: {  	v47 =	vld [tilespmem:$0xC1F0]  }
0x348: {  	v48 =	vld [tilespmem:$0xC200]  }
0x349: {  	v49 =	vld [tilespmem:$0xC210]  }
0x34a: {  	v50 =	vld [tilespmem:$0xC220]  }
0x34b: {  	v51 =	vld [tilespmem:$0xC230]  }
0x34c: {  	v52 =	vld [tilespmem:$0xC240]  }
0x34d: {  	v53 =	vld [tilespmem:$0xC250]  }
0x34e: {  	v54 =	vld [tilespmem:$0xC260]  }
0x34f: {  	v55 =	vld [tilespmem:$0xC270];
	_ =	sdelay $0x1  }
0x350: {  	v4 =	vadd.f32 v5, v4;
	v5 =	vadd.f32 v44, v43  }
0x351: {  	v56 =	vadd.f32 v45, v8;
	v57 =	vadd.f32 v47, v46  }
0x352: {  	v58 =	vadd.f32 v49, v48;
	v59 =	vadd.f32 v51, v50  }
0x353: {  	v60 =	vadd.f32 v53, v52;
	v61 =	vadd.f32 v55, v54  }
0x354: {  	v4 =	vadd.f32 v5, v4;
	v5 =	vadd.f32 v57, v56  }
0x355: {  	v62 =	vadd.f32 v59, v58;
	v63 =	vadd.f32 v61, v60;
	_ =	sdelay $0x1  }
0x356: {  	v4 =	vadd.f32 v5, v4;
	v5 =	vadd.f32 v63, v62;
	_ =	sdelay $0x1  }
0x357: {  	v4 =	vadd.f32 v5, v4;
	_ =	sdelay $0x1  }
.Ltmp5:
0x358: {  	v4 =	vmul.f32 $-7.039522520e-01, v4;
	(pc) =	sbr.rel @p0 .LBB2_10-.Ltmp5, $4  }
0x359: {  	_ = 	snop  }
0x35a: {  	s21 =	sshll.u32 s21, $0x4;
	v4 =	vadd.f32 $1.200000000e+01, v4  }
0x35b: {  	s21 =	sand.u32 $0x3FFFFFF0, s21  }
0x35c: {  	p1 =	por $0x0, $0x0;
	[tilespmem:s21+$0xC2C0] =	vst v4;
	s21 =	simm.s32 $0x1  }
0x35d: {  	_ =	swait.ge [sflag:s17], $0x2000  }
0x35e: {  	[sflag:s17] =	ssyncset.done $0x0  }
0x35f: {  	[sflag:s17] =	ssyncadd.s32 $0xFFFFE000  }
0x360: {  	_ =	swait.ge [sflag:s17], $0x2000  }
0x361: {  	[sflag:s17] =	ssyncset.done $0x0  }
0x362: {  	[sflag:s17] =	ssyncadd.s32 $0xFFFFE000  }
0x363: {  	_ =	swait.ge [sflag:s17], $0x2000  }
0x364: {  	s20 =	simm.s32 $0x0;
	[sflag:s17] =	ssyncset.done $0x0  }
0x365: {  	p1 =	por $0x1, $0x1;
	s21 =	simm.s32 $0x0;
	[sflag:s17] =	ssyncadd.s32 $0xFFFFE000  }
.LBB2_14:
0x366: {  	s22 =	sshll.u32 s21, $0xC;
	s23 =	sand.u32 $0x800, s20  }
0x367: {  	s24 =	sand.u32 $0x380, s20;
	s23 =	sor.u32 s22, s23  }
0x368: {  	s24 =	sor.u32 s24, s23  }
0x369: {  	v5 =	vld [tilespmem:s24+$0x6180]  }
0x36a: {  	v6 =	vld [tilespmem:s24+$0x6190]  }
0x36b: {  	v9 =	vld [tilespmem:s24+$0x61A0]  }
0x36c: {  	v4 =	vld [tilespmem:s24+$0x61B0]  }
0x36d: {  	v8 =	vld [tilespmem:s24+$0xA180]  }
0x36e: {  	v10 =	vld [tilespmem:s24+$0x2180]  }
0x36f: {  	v11 =	vld [tilespmem:s24+$0xA580]  }
0x370: {  	v12 =	vld [tilespmem:s24+$0x2580]  }
0x371: {  	v13 =	vld [tilespmem:s24+$0xA190]  }
0x372: {  	v14 =	vld [tilespmem:s24+$0x2190]  }
0x373: {  	v15 =	vld [tilespmem:s24+$0xA590]  }
0x374: {  	v16 =	vld [tilespmem:s24+$0x2590]  }
0x375: {  	v17 =	vld [tilespmem:s24+$0x6580]  }
0x376: {  	v7 =	vld [tilespmem:s24+$0x61C0];
	v18 =	vmul.f32 v11, v10;
	v19 =	vmul.f32 v8, v12  }
0x377: {  	v20 =	vld [tilespmem:s24+$0x6590];
	v8 =	vmul.f32 v8, v10;
	v10 =	vmul.f32 v11, v12  }
0x378: {  	v21 =	vld [tilespmem:s24+$0x65B0];
	v11 =	vadd.f32 v18, v19  }
0x379: {  	v23 =	vld [tilespmem:s24+$0x65C0];
	v18 =	vmul.f32 v15, v14;
	v19 =	vmul.f32 v13, v16;
	v8 =	vsub.f32 v8, v10  }
0x37a: {  	v13 =	vmul.f32 v13, v14;
	v14 =	vmul.f32 v15, v16;
	v16 =	vld [tilespmem:s24+$0x21A0];
	v10 =	vsub.f32 v11, v17  }
0x37b: {  	v11 =	vld [tilespmem:s24+$0xA1A0];
	v15 =	vadd.f32 v18, v19  }
0x37c: {  	v5 =	vsub.f32 v8, v5;
	v8 =	vmul.f32 v10, v10;
	v10 =	vld [tilespmem:s24+$0xA5A0]  }
0x37d: {  	v13 =	vsub.f32 v13, v14;
	v14 =	vsub.f32 v15, v20;
	v15 =	vld [tilespmem:s24+$0x25A0]  }
0x37e: {  	v22 =	vld [tilespmem:s24+$0xA5B0];
	v5 =	vmul.f32 v5, v5  }
0x37f: {  	v24 =	vld [tilespmem:s24+$0x25C0];
	v6 =	vsub.f32 v13, v6;
	v17 =	vadd.f32 $1.000000000e-30, v8;
	v13 =	vmul.f32 v14, v14  }
0x380: {  	v14 =	vld [tilespmem:s24+$0xA1B0]  }
0x381: {  	v6 =	vmul.f32 v6, v6;
	v5 =	vadd.f32 v17, v5;
	v13 =	vadd.f32 $1.000000000e-30, v13;
	v17 =	vld [tilespmem:s24+$0x21B0]  }
0x382: {  	v12 =	vld [tilespmem:s24+$0x65A0];
	v19 =	vmul.f32 v10, v16;
	v20 =	vmul.f32 v11, v15  }
0x383: {  	v10 =	vmul.f32 v10, v15;
	v15 =	vld [tilespmem:s24+$0x25B0];
	v18 =	vshrl.u32 v5, $0x1;
	v6 =	vadd.f32 v13, v6  }
0x384: {  	v8 =	vld [tilespmem:s24+$0x65D0];
	v11 =	vmul.f32 v11, v16;
	v13 =	vsub.s32 $0x5F1FFFF9, v18  }
0x385: {  	v16 =	vadd.f32 v19, v20;
	v19 =	vld [tilespmem:s24+$0xA1C0];
	v5 =	vmul.f32 v13, v5;
	v18 =	vshrl.u32 v6, $0x1  }
0x386: {  	v10 =	vsub.f32 v11, v10;
	v20 =	vld [tilespmem:s24+$0x21C0];
	v11 =	vsub.s32 $0x5F1FFFF9, v18;
	v26 =	vmul.f32 v14, v17  }
0x387: {  	v12 =	vsub.f32 v16, v12;
	v16 =	vld [tilespmem:s24+$0xA5C0];
	v17 =	vmul.f32 v22, v17;
	v13 =	vmul.f32 v13, v5  }
0x388: {  	v10 =	vsub.f32 v10, v9;
	v9 =	vld [tilespmem:s24+$0xA1D0];
	v6 =	vmul.f32 v11, v6;
	v22 =	vmul.f32 v22, v15  }
0x389: {  	v14 =	vmul.f32 v14, v15;
	v15 =	vld [tilespmem:s24+$0x25D0];
	v12 =	vmul.f32 v12, v12  }
0x38a: {  	v10 =	vmul.f32 v10, v10;
	v25 =	vsub.f32 $2.389244560e+00, v13;
	v18 =	vmul.f32 v11, v6;
	v11 =	vld [tilespmem:s24+$0x21D0]  }
0x38b: {  	v13 =	vld [tilespmem:s24+$0xA5D0];
	v29 =	vmul.f32 v19, v24;
	v17 =	vadd.f32 v17, v14;
	v12 =	vadd.f32 $1.000000000e-30, v12  }
0x38c: {  	v19 =	vmul.f32 v19, v20;
	v14 =	vld [tilespmem:s24+$0xA5E0];
	v27 =	vsub.f32 $2.389244560e+00, v18;
	v28 =	vmul.f32 v16, v20  }
0x38d: {  	v16 =	vmul.f32 v16, v24;
	v21 =	vsub.f32 v17, v21;
	v17 =	vld [tilespmem:s24+$0xA1F0];
	v18 =	vadd.f32 v12, v10  }
0x38e: {  	v5 =	vmul.f32 v25, v5;
	v10 =	vld [tilespmem:s24+$0xA1E0];
	v62 =	vadd.f32 v28, v29  }
0x38f: {  	s25 =	simm.s32 $0x1;
	p0 =	por p1, p1;
	v20 =	vsub.f32 v26, v22;
	v12 =	vld [tilespmem:s24+$0x21E0];
	v22 =	vsub.f32 v19, v16;
	v63 =	vshrl.u32 v18, $0x1  }
0x390: {  	s26 =	simm.s32 $0x0;
	s28 =	simm.s32 $0x0;
	s23 =	simm.s32 $0x0;
	v16 =	vld [tilespmem:s24+$0x25E0];
	v6 =	vmul.f32 v27, v6;
	v19 =	vsub.s32 $0x5F1FFFF9, v63;
	v23 =	vsub.f32 v62, v23  }
.LBB2_15:
0x391: {  	p1 =	sne.s32 s25, $0xF;
	v4 =	vsub.f32 v20, v4;
	v20 =	vmul.f32 v21, v21;
	v7 =	vsub.f32 v22, v7;
	v21 =	vld [tilespmem:s24+$0x21F0]  }
0x392: {  	v18 =	vmul.f32 v19, v18;
	v22 =	vmul.f32 v23, v23;
	v23 =	vld [tilespmem:s24+$0xA5F0]  }
0x393: {  	v4 =	vmul.f32 v4, v4;
	v20 =	vadd.f32 $1.000000000e-30, v20;
	v7 =	vmul.f32 v7, v7;
	v24 =	vld [tilespmem:s24+$0x25F0]  }
0x394: {  	v25 =	vmul.f32 v13, v11;
	v26 =	vmul.f32 v9, v15;
	v22 =	vadd.f32 $1.000000000e-30, v22  }
0x395: {  	v9 =	vmul.f32 v9, v11;
	v11 =	vmul.f32 v13, v15;
	v4 =	vadd.f32 v20, v4;
	v20 =	vld [tilespmem:s24+$0x61D0]  }
0x396: {  	v13 =	vmul.f32 v19, v18;
	v15 =	vadd.f32 v25, v26;
	v7 =	vadd.f32 v22, v7;
	v19 =	vld [tilespmem:s24+$0x65E0]  }
0x397: {  	v9 =	vsub.f32 v9, v11;
	v11 =	vmul.f32 v14, v12;
	v22 =	vmul.f32 v10, v16;
	v25 =	vld [tilespmem:s24+$0x65F0]  }
0x398: {  	v8 =	vsub.f32 v15, v8;
	v26 =	vmul.f32 v23, v21;
	v15 =	vld [tilespmem:s24+$0x61E0];
	v27 =	vmul.f32 v17, v24  }
0x399: {  	v10 =	vmul.f32 v10, v12;
	v12 =	vmul.f32 v14, v16;
	v11 =	vadd.f32 v11, v22;
	v14 =	vld [tilespmem:s24+$0x61F0]  }
0x39a: {  	v16 =	vmul.f32 v17, v21;
	v17 =	vmul.f32 v23, v24;
	v21 =	vadd.f32 v26, v27  }
0x39b: {  	v22 =	vshrl.u32 v4, $0x1;
	v10 =	vsub.f32 v10, v12;
	v11 =	vsub.f32 v11, v19  }
0x39c: {  	v12 =	vsub.s32 $0x5F1FFFF9, v22;
	v16 =	vsub.f32 v16, v17;
	v17 =	vsub.f32 v21, v25  }
0x39d: {  	v8 =	vmul.f32 v8, v8;
	v9 =	vsub.f32 v9, v20;
	v10 =	vsub.f32 v10, v15  }
0x39e: {  	v11 =	vmul.f32 v11, v11;
	v14 =	vsub.f32 v16, v14;
	v15 =	vmul.f32 v17, v17  }
0x39f: {  	v8 =	vadd.f32 $1.000000000e-30, v8;
	v9 =	vmul.f32 v9, v9;
	v10 =	vmul.f32 v10, v10  }
0x3a0: {  	v11 =	vadd.f32 $1.000000000e-30, v11;
	v14 =	vmul.f32 v14, v14;
	v15 =	vadd.f32 $1.000000000e-30, v15  }
0x3a1: {  	v4 =	vmul.f32 v12, v4;
	v16 =	vshrl.u32 v7, $0x1;
	v8 =	vadd.f32 v8, v9  }
0x3a2: {  	v9 =	vsub.s32 $0x5F1FFFF9, v16;
	v10 =	vadd.f32 v11, v10;
	v11 =	vadd.f32 v15, v14  }
0x3a3: {  	v12 =	vmul.f32 v12, v4;
	v7 =	vmul.f32 v9, v7;
	v14 =	vshrl.u32 v8, $0x1  }
0x3a4: {  	v14 =	vsub.s32 $0x5F1FFFF9, v14;
	v15 =	vshrl.u32 v10, $0x1;
	v16 =	vshrl.u32 v11, $0x1  }
0x3a5: {  	v8 =	vmul.f32 v14, v8;
	v15 =	vsub.s32 $0x5F1FFFF9, v15;
	v16 =	vsub.s32 $0x5F1FFFF9, v16  }
0x3a6: {  	v10 =	vmul.f32 v15, v10;
	v11 =	vmul.f32 v16, v11  }
0x3a7: {  	v13 =	vsub.f32 $2.389244560e+00, v13;
	v9 =	vmul.f32 v9, v7;
	v14 =	vmul.f32 v14, v8  }
0x3a8: {  	v12 =	vsub.f32 $2.389244560e+00, v12;
	v15 =	vmul.f32 v15, v10;
	v16 =	vmul.f32 v16, v11  }
0x3a9: {  	v13 =	vmul.f32 v13, v18;
	v9 =	vsub.f32 $2.389244560e+00, v9;
	v14 =	vsub.f32 $2.389244560e+00, v14  }
0x3aa: {  	v4 =	vmul.f32 v12, v4;
	v12 =	vsub.f32 $2.389244560e+00, v15;
	v15 =	vsub.f32 $2.389244560e+00, v16  }
0x3ab: {  	v7 =	vmul.f32 v9, v7;
	v8 =	vmul.f32 v14, v8  }
0x3ac: {  	v9 =	vmul.f32 v12, v10;
	v10 =	vmul.f32 v15, v11  }
0x3ad: {  	v5 =	vadd.f32 v6, v5;
	v4 =	vadd.f32 v4, v13  }
0x3ae: {  	v6 =	vadd.f32 v8, v7;
	v7 =	vadd.f32 v10, v9  }
0x3af: {  	v8 =	vor.u32 s23, v3;
	s23 =	smov.u32 s25  }
0x3b0: {  	v4 =	vadd.f32 v4, v5;
	v5 =	vadd.f32 v7, v6  }
0x3b1: {  	s26 =	sadd.s32 $0x100, s26  }
0x3b2: {  	s28 =	sadd.s32 $0x80, s28;
	s24 =	sand.u32 $0x800, s26;
	v4 =	vadd.f32 v5, v4  }
0x3b3: {  	s29 =	sand.u32 $0x380, s28;
	s24 =	sor.u32 s22, s24  }
0x3b4: {  	s24 =	sor.u32 s29, s24;
	[tilespmem:v8+s16+$0x0] =	vst.idx.msk $0xffff, v4  }
0x3b5: {  	v5 =	vld [tilespmem:s24+$0x6180]  }
0x3b6: {  	v6 =	vld [tilespmem:s24+$0x6190]  }
0x3b7: {  	v9 =	vld [tilespmem:s24+$0x61A0]  }
0x3b8: {  	v4 =	vld [tilespmem:s24+$0x61B0]  }
0x3b9: {  	v8 =	vld [tilespmem:s24+$0xA180]  }
0x3ba: {  	v10 =	vld [tilespmem:s24+$0x2180]  }
0x3bb: {  	v11 =	vld [tilespmem:s24+$0xA580]  }
0x3bc: {  	v12 =	vld [tilespmem:s24+$0x2580]  }
0x3bd: {  	v13 =	vld [tilespmem:s24+$0xA190]  }
0x3be: {  	v14 =	vld [tilespmem:s24+$0x2190]  }
0x3bf: {  	v15 =	vld [tilespmem:s24+$0xA590]  }
0x3c0: {  	v16 =	vld [tilespmem:s24+$0x2590]  }
0x3c1: {  	v17 =	vld [tilespmem:s24+$0x6580]  }
0x3c2: {  	v18 =	vmul.f32 v11, v10;
	v19 =	vmul.f32 v8, v12;
	v7 =	vld [tilespmem:s24+$0x61C0]  }
0x3c3: {  	v20 =	vld [tilespmem:s24+$0x6590]  }
0x3c4: {  	v8 =	vmul.f32 v8, v10;
	v10 =	vmul.f32 v11, v12;
	v11 =	vadd.f32 v18, v19;
	v12 =	vld [tilespmem:s24+$0x65A0]  }
0x3c5: {  	v18 =	vmul.f32 v15, v14;
	v19 =	vmul.f32 v13, v16;
	v21 =	vld [tilespmem:s24+$0x65B0]  }
0x3c6: {  	v8 =	vsub.f32 v8, v10;
	v10 =	vsub.f32 v11, v17;
	v11 =	vld [tilespmem:s24+$0xA1A0]  }
0x3c7: {  	v13 =	vmul.f32 v13, v14;
	v14 =	vmul.f32 v15, v16;
	v15 =	vadd.f32 v18, v19;
	v16 =	vld [tilespmem:s24+$0x21A0]  }
0x3c8: {  	v5 =	vsub.f32 v8, v5;
	v8 =	vmul.f32 v10, v10;
	v10 =	vld [tilespmem:s24+$0xA5A0]  }
0x3c9: {  	v13 =	vsub.f32 v13, v14;
	v14 =	vsub.f32 v15, v20;
	v15 =	vld [tilespmem:s24+$0x25A0]  }
0x3ca: {  	v5 =	vmul.f32 v5, v5;
	v17 =	vadd.f32 $1.000000000e-30, v8;
	v23 =	vld [tilespmem:s24+$0x65C0]  }
0x3cb: {  	v6 =	vsub.f32 v13, v6;
	v13 =	vmul.f32 v14, v14;
	v8 =	vld [tilespmem:s24+$0x65D0]  }
0x3cc: {  	v5 =	vadd.f32 v17, v5;
	v14 =	vld [tilespmem:s24+$0xA1B0]  }
0x3cd: {  	v6 =	vmul.f32 v6, v6;
	v13 =	vadd.f32 $1.000000000e-30, v13;
	v17 =	vld [tilespmem:s24+$0x21B0]  }
0x3ce: {  	v19 =	vmul.f32 v10, v16;
	v18 =	vshrl.u32 v5, $0x1;
	v20 =	vmul.f32 v11, v15;
	v22 =	vld [tilespmem:s24+$0xA5B0]  }
0x3cf: {  	v11 =	vmul.f32 v11, v16;
	v10 =	vmul.f32 v10, v15;
	v6 =	vadd.f32 v13, v6;
	v15 =	vld [tilespmem:s24+$0x25B0]  }
0x3d0: {  	v13 =	vsub.s32 $0x5F1FFFF9, v18;
	v16 =	vadd.f32 v19, v20;
	v19 =	vld [tilespmem:s24+$0xA1C0]  }
0x3d1: {  	v5 =	vmul.f32 v13, v5;
	v10 =	vsub.f32 v11, v10;
	v18 =	vshrl.u32 v6, $0x1;
	v20 =	vld [tilespmem:s24+$0x21C0]  }
0x3d2: {  	v11 =	vsub.s32 $0x5F1FFFF9, v18;
	v12 =	vsub.f32 v16, v12;
	v16 =	vld [tilespmem:s24+$0xA5C0]  }
0x3d3: {  	v13 =	vmul.f32 v13, v5;
	v10 =	vsub.f32 v10, v9;
	v6 =	vmul.f32 v11, v6;
	v24 =	vld [tilespmem:s24+$0x25C0]  }
0x3d4: {  	v12 =	vmul.f32 v12, v12;
	v9 =	vld [tilespmem:s24+$0xA1D0]  }
0x3d5: {  	v25 =	vsub.f32 $2.389244560e+00, v13;
	v10 =	vmul.f32 v10, v10;
	v18 =	vmul.f32 v11, v6;
	v11 =	vld [tilespmem:s24+$0x21D0]  }
0x3d6: {  	v26 =	vmul.f32 v14, v17;
	v17 =	vmul.f32 v22, v17;
	v12 =	vadd.f32 $1.000000000e-30, v12;
	v13 =	vld [tilespmem:s24+$0xA5D0]  }
0x3d7: {  	v22 =	vmul.f32 v22, v15;
	v14 =	vmul.f32 v14, v15;
	v27 =	vsub.f32 $2.389244560e+00, v18;
	v15 =	vld [tilespmem:s24+$0x25D0]  }
.Ltmp6:
0x3d8: {  	v28 =	vmul.f32 v16, v20;
	v18 =	vadd.f32 v12, v10;
	v29 =	vmul.f32 v19, v24;
	v10 =	vld [tilespmem:s24+$0xA1E0];
	(pc) =	sbr.rel @p1 .LBB2_15-.Ltmp6, $4  }
0x3d9: {  	v17 =	vadd.f32 v17, v14;
	v19 =	vmul.f32 v19, v20;
	v16 =	vmul.f32 v16, v24;
	v12 =	vld [tilespmem:s24+$0x21E0]  }
0x3da: {  	v5 =	vmul.f32 v25, v5;
	v20 =	vsub.f32 v26, v22;
	v24 =	vadd.f32 v28, v29;
	v14 =	vld [tilespmem:s24+$0xA5E0]  }
0x3db: {  	v21 =	vsub.f32 v17, v21;
	v25 =	vshrl.u32 v18, $0x1;
	v22 =	vsub.f32 v19, v16;
	v16 =	vld [tilespmem:s24+$0x25E0]  }
0x3dc: {  	s25 =	sadd.s32 $0x1, s25;
	v6 =	vmul.f32 v27, v6;
	v19 =	vsub.s32 $0x5F1FFFF9, v25;
	v23 =	vsub.f32 v24, v23;
	v17 =	vld [tilespmem:s24+$0xA1F0]  }
0x3dd: {  	v44 =	vmul.f32 v21, v21  }
0x3de: {  	v45 =	vld [tilespmem:s24+$0x21F0];
	v18 =	vmul.f32 v19, v18;
	v25 =	vmul.f32 v13, v11  }
0x3df: {  	v4 =	vsub.f32 v20, v4;
	v47 =	vld [tilespmem:s24+$0xA5F0];
	v26 =	vmul.f32 v9, v15;
	v49 =	vmul.f32 v9, v11  }
0x3e0: {  	v7 =	vsub.f32 v22, v7;
	v24 =	vld [tilespmem:s24+$0x25F0];
	v50 =	vmul.f32 v13, v15;
	v46 =	vmul.f32 v23, v23  }
0x3e1: {  	v59 =	vmul.f32 v10, v12;
	v4 =	vmul.f32 v4, v4  }
0x3e2: {  	v48 =	vld [tilespmem:s24+$0x61D0];
	v20 =	vadd.f32 $1.000000000e-30, v44;
	v7 =	vmul.f32 v7, v7;
	v52 =	vadd.f32 v25, v26  }
0x3e3: {  	v53 =	vld [tilespmem:s24+$0x65E0];
	v9 =	vsub.f32 v49, v50;
	v54 =	vmul.f32 v14, v12;
	v22 =	vadd.f32 $1.000000000e-30, v46  }
0x3e4: {  	v56 =	vld [tilespmem:s24+$0x65F0];
	v55 =	vmul.f32 v10, v16;
	v60 =	vmul.f32 v14, v16;
	v4 =	vadd.f32 v20, v4  }
0x3e5: {  	v57 =	vld [tilespmem:s24+$0x61E0];
	v8 =	vsub.f32 v52, v8;
	v58 =	vmul.f32 v47, v45;
	v27 =	vmul.f32 v17, v24  }
0x3e6: {  	v61 =	vld [tilespmem:s24+$0x61F0];
	v7 =	vadd.f32 v22, v7;
	v11 =	vadd.f32 v54, v55;
	v62 =	vmul.f32 v17, v45  }
0x3e7: {  	v63 =	vmul.f32 v47, v24;
	v10 =	vsub.f32 v59, v60;
	v24 =	vadd.f32 v58, v27  }
0x3e8: {  	v51 =	vmul.f32 v19, v18;
	v9 =	vsub.f32 v9, v48;
	v11 =	vsub.f32 v11, v53  }
0x3e9: {  	v26 =	vshrl.u32 v4, $0x1;
	v16 =	vsub.f32 v62, v63;
	v28 =	vsub.f32 v24, v56  }
0x3ea: {  	v8 =	vmul.f32 v8, v8;
	v27 =	vsub.s32 $0x5F1FFFF9, v26;
	v10 =	vsub.f32 v10, v57  }
0x3eb: {  	v11 =	vmul.f32 v11, v11;
	v14 =	vsub.f32 v16, v61;
	v29 =	vmul.f32 v28, v28  }
0x3ec: {  	v9 =	vmul.f32 v9, v9;
	v8 =	vadd.f32 $1.000000000e-30, v8;
	v10 =	vmul.f32 v10, v10  }
0x3ed: {  	v11 =	vadd.f32 $1.000000000e-30, v11;
	v14 =	vmul.f32 v14, v14;
	v15 =	vadd.f32 $1.000000000e-30, v29  }
0x3ee: {  	v30 =	vshrl.u32 v7, $0x1;
	v4 =	vmul.f32 v27, v4;
	v8 =	vadd.f32 v8, v9  }
0x3ef: {  	v31 =	vsub.s32 $0x5F1FFFF9, v30;
	v10 =	vadd.f32 v11, v10;
	v32 =	vadd.f32 v15, v14  }
0x3f0: {  	v7 =	vmul.f32 v31, v7;
	v12 =	vmul.f32 v27, v4;
	v33 =	vshrl.u32 v8, $0x1  }
0x3f1: {  	v14 =	vsub.s32 $0x5F1FFFF9, v33;
	v34 =	vshrl.u32 v10, $0x1;
	v35 =	vshrl.u32 v32, $0x1  }
0x3f2: {  	v8 =	vmul.f32 v14, v8;
	v15 =	vsub.s32 $0x5F1FFFF9, v34;
	v16 =	vsub.s32 $0x5F1FFFF9, v35  }
0x3f3: {  	v10 =	vmul.f32 v15, v10;
	v11 =	vmul.f32 v16, v32  }
0x3f4: {  	v13 =	vsub.f32 $2.389244560e+00, v51;
	v9 =	vmul.f32 v31, v7;
	v14 =	vmul.f32 v14, v8  }
0x3f5: {  	v12 =	vsub.f32 $2.389244560e+00, v12;
	v15 =	vmul.f32 v15, v10;
	v16 =	vmul.f32 v16, v11  }
0x3f6: {  	v13 =	vmul.f32 v13, v18;
	v9 =	vsub.f32 $2.389244560e+00, v9;
	v14 =	vsub.f32 $2.389244560e+00, v14  }
0x3f7: {  	v4 =	vmul.f32 v12, v4;
	v36 =	vsub.f32 $2.389244560e+00, v15;
	v37 =	vsub.f32 $2.389244560e+00, v16  }
0x3f8: {  	v7 =	vmul.f32 v9, v7;
	v8 =	vmul.f32 v14, v8  }
0x3f9: {  	v38 =	vmul.f32 v36, v10;
	v39 =	vmul.f32 v37, v11  }
0x3fa: {  	v5 =	vadd.f32 v6, v5;
	v4 =	vadd.f32 v4, v13  }
0x3fb: {  	v40 =	vadd.f32 v8, v7;
	v41 =	vadd.f32 v39, v38  }
0x3fc: {  	v42 =	vor.u32 s23, v3  }
0x3fd: {  	v4 =	vadd.f32 v4, v5;
	v5 =	vadd.f32 v41, v40;
	_ =	sdelay $0x1  }
0x3fe: {  	v4 =	vadd.f32 v5, v4;
	_ =	sdelay $0x1  }
0x3ff: {  	[tilespmem:v42+s16+$0x0] =	vst.idx.msk $0xffff, v4  }
0x400: {  	v4 =	vld [tilespmem:$0xC180]  }
0x401: {  	v5 =	vld [tilespmem:$0xC190]  }
0x402: {  	v43 =	vld [tilespmem:$0xC1A0]  }
0x403: {  	v44 =	vld [tilespmem:$0xC1B0]  }
0x404: {  	v8 =	vld [tilespmem:$0xC1C0]  }
0x405: {  	v45 =	vld [tilespmem:$0xC1D0]  }
0x406: {  	v46 =	vld [tilespmem:$0xC1E0]  }
0x407: {  	v47 =	vld [tilespmem:$0xC1F0]  }
0x408: {  	v48 =	vld [tilespmem:$0xC200]  }
0x409: {  	v49 =	vld [tilespmem:$0xC210]  }
0x40a: {  	v50 =	vld [tilespmem:$0xC220]  }
0x40b: {  	v51 =	vld [tilespmem:$0xC230]  }
0x40c: {  	v52 =	vld [tilespmem:$0xC240]  }
0x40d: {  	v53 =	vld [tilespmem:$0xC250]  }
0x40e: {  	v54 =	vld [tilespmem:$0xC260]  }
0x40f: {  	v55 =	vld [tilespmem:$0xC270];
	_ =	sdelay $0x1  }
0x410: {  	v4 =	vadd.f32 v5, v4;
	v5 =	vadd.f32 v44, v43  }
0x411: {  	v56 =	vadd.f32 v45, v8;
	v57 =	vadd.f32 v47, v46  }
0x412: {  	v58 =	vadd.f32 v49, v48;
	v59 =	vadd.f32 v51, v50  }
0x413: {  	v60 =	vadd.f32 v53, v52;
	v61 =	vadd.f32 v55, v54  }
0x414: {  	v4 =	vadd.f32 v5, v4;
	v5 =	vadd.f32 v57, v56  }
0x415: {  	v62 =	vadd.f32 v59, v58;
	v63 =	vadd.f32 v61, v60;
	_ =	sdelay $0x1  }
0x416: {  	v4 =	vadd.f32 v5, v4;
	v5 =	vadd.f32 v63, v62;
	_ =	sdelay $0x1  }
0x417: {  	v4 =	vadd.f32 v5, v4;
	_ =	sdelay $0x1  }
.Ltmp7:
0x418: {  	v4 =	vmul.f32 $-7.039522520e-01, v4;
	(pc) =	sbr.rel @p0 .LBB2_14-.Ltmp7, $4  }
0x419: {  	_ = 	snop  }
0x41a: {  	s21 =	sshll.u32 s21, $0x4;
	v4 =	vadd.f32 $1.200000000e+01, v4  }
0x41b: {  	s21 =	sand.u32 $0x3FFFFFF0, s21  }
0x41c: {  	p1 =	por $0x0, $0x0;
	[tilespmem:s21+$0xC2E0] =	vst v4;
	s21 =	simm.s32 $0x1  }
0x41d: {  	s19 =	sadd.s32 $0x1, s19  }
0x41e: {  	p0 =	sne.s32 s19, s9  }
.Ltmp8:
0x41f: {  	s20 =	simm.s32 $0xC280;
	(pc) =	sbr.rel @p0 .LBB2_1-.Ltmp8, $4  }
0x420: {  	[hbm4b:s8+s3] =	stream.linear.scatter [tilespmem:s20], [sflag:$0x4], $0x80, $0x38;
	[tilespmem:$0xC300] =	vst v63  }
0x421: {  	_ =	swait.ge [sflag:s18], $0x80  }
0x422: {  	[sflag:s18] =	ssyncset.done $0x0  }
0x423: {  	s29 =	simm.s32 $0x180;
	[sflag:s18] =	ssyncadd.s32 $0xFFFFFF80  }
0x424: {  	_ =	sfence.sel $0x180000  }
0x425: {  	[bflag:$0x0] =	sbarrier.arrive $0xFFFF  }
0x426: {  	_ =	strace $0x90000047  }
0x427: {  	s0 =	stileid.u32;
	[bflag:$0x2] =	sbarrier.arrive $0xFFFF  }
0x428: {  	p0 =	sne.s32 s0, $0x0;
	s0 =	rddreg [dreg:$0x3]  }
0x429: {  	s0 =	sadd.s32 @!p0 $0x100000, s0  }
0x42a: {  	[sflag:s0] =	ssyncadd.tile.s32 @!p0 $0x1;
	_ =	shalt  }
.Lfunc_end2:
_tile_overlayer_lowered:
.L_overlay_start_2:
0x42b: {  	(tag) =	ssettag $0x2  }
0x42c: {  	s0 =	rddreg [dreg:$0x0];
	s2 =	stileid.u32  }
0x42d: {  	s1 =	rddreg [dreg:$0x1];
	p0 =	sne.s32 s2, $0x0  }
0x42e: {  	s3 =	rddreg [dreg:$0x2];
	[bflag:$0x3] =	sbarrier.arrive $0xFFFF;
	s2 =	simm.s32 @!p0 $0x1C04  }
0x42f: {  	[timem:s3], [sflag:s2] =	dma.local @!p0 [hbm:s0], s1  }
0x430: {  	s0 =	simm.s32 @!p0 $0x4  }
0x431: {  	_ =	swait.ge @!p0 [sflag:s0], s1  }
0x432: {  	s1 =	ssub.s32 @!p0 $0x0, s1;
	[sflag:s0] =	ssyncset.done @!p0 $0x0  }
0x433: {  	[sflag:s0] =	ssyncadd.s32 @!p0 s1  }
0x434: {  	[bflag:$0x3] =	sbarrier.arrive $0xFFFF  }
0x435: {  	_ =	shalt  }

</sc_bundles>
